<compile_context>
chip_gen: v7x
topology: tpu7x:2x2x1
jax: 0.10.2.dev20260603
libtpu: 0.0.44.dev20260713+nightly
codegen_flags: <defaults>
</compile_context>

<pallas_src>
import functools

import jax
import jax.numpy as jnp
from jax import lax
from jax.experimental import pallas as pl
from jax.experimental.pallas import tpu as pltpu
from jax.experimental.pallas import tpu_sc as plsc

_NC = 2
_NS = 16
_NW = _NC * _NS
_LANES = 16
_K = 64
_EPS = 1e-5



def _pack_body(x1, x2, o):
    o[...] = jnp.concatenate([x1[...].T, x2[...].T], axis=1)


def _tc_pack(ft, B, C, N, nck=2048):
    Nh = N // 2
    nblk = Nh // nck
    return pl.pallas_call(
        _pack_body,
        grid=(B, nblk),
        in_specs=[
            pl.BlockSpec((C, nck), lambda b, i: (b, i)),
            pl.BlockSpec((C, nck), lambda b, i: (b, i + nblk)),
        ],
        out_specs=pl.BlockSpec((nck, 2 * C), lambda b, i: (b * nblk + i, 0)),
        out_shape=jax.ShapeDtypeStruct((B * Nh, 2 * C), jnp.float32),
    )(ft, ft)



def _sc_gather(fps0, fps1, fps2, fps3, F0p, F1p, F2, F3):
    B, S = fps3.shape
    N1 = fps0.shape[1]
    N0 = N1 * 2
    N2 = fps1.shape[1]
    N3 = fps2.shape[1]
    C = F2.shape[1]
    H = C // 2
    rows_pw = (B * S) // _NW
    halves = S // rows_pw
    nsub = rows_pw // _K

    mesh = plsc.VectorSubcoreMesh(
        core_axis_name="c", subcore_axis_name="s",
        num_cores=_NC, num_subcores=_NS)

    @functools.partial(
        pl.kernel, mesh=mesh,
        compiler_params=pltpu.CompilerParams(
            needs_layout_passes=False, use_tc_tiling_on_sc=True),
        out_type=tuple(
            jax.ShapeDtypeStruct((B * S, C), jnp.float32) for _ in range(4)),
        scratch_types=[
            pltpu.VMEM((N1,), jnp.int32),
            pltpu.VMEM((N2,), jnp.int32),
            pltpu.VMEM((N3,), jnp.int32),
            pltpu.VMEM((rows_pw,), jnp.int32),
            pltpu.VMEM((rows_pw,), jnp.int32),
            pltpu.VMEM((rows_pw,), jnp.int32),
            pltpu.VMEM((rows_pw,), jnp.int32),
            pltpu.VMEM((rows_pw,), jnp.int32),
            pltpu.VMEM((rows_pw,), jnp.int32),
            pltpu.VMEM((rows_pw,), jnp.int32),
            [[pltpu.VMEM((_K, C), jnp.float32) for _ in range(4)]
             for _ in range(2)],
            [pltpu.SemaphoreType.DMA for _ in range(2)],
            [pltpu.SemaphoreType.DMA for _ in range(2)],
        ],
    )
    def k(fps0_h, fps1_h, fps2_h, fps3_h, F0_h, F1_h, F2_h, F3_h,
          G0_h, G1_h, G2_h, G3_h,
          t0, t1, t2, i3, gi3, gi2, gi1, gi0, ho0, ho1, bufs, sg, sw):
        wid = lax.axis_index("s") * _NC + lax.axis_index("c")
        b = wid // halves
        base_local = (wid % halves) * rows_pw
        out_base = b * S + base_local

        pltpu.sync_copy(fps0_h.at[b], t0)
        pltpu.sync_copy(fps1_h.at[b], t1)
        pltpu.sync_copy(fps2_h.at[b], t2)
        pltpu.sync_copy(fps3_h.at[b, pl.ds(base_local, rows_pw)], i3)

        def chain(j, carry):
            off = j * _LANES
            v3 = i3[pl.ds(off, _LANES)]
            v2 = plsc.load_gather(t2, [v3])
            v1 = plsc.load_gather(t1, [v2])
            v0 = plsc.load_gather(t0, [v1])
            gi3[pl.ds(off, _LANES)] = v3 + b * N3
            gi2[pl.ds(off, _LANES)] = v2 + b * N2
            gi1[pl.ds(off, _LANES)] = (v1 & (N1 // 2 - 1)) + b * (N1 // 2)
            gi0[pl.ds(off, _LANES)] = (v0 & (N0 // 2 - 1)) + b * (N0 // 2)
            sh1 = (N1 // 2).bit_length() - 1
            sh0 = (N0 // 2).bit_length() - 1
            ho1[pl.ds(off, _LANES)] = (lax.shift_right_logical(v1, sh1) ^ 1) * H
            ho0[pl.ds(off, _LANES)] = (lax.shift_right_logical(v0, sh0) ^ 1) * H
            return carry
        lax.fori_loop(0, rows_pw // _LANES, chain, 0, unroll=4)

        tabs = (F0_h, F1_h, F2_h, F3_h)
        outs = (G0_h, G1_h, G2_h, G3_h)
        gis = (gi0, gi1, gi2, gi3)
        hos = (ho0, ho1)
        iota16 = lax.iota(jnp.int32, 16)
        zeros16 = jnp.zeros((_LANES,), jnp.float32)

        def fire_gathers(sub, v):
            off = sub * _K
            for t in range(4):
                pltpu.async_copy(
                    tabs[t].at[gis[t].at[pl.ds(off, _K)]], bufs[v][t], sg[v])

        def wait_gathers(v):
            for t in range(4):
                pltpu.make_async_copy(
                    tabs[t].at[pl.ds(0, _K)], bufs[v][t], sg[v]).wait()

        def zero_dead_halves(sub, v):
            off = sub * _K
            for t in range(2):
                buf = bufs[v][t]
                ho = hos[t]
                def zrow(g, carry):
                    rows = g * _LANES + iota16
                    hh = ho[pl.ds(off + g * _LANES, _LANES)]
                    def zcol(cc, carry2):
                        plsc.store_scatter(buf, [rows, hh + cc], zeros16)
                        return carry2
                    lax.fori_loop(0, H, zcol, 0, unroll=16)
                    return carry
                lax.fori_loop(0, _K // _LANES, zrow, 0)

        def fire_writes(sub, v):
            off = out_base + sub * _K
            for t in range(4):
                pltpu.async_copy(bufs[v][t], outs[t].at[pl.ds(off, _K)],
                                 sw[v])

        def wait_writes(v):
            for t in range(4):
                pltpu.make_async_copy(
                    bufs[v][t], outs[t].at[pl.ds(0, _K)], sw[v]).wait()

        fire_gathers(0, 0)

        def gstep(i2, carry):
            v = lax.rem(i2, 2)
            @pl.when(v == 0)
            def _():
                wait_gathers(0)
                zero_dead_halves(i2, 0)
                fire_writes(i2, 0)
            @pl.when(v == 1)
            def _():
                wait_gathers(1)
                zero_dead_halves(i2, 1)
                fire_writes(i2, 1)
            @pl.when(i2 >= 1)
            def _():
                @pl.when(v == 0)
                def _():
                    wait_writes(1)
                @pl.when(v == 1)
                def _():
                    wait_writes(0)
            @pl.when(i2 + 1 < nsub)
            def _():
                @pl.when(v == 0)
                def _():
                    fire_gathers(i2 + 1, 1)
                @pl.when(v == 1)
                def _():
                    fire_gathers(i2 + 1, 0)
            return carry
        lax.fori_loop(0, nsub, gstep, 0)
        if nsub % 2 == 0:
            wait_writes(1)
        else:
            wait_writes(0)

    return k(fps0, fps1, fps2, fps3, F0p, F1p, F2, F3)



_CHUNK = 2048


def _leaky(z):
    return jnp.where(z >= 0, z, 0.2 * z)


def _fused_body(nrows, pred, g0, g1, g2, g3, f4c, w0, w1, w2, w3, w4,
                gam4, bet4, g4v, be4v, out,
                s_scr, sums, sumsq, s4s, s4q):
    p = pl.program_id(0)
    i = pl.program_id(1)
    inv_n = 1.0 / nrows

    @pl.when(jnp.logical_and(p == 0, i == 0))
    def _init():
        sums[...] = jnp.zeros_like(sums)
        sumsq[...] = jnp.zeros_like(sumsq)
        s4s[...] = jnp.zeros_like(s4s)
        s4q[...] = jnp.zeros_like(s4q)

    pairs = ((g0, w0), (g1, w1), (g2, w2), (g3, w3))

    @pl.when(p == 0)
    def _stats():
        for k, (g, w) in enumerate(pairs):
            o = jnp.dot(g[...], w[...], preferred_element_type=jnp.float32)
            sums[k:k + 1, :] += jnp.sum(o, axis=0, keepdims=True)
            sumsq[k:k + 1, :] += jnp.sum(o * o, axis=0, keepdims=True)

    @pl.when(p == 1)
    def _apply():
        acc = f4c[...]
        for k, (g, w) in enumerate(pairs):
            o = jnp.dot(g[...], w[...], preferred_element_type=jnp.float32)
            m = sums[k:k + 1, :] * inv_n
            var = sumsq[k:k + 1, :] * inv_n - m * m
            a = gam4[k:k + 1, :] * lax.rsqrt(var + _EPS)
            acc += _leaky(a * (o - m) + bet4[k:k + 1, :])
        s_scr[pl.ds(i * _CHUNK, _CHUNK), :] = acc
        o4 = jnp.dot(acc, w4[...], preferred_element_type=jnp.float32)
        s4s[...] += jnp.sum(o4, axis=0, keepdims=True)
        s4q[...] += jnp.sum(o4 * o4, axis=0, keepdims=True)

    @pl.when(p == 2)
    def _final():
        sc = s_scr[pl.ds(i * _CHUNK, _CHUNK), :]
        o = jnp.dot(sc, w4[...], preferred_element_type=jnp.float32)
        m = s4s[...] * inv_n
        var = s4q[...] * inv_n - m * m
        a = g4v[...] * lax.rsqrt(var + _EPS)
        res = _leaky(a * (o - m) + be4v[...]) + f4c[...]
        out[...] = jnp.where(pred[0, 0] != 0, res, f4c[...])


def _tc_fused(G0, G1, G2, G3, f4r, W0T, W1T, W2T, W3T, W4T,
              gam4, bet4, g4v, be4v, pred):
    R, C4 = f4r.shape
    nchunks = R // _CHUNK
    blk = lambda c: pl.BlockSpec(
        (_CHUNK, c), lambda p, i: (jnp.where(p == 2, 0, i), 0))
    f4blk = pl.BlockSpec(
        (_CHUNK, C4), lambda p, i: (jnp.where(p == 0, 0, i), 0))
    cblk = lambda a: pl.BlockSpec(a.shape, lambda p, i: (0, 0))
    return pl.pallas_call(
        functools.partial(_fused_body, float(R)),
        grid=(3, nchunks),
        in_specs=[pl.BlockSpec(memory_space=pltpu.SMEM),
                  blk(G0.shape[1]), blk(G1.shape[1]), blk(G2.shape[1]),
                  blk(G3.shape[1]), f4blk,
                  cblk(W0T), cblk(W1T), cblk(W2T), cblk(W3T), cblk(W4T),
                  cblk(gam4), cblk(bet4), cblk(g4v), cblk(be4v)],
        out_specs=pl.BlockSpec(
            (_CHUNK, C4), lambda p, i: (jnp.where(p == 2, i, 0), 0)),
        out_shape=jax.ShapeDtypeStruct((R, C4), jnp.float32),
        scratch_shapes=[
            pltpu.VMEM((R, C4), jnp.float32),
            pltpu.VMEM((4, C4), jnp.float32),
            pltpu.VMEM((4, C4), jnp.float32),
            pltpu.VMEM((1, C4), jnp.float32),
            pltpu.VMEM((1, C4), jnp.float32),
        ],
        compiler_params=pltpu.CompilerParams(
            dimension_semantics=("arbitrary", "arbitrary"),
            vmem_limit_bytes=112 * 1024 * 1024),
    )(pred, G0, G1, G2, G3, f4r, W0T, W1T, W2T, W3T, W4T,
      gam4, bet4, g4v, be4v)



def kernel(num_point, f0, f1, f2, f3, f4, FPS_0, FPS_1, FPS_2, FPS_3,
           W04, b04, g04, be04, W14, b14, g14, be14, W24, b24, g24, be24,
           W34, b34, g34, be34, W4, b4, g4, be4):
    B, N0, C0 = f0.shape
    S = FPS_3.shape[1]
    C4 = f4.shape[2]

    ft0 = jnp.swapaxes(f0, 1, 2).reshape(B * C0, N0)
    N1f, C1 = f1.shape[1], f1.shape[2]
    ft1 = jnp.swapaxes(f1, 1, 2).reshape(B * C1, N1f)
    F0p = _tc_pack(ft0, B, C0, N0)
    F1p = _tc_pack(ft1, B, C1, N1f)
    F2 = f2.reshape(B * f2.shape[1], f2.shape[2])
    F3 = f3.reshape(B * f3.shape[1], f3.shape[2])

    G0, G1, G2, G3 = _sc_gather(
        FPS_0.astype(jnp.int32), FPS_1.astype(jnp.int32),
        FPS_2.astype(jnp.int32), FPS_3.astype(jnp.int32),
        F0p, F1p, F2, F3)

    W0T = jnp.concatenate([W04.T, W04.T], axis=0)
    W1T = jnp.concatenate([W14.T, W14.T], axis=0)
    W2T, W3T, W4T = W24.T, W34.T, W4.T
    gam4 = jnp.stack([g04, g14, g24, g34])
    bet4 = jnp.stack([be04, be14, be24, be34])
    f4r = f4.reshape(B * S, C4)

    pred = (jnp.asarray(num_point, jnp.int32) == 128).astype(jnp.int32)
    f4new = _tc_fused(G0, G1, G2, G3, f4r, W0T, W1T, W2T, W3T, W4T,
                      gam4, bet4, g4.reshape(1, C4), be4.reshape(1, C4),
                      pred.reshape(1, 1))
    return (f0, f1, f2, f3, f4new.reshape(B, S, C4))

# --- scband reference (transcript-rebuilt; emitter-appended) ---
"""Pipeline reference for scband-fuse-75136157876258 (READ-ONLY COPY).

The authoritative reference and input builder live on the scoring server;
editing this copy changes nothing except your own understanding.
"""

import jax, jax.numpy as jnp
import numpy as np


def index_points(points, idx):
    # points: [B, N, C], idx: [B, S] -> [B, S, C]
    return jnp.take_along_axis(points, idx[..., None], axis=1)


def linear_block(x, W, b, g, be):
    # nn.Linear -> BatchNorm1d (training-mode batch stats, bn_flag=False path) -> LeakyReLU(0.2)
    out = jnp.matmul(x, W.T) + b
    mean = jnp.mean(out, axis=(0, 1), keepdims=True)
    var = jnp.var(out, axis=(0, 1), keepdims=True)
    out = g * (out - mean) / jnp.sqrt(var + 1e-5) + be
    return jnp.where(out >= 0, out, 0.2 * out)


def setup_inputs(seed: int = 0) -> dict:
    key = jax.random.key(seed)
    ks = jax.random.split(key, 20)
    B = 16
    c0, c1, c2, c3, c4 = 64, 64, 128, 128, 256
    inp = {}
    inp["num_point"] = 128
    inp["f0"] = jax.random.normal(ks[0], (B, 32768, c0), dtype=jnp.float32)
    inp["f1"] = jax.random.normal(ks[1], (B, 16384, c1), dtype=jnp.float32)
    inp["f2"] = jax.random.normal(ks[2], (B, 8192, c2), dtype=jnp.float32)
    inp["f3"] = jax.random.normal(ks[3], (B, 4096, c3), dtype=jnp.float32)
    inp["f4"] = jax.random.normal(ks[4], (B, 2048, c4), dtype=jnp.float32)
    inp["FPS_0"] = jax.random.randint(ks[5], (B, 16384), 0, 32768)
    inp["FPS_1"] = jax.random.randint(ks[6], (B, 8192), 0, 16384)
    inp["FPS_2"] = jax.random.randint(ks[7], (B, 4096), 0, 8192)
    inp["FPS_3"] = jax.random.randint(ks[8], (B, 2048), 0, 4096)
    cins = {"04": c0, "14": c1, "24": c2, "34": c3, "4": c4}
    i = 9
    for name, cin in cins.items():
        inp["W" + name] = jax.random.normal(ks[i], (c4, cin), dtype=jnp.float32) * 0.02
        inp["b" + name] = jnp.zeros((c4,), dtype=jnp.float32)
        inp["g" + name] = jnp.ones((c4,), dtype=jnp.float32)
        inp["be" + name] = jnp.zeros((c4,), dtype=jnp.float32)
        i += 1
    return inp


def reference(num_point, f0, f1, f2, f3, f4, FPS_0, FPS_1, FPS_2, FPS_3,
              W04, b04, g04, be04, W14, b14, g14, be14, W24, b24, g24, be24,
              W34, b34, g34, be34, W4, b4, g4, be4):
    idx24 = index_points(FPS_2[..., None], FPS_3)[..., 0]
    idx14 = index_points(FPS_1[..., None], idx24)[..., 0]
    idx04 = index_points(FPS_0[..., None], idx14)[..., 0]
    f04 = linear_block(index_points(f0, idx04), W04, b04, g04, be04)
    f14 = linear_block(index_points(f1, idx14), W14, b14, g14, be14)
    f24 = linear_block(index_points(f2, idx24), W24, b24, g24, be24)
    f34 = linear_block(index_points(f3, FPS_3), W34, b34, g34, be34)
    f4_new = linear_block(f4 + f04 + f14 + f24 + f34, W4, b4, g4, be4) + f4
    f4 = jnp.where(num_point == 128, f4_new, f4)
    return (f0, f1, f2, f3, f4)

if __name__ == "__main__":
    import jax
    _d = setup_inputs()
    print(jax.jit(kernel)(*tuple(_d.values())))

</pallas_src>

<mosaic_0001>
#map = affine_map<(d0, d1) -> (0, 0)>
module attributes {stable_mosaic.version = 14 : i64} {
  func.func @k(%arg0: i32, %arg1: i32, %arg2: memref<16x16384xi32, #tpu.memory_space<hbm>>, %arg3: memref<16x8192xi32, #tpu.memory_space<hbm>>, %arg4: memref<16x4096xi32, #tpu.memory_space<hbm>>, %arg5: memref<16x2048xi32, #tpu.memory_space<hbm>>, %arg6: memref<262144x128xf32, #tpu.memory_space<hbm>>, %arg7: memref<131072x128xf32, #tpu.memory_space<hbm>>, %arg8: memref<131072x128xf32, #tpu.memory_space<hbm>>, %arg9: memref<65536x128xf32, #tpu.memory_space<hbm>>, %arg10: memref<32768x128xf32, #tpu.memory_space<hbm>>, %arg11: memref<32768x128xf32, #tpu.memory_space<hbm>>, %arg12: memref<32768x128xf32, #tpu.memory_space<hbm>>, %arg13: memref<32768x128xf32, #tpu.memory_space<hbm>>, %arg14: memref<16384xi32, #tpu.memory_space<vmem>>, %arg15: memref<8192xi32, #tpu.memory_space<vmem>>, %arg16: memref<4096xi32, #tpu.memory_space<vmem>>, %arg17: memref<1024xi32, #tpu.memory_space<vmem>>, %arg18: memref<1024xi32, #tpu.memory_space<vmem>>, %arg19: memref<1024xi32, #tpu.memory_space<vmem>>, %arg20: memref<1024xi32, #tpu.memory_space<vmem>>, %arg21: memref<1024xi32, #tpu.memory_space<vmem>>, %arg22: memref<1024xi32, #tpu.memory_space<vmem>>, %arg23: memref<1024xi32, #tpu.memory_space<vmem>>, %arg24: memref<64x128xf32, #tpu.memory_space<vmem>>, %arg25: memref<64x128xf32, #tpu.memory_space<vmem>>, %arg26: memref<64x128xf32, #tpu.memory_space<vmem>>, %arg27: memref<64x128xf32, #tpu.memory_space<vmem>>, %arg28: memref<64x128xf32, #tpu.memory_space<vmem>>, %arg29: memref<64x128xf32, #tpu.memory_space<vmem>>, %arg30: memref<64x128xf32, #tpu.memory_space<vmem>>, %arg31: memref<64x128xf32, #tpu.memory_space<vmem>>, %arg32: memref<!tpu.dma_semaphore, #tpu.memory_space<semaphore_mem>>, %arg33: memref<!tpu.dma_semaphore, #tpu.memory_space<semaphore_mem>>, %arg34: memref<!tpu.dma_semaphore, #tpu.memory_space<semaphore_mem>>, %arg35: memref<!tpu.dma_semaphore, #tpu.memory_space<semaphore_mem>>) attributes {dimension_semantics = [#tpu.dimension_semantics<core_parallel>, #tpu.dimension_semantics<subcore_parallel>], iteration_bounds = array<i64: 2, 16>, scalar_prefetch = 0 : i64, scratch_operands = 22 : i64, tpu.core_type = #tpu.core_type<sc_vector_subcore>, window_params = [{transform_indices = #map}, {transform_indices = #map}, {transform_indices = #map}, {transform_indices = #map}, {transform_indices = #map}, {transform_indices = #map}, {transform_indices = #map}, {transform_indices = #map}, {transform_indices = #map}, {transform_indices = #map}, {transform_indices = #map}, {transform_indices = #map}]} {
    %mul3A = arith.constant 2 : i32
    %mul3A_0 = arith.muli %arg1, %mul3A : i32
    %add3A = arith.addi %mul3A_0, %arg0 : i32
    %jit3A = arith.constant 2 : i32
    %div3A = arith.divsi %add3A, %jit3A : i32
    %sign3A = arith.constant 0 : i32
    %sign3A_1 = arith.cmpi sgt, %add3A, %sign3A : i32
    %sign3A_2 = arith.extui %sign3A_1 : i1 to i32
    %sign3A_3 = arith.constant 0 : i32
    %sign3A_4 = arith.cmpi slt, %add3A, %sign3A_3 : i32
    %sign3A_5 = arith.extui %sign3A_4 : i1 to i32
    %sign3A_6 = arith.subi %sign3A_2, %sign3A_5 : i32
    %sign3A_7 = arith.constant 0 : i32
    %sign3A_8 = arith.cmpi sgt, %jit3A, %sign3A_7 : i32
    %sign3A_9 = arith.extui %sign3A_8 : i1 to i32
    %sign3A_10 = arith.constant 0 : i32
    %sign3A_11 = arith.cmpi slt, %jit3A, %sign3A_10 : i32
    %sign3A_12 = arith.extui %sign3A_11 : i1 to i32
    %sign3A_13 = arith.subi %sign3A_9, %sign3A_12 : i32
    %ne3A = arith.cmpi ne, %sign3A_6, %sign3A_13 : i32
    %rem3A = arith.remsi %add3A, %jit3A : i32
    %ne3A_14 = arith.constant 0 : i32
    %ne3A_15 = arith.cmpi ne, %rem3A, %ne3A_14 : i32
    %and3A = arith.andi %ne3A, %ne3A_15 : i1
    %sub3A = arith.constant 1 : i32
    %sub3A_16 = arith.subi %div3A, %sub3A : i32
    %select_n3A = arith.select %and3A, %sub3A_16, %div3A : i32
    %jit3A_17 = arith.constant 2 : i32
    %eq3A = arith.constant 0 : i32
    %eq3A_18 = arith.cmpi eq, %jit3A_17, %eq3A : i32
    %jit3A_19 = arith.constant 1 : i32
    %select_n3A_20 = arith.select %eq3A_18, %jit3A_19, %jit3A_17 : i32
    %rem3A_21 = arith.remsi %add3A, %select_n3A_20 : i32
    %ne3A_22 = arith.constant 0 : i32
    %ne3A_23 = arith.cmpi ne, %rem3A_21, %ne3A_22 : i32
    %lt3A = arith.constant 0 : i32
    %lt3A_24 = arith.cmpi slt, %rem3A_21, %lt3A : i32
    %lt3A_25 = arith.constant 0 : i32
    %lt3A_26 = arith.cmpi slt, %select_n3A_20, %lt3A_25 : i32
    %ne3A_27 = arith.xori %lt3A_24, %lt3A_26 : i1
    %and3A_28 = arith.andi %ne3A_27, %ne3A_23 : i1
    %add3A_29 = arith.addi %rem3A_21, %select_n3A_20 : i32
    %select_n3A_30 = arith.select %and3A_28, %add3A_29, %rem3A_21 : i32
    %mul3A_31 = arith.constant 1024 : i32
    %mul3A_32 = arith.muli %select_n3A_30, %mul3A_31 : i32
    %mul3A_33 = arith.constant 2048 : i32
    %mul3A_34 = arith.muli %select_n3A, %mul3A_33 : i32
    %add3A_35 = arith.addi %mul3A_34, %mul3A_32 : i32
    "tpu.region"() ({
      %run_scoped3A = tpu.sem_alloc : memref<!tpu.dma_semaphore, #tpu.memory_space<semaphore_mem>>
      %dma_start3A_90 = arith.constant 0 : i32
      %dma_start3A_91 = tpu.memref_slice %arg2[%select_n3A, %dma_start3A_90] : memref<16x16384xi32, #tpu.memory_space<hbm>> -> memref<1x16384xi32, #tpu.memory_space<hbm>>
      %dma_start3A_92 = tpu.memref_squeeze %dma_start3A_91 : memref<1x16384xi32, #tpu.memory_space<hbm>> -> memref<16384xi32, #tpu.memory_space<hbm>>
      %dma_start3A_93 = arith.constant 0 : i32
      %dma_start3A_94 = tpu.memref_slice %arg2[%select_n3A, %dma_start3A_93] : memref<16x16384xi32, #tpu.memory_space<hbm>> -> memref<1x16384xi32, #tpu.memory_space<hbm>>
      %dma_start3A_95 = tpu.memref_squeeze %dma_start3A_94 : memref<1x16384xi32, #tpu.memory_space<hbm>> -> memref<16384xi32, #tpu.memory_space<hbm>>
      tpu.enqueue_dma source(%dma_start3A_95 : memref<16384xi32, #tpu.memory_space<hbm>>) target(%arg14 : memref<16384xi32, #tpu.memory_space<vmem>>) target_semaphore(%run_scoped3A : memref<!tpu.dma_semaphore, #tpu.memory_space<semaphore_mem>>)
      %dma_wait3A_96 = arith.constant 0 : i32
      %dma_wait3A_97 = tpu.memref_slice %arg2[%select_n3A, %dma_wait3A_96] : memref<16x16384xi32, #tpu.memory_space<hbm>> -> memref<1x16384xi32, #tpu.memory_space<hbm>>
      %dma_wait3A_98 = tpu.memref_squeeze %dma_wait3A_97 : memref<1x16384xi32, #tpu.memory_space<hbm>> -> memref<16384xi32, #tpu.memory_space<hbm>>
      %dma_wait3A_99 = arith.constant 0 : i32
      %dma_wait3A_100 = tpu.memref_slice %arg2[%select_n3A, %dma_wait3A_99] : memref<16x16384xi32, #tpu.memory_space<hbm>> -> memref<1x16384xi32, #tpu.memory_space<hbm>>
      %dma_wait3A_101 = tpu.memref_squeeze %dma_wait3A_100 : memref<1x16384xi32, #tpu.memory_space<hbm>> -> memref<16384xi32, #tpu.memory_space<hbm>>
      tpu.wait_dma2 semaphore(%run_scoped3A : memref<!tpu.dma_semaphore, #tpu.memory_space<semaphore_mem>>) src(%dma_wait3A_101 : memref<16384xi32, #tpu.memory_space<hbm>>) dst(%arg14 : memref<16384xi32, #tpu.memory_space<vmem>>)
      tpu.yield
    }) : () -> ()
    "tpu.region"() ({
      %run_scoped3A = tpu.sem_alloc : memref<!tpu.dma_semaphore, #tpu.memory_space<semaphore_mem>>
      %dma_start3A_90 = arith.constant 0 : i32
      %dma_start3A_91 = tpu.memref_slice %arg3[%select_n3A, %dma_start3A_90] : memref<16x8192xi32, #tpu.memory_space<hbm>> -> memref<1x8192xi32, #tpu.memory_space<hbm>>
      %dma_start3A_92 = tpu.memref_squeeze %dma_start3A_91 : memref<1x8192xi32, #tpu.memory_space<hbm>> -> memref<8192xi32, #tpu.memory_space<hbm>>
      %dma_start3A_93 = arith.constant 0 : i32
      %dma_start3A_94 = tpu.memref_slice %arg3[%select_n3A, %dma_start3A_93] : memref<16x8192xi32, #tpu.memory_space<hbm>> -> memref<1x8192xi32, #tpu.memory_space<hbm>>
      %dma_start3A_95 = tpu.memref_squeeze %dma_start3A_94 : memref<1x8192xi32, #tpu.memory_space<hbm>> -> memref<8192xi32, #tpu.memory_space<hbm>>
      tpu.enqueue_dma source(%dma_start3A_95 : memref<8192xi32, #tpu.memory_space<hbm>>) target(%arg15 : memref<8192xi32, #tpu.memory_space<vmem>>) target_semaphore(%run_scoped3A : memref<!tpu.dma_semaphore, #tpu.memory_space<semaphore_mem>>)
      %dma_wait3A_96 = arith.constant 0 : i32
      %dma_wait3A_97 = tpu.memref_slice %arg3[%select_n3A, %dma_wait3A_96] : memref<16x8192xi32, #tpu.memory_space<hbm>> -> memref<1x8192xi32, #tpu.memory_space<hbm>>
      %dma_wait3A_98 = tpu.memref_squeeze %dma_wait3A_97 : memref<1x8192xi32, #tpu.memory_space<hbm>> -> memref<8192xi32, #tpu.memory_space<hbm>>
      %dma_wait3A_99 = arith.constant 0 : i32
      %dma_wait3A_100 = tpu.memref_slice %arg3[%select_n3A, %dma_wait3A_99] : memref<16x8192xi32, #tpu.memory_space<hbm>> -> memref<1x8192xi32, #tpu.memory_space<hbm>>
      %dma_wait3A_101 = tpu.memref_squeeze %dma_wait3A_100 : memref<1x8192xi32, #tpu.memory_space<hbm>> -> memref<8192xi32, #tpu.memory_space<hbm>>
      tpu.wait_dma2 semaphore(%run_scoped3A : memref<!tpu.dma_semaphore, #tpu.memory_space<semaphore_mem>>) src(%dma_wait3A_101 : memref<8192xi32, #tpu.memory_space<hbm>>) dst(%arg15 : memref<8192xi32, #tpu.memory_space<vmem>>)
      tpu.yield
    }) : () -> ()
    "tpu.region"() ({
      %run_scoped3A = tpu.sem_alloc : memref<!tpu.dma_semaphore, #tpu.memory_space<semaphore_mem>>
      %dma_start3A_90 = arith.constant 0 : i32
      %dma_start3A_91 = tpu.memref_slice %arg4[%select_n3A, %dma_start3A_90] : memref<16x4096xi32, #tpu.memory_space<hbm>> -> memref<1x4096xi32, #tpu.memory_space<hbm>>
      %dma_start3A_92 = tpu.memref_squeeze %dma_start3A_91 : memref<1x4096xi32, #tpu.memory_space<hbm>> -> memref<4096xi32, #tpu.memory_space<hbm>>
      %dma_start3A_93 = arith.constant 0 : i32
      %dma_start3A_94 = tpu.memref_slice %arg4[%select_n3A, %dma_start3A_93] : memref<16x4096xi32, #tpu.memory_space<hbm>> -> memref<1x4096xi32, #tpu.memory_space<hbm>>
      %dma_start3A_95 = tpu.memref_squeeze %dma_start3A_94 : memref<1x4096xi32, #tpu.memory_space<hbm>> -> memref<4096xi32, #tpu.memory_space<hbm>>
      tpu.enqueue_dma source(%dma_start3A_95 : memref<4096xi32, #tpu.memory_space<hbm>>) target(%arg16 : memref<4096xi32, #tpu.memory_space<vmem>>) target_semaphore(%run_scoped3A : memref<!tpu.dma_semaphore, #tpu.memory_space<semaphore_mem>>)
      %dma_wait3A_96 = arith.constant 0 : i32
      %dma_wait3A_97 = tpu.memref_slice %arg4[%select_n3A, %dma_wait3A_96] : memref<16x4096xi32, #tpu.memory_space<hbm>> -> memref<1x4096xi32, #tpu.memory_space<hbm>>
      %dma_wait3A_98 = tpu.memref_squeeze %dma_wait3A_97 : memref<1x4096xi32, #tpu.memory_space<hbm>> -> memref<4096xi32, #tpu.memory_space<hbm>>
      %dma_wait3A_99 = arith.constant 0 : i32
      %dma_wait3A_100 = tpu.memref_slice %arg4[%select_n3A, %dma_wait3A_99] : memref<16x4096xi32, #tpu.memory_space<hbm>> -> memref<1x4096xi32, #tpu.memory_space<hbm>>
      %dma_wait3A_101 = tpu.memref_squeeze %dma_wait3A_100 : memref<1x4096xi32, #tpu.memory_space<hbm>> -> memref<4096xi32, #tpu.memory_space<hbm>>
      tpu.wait_dma2 semaphore(%run_scoped3A : memref<!tpu.dma_semaphore, #tpu.memory_space<semaphore_mem>>) src(%dma_wait3A_101 : memref<4096xi32, #tpu.memory_space<hbm>>) dst(%arg16 : memref<4096xi32, #tpu.memory_space<vmem>>)
      tpu.yield
    }) : () -> ()
    "tpu.region"() ({
      %run_scoped3A = tpu.sem_alloc : memref<!tpu.dma_semaphore, #tpu.memory_space<semaphore_mem>>
      %dma_start3A_90 = tpu.memref_slice %arg5[%select_n3A, %mul3A_32] : memref<16x2048xi32, #tpu.memory_space<hbm>> -> memref<1x1024xi32, #tpu.memory_space<hbm>>
      %dma_start3A_91 = tpu.memref_squeeze %dma_start3A_90 : memref<1x1024xi32, #tpu.memory_space<hbm>> -> memref<1024xi32, #tpu.memory_space<hbm>>
      %dma_start3A_92 = tpu.memref_slice %arg5[%select_n3A, %mul3A_32] : memref<16x2048xi32, #tpu.memory_space<hbm>> -> memref<1x1024xi32, #tpu.memory_space<hbm>>
      %dma_start3A_93 = tpu.memref_squeeze %dma_start3A_92 : memref<1x1024xi32, #tpu.memory_space<hbm>> -> memref<1024xi32, #tpu.memory_space<hbm>>
      tpu.enqueue_dma source(%dma_start3A_93 : memref<1024xi32, #tpu.memory_space<hbm>>) target(%arg17 : memref<1024xi32, #tpu.memory_space<vmem>>) target_semaphore(%run_scoped3A : memref<!tpu.dma_semaphore, #tpu.memory_space<semaphore_mem>>)
      %dma_wait3A_94 = tpu.memref_slice %arg5[%select_n3A, %mul3A_32] : memref<16x2048xi32, #tpu.memory_space<hbm>> -> memref<1x1024xi32, #tpu.memory_space<hbm>>
      %dma_wait3A_95 = tpu.memref_squeeze %dma_wait3A_94 : memref<1x1024xi32, #tpu.memory_space<hbm>> -> memref<1024xi32, #tpu.memory_space<hbm>>
      %dma_wait3A_96 = tpu.memref_slice %arg5[%select_n3A, %mul3A_32] : memref<16x2048xi32, #tpu.memory_space<hbm>> -> memref<1x1024xi32, #tpu.memory_space<hbm>>
      %dma_wait3A_97 = tpu.memref_squeeze %dma_wait3A_96 : memref<1x1024xi32, #tpu.memory_space<hbm>> -> memref<1024xi32, #tpu.memory_space<hbm>>
      tpu.wait_dma2 semaphore(%run_scoped3A : memref<!tpu.dma_semaphore, #tpu.memory_space<semaphore_mem>>) src(%dma_wait3A_97 : memref<1024xi32, #tpu.memory_space<hbm>>) dst(%arg17 : memref<1024xi32, #tpu.memory_space<vmem>>)
      tpu.yield
    }) : () -> ()
    %scan3A = arith.constant 0 : i32
    %scan3A_36 = arith.constant 0 : i32
    %scan3A_37 = arith.constant 64 : i32
    %scan3A_38 = arith.addi %scan3A_36, %scan3A_37 : i32
    %scan3A_39 = arith.constant 4 : i32
    scf.for %scan3A_90 = %scan3A_36 to %scan3A_38 step %scan3A_39  : i32 {
      %mul3A_91 = arith.constant 16 : i32
      %mul3A_92 = arith.muli %scan3A_90, %mul3A_91 : i32
      %get3A = arith.index_cast %mul3A_92 : i32 to index
      %get3A_93 = tpu.vector_load %arg17[%get3A] {strides = array<i32>} : memref<1024xi32, #tpu.memory_space<vmem>>, vector<16xi32>,
      %gather3A = tpu.vector_load_idx %arg16[%get3A_93] : memref<4096xi32, #tpu.memory_space<vmem>>[vector<16xi32>], vector<16xi32>,
      %gather3A_94 = tpu.vector_load_idx %arg15[%gather3A] : memref<8192xi32, #tpu.memory_space<vmem>>[vector<16xi32>], vector<16xi32>,
      %gather3A_95 = tpu.vector_load_idx %arg14[%gather3A_94] : memref<16384xi32, #tpu.memory_space<vmem>>[vector<16xi32>], vector<16xi32>,
      %mul3A_96 = arith.constant 4096 : i32
      %mul3A_97 = arith.muli %select_n3A, %mul3A_96 : i32
      %add3A_98 = vector.broadcast %mul3A_97 : i32 to vector<16xi32>
      %add3A_99 = arith.addi %get3A_93, %add3A_98 : vector<16xi32>
      %swap3A = arith.index_cast %mul3A_92 : i32 to index
      %swap3A_100 = tpu.vector_load %arg18[%swap3A] {strides = array<i32>} : memref<1024xi32, #tpu.memory_space<vmem>>, vector<16xi32>,
      tpu.vector_store %arg18[%swap3A], %add3A_99 {strides = array<i32>} : memref<1024xi32, #tpu.memory_space<vmem>>, vector<16xi32>,
      %mul3A_101 = arith.constant 8192 : i32
      %mul3A_102 = arith.muli %select_n3A, %mul3A_101 : i32
      %add3A_103 = vector.broadcast %mul3A_102 : i32 to vector<16xi32>
      %add3A_104 = arith.addi %gather3A, %add3A_103 : vector<16xi32>
      %swap3A_105 = arith.index_cast %mul3A_92 : i32 to index
      %swap3A_106 = tpu.vector_load %arg19[%swap3A_105] {strides = array<i32>} : memref<1024xi32, #tpu.memory_space<vmem>>, vector<16xi32>,
      tpu.vector_store %arg19[%swap3A_105], %add3A_104 {strides = array<i32>} : memref<1024xi32, #tpu.memory_space<vmem>>, vector<16xi32>,
      %and3A_107 = arith.constant 8191 : i32
      %and3A_108 = vector.broadcast %and3A_107 : i32 to vector<16xi32>
      %and3A_109 = arith.andi %gather3A_94, %and3A_108 : vector<16xi32>
      %mul3A_110 = arith.constant 8192 : i32
      %mul3A_111 = arith.muli %select_n3A, %mul3A_110 : i32
      %add3A_112 = vector.broadcast %mul3A_111 : i32 to vector<16xi32>
      %add3A_113 = arith.addi %and3A_109, %add3A_112 : vector<16xi32>
      %swap3A_114 = arith.index_cast %mul3A_92 : i32 to index
      %swap3A_115 = tpu.vector_load %arg20[%swap3A_114] {strides = array<i32>} : memref<1024xi32, #tpu.memory_space<vmem>>, vector<16xi32>,
      tpu.vector_store %arg20[%swap3A_114], %add3A_113 {strides = array<i32>} : memref<1024xi32, #tpu.memory_space<vmem>>, vector<16xi32>,
      %and3A_116 = arith.constant 16383 : i32
      %and3A_117 = vector.broadcast %and3A_116 : i32 to vector<16xi32>
      %and3A_118 = arith.andi %gather3A_95, %and3A_117 : vector<16xi32>
      %mul3A_119 = arith.constant 16384 : i32
      %mul3A_120 = arith.muli %select_n3A, %mul3A_119 : i32
      %add3A_121 = vector.broadcast %mul3A_120 : i32 to vector<16xi32>
      %add3A_122 = arith.addi %and3A_118, %add3A_121 : vector<16xi32>
      %swap3A_123 = arith.index_cast %mul3A_92 : i32 to index
      %swap3A_124 = tpu.vector_load %arg21[%swap3A_123] {strides = array<i32>} : memref<1024xi32, #tpu.memory_space<vmem>>, vector<16xi32>,
      tpu.vector_store %arg21[%swap3A_123], %add3A_122 {strides = array<i32>} : memref<1024xi32, #tpu.memory_space<vmem>>, vector<16xi32>,
      %shift_right_logical3A = arith.constant 13 : i32
      %shift_right_logical3A_125 = vector.broadcast %shift_right_logical3A : i32 to vector<16xi32>
      %shift_right_logical3A_126 = arith.shrui %gather3A_94, %shift_right_logical3A_125 : vector<16xi32>
      %xor3A = arith.constant 1 : i32
      %xor3A_127 = vector.broadcast %xor3A : i32 to vector<16xi32>
      %xor3A_128 = arith.xori %shift_right_logical3A_126, %xor3A_127 : vector<16xi32>
      %mul3A_129 = arith.constant 64 : i32
      %mul3A_130 = vector.broadcast %mul3A_129 : i32 to vector<16xi32>
      %mul3A_131 = arith.muli %xor3A_128, %mul3A_130 : vector<16xi32>
      %swap3A_132 = arith.index_cast %mul3A_92 : i32 to index
      %swap3A_133 = tpu.vector_load %arg23[%swap3A_132] {strides = array<i32>} : memref<1024xi32, #tpu.memory_space<vmem>>, vector<16xi32>,
      tpu.vector_store %arg23[%swap3A_132], %mul3A_131 {strides = array<i32>} : memref<1024xi32, #tpu.memory_space<vmem>>, vector<16xi32>,
      %shift_right_logical3A_134 = arith.constant 14 : i32
      %shift_right_logical3A_135 = vector.broadcast %shift_right_logical3A_134 : i32 to vector<16xi32>
      %shift_right_logical3A_136 = arith.shrui %gather3A_95, %shift_right_logical3A_135 : vector<16xi32>
      %xor3A_137 = arith.constant 1 : i32
      %xor3A_138 = vector.broadcast %xor3A_137 : i32 to vector<16xi32>
      %xor3A_139 = arith.xori %shift_right_logical3A_136, %xor3A_138 : vector<16xi32>
      %mul3A_140 = arith.constant 64 : i32
      %mul3A_141 = vector.broadcast %mul3A_140 : i32 to vector<16xi32>
      %mul3A_142 = arith.muli %xor3A_139, %mul3A_141 : vector<16xi32>
      %swap3A_143 = arith.index_cast %mul3A_92 : i32 to index
      %swap3A_144 = tpu.vector_load %arg22[%swap3A_143] {strides = array<i32>} : memref<1024xi32, #tpu.memory_space<vmem>>, vector<16xi32>,
      tpu.vector_store %arg22[%swap3A_143], %mul3A_142 {strides = array<i32>} : memref<1024xi32, #tpu.memory_space<vmem>>, vector<16xi32>,
      %scan3A_145 = arith.constant 1 : i32
      %scan3A_146 = arith.addi %scan3A_90, %scan3A_145 : i32
      %mul3A_147 = arith.constant 16 : i32
      %mul3A_148 = arith.muli %scan3A_146, %mul3A_147 : i32
      %get3A_149 = arith.index_cast %mul3A_148 : i32 to index
      %get3A_150 = tpu.vector_load %arg17[%get3A_149] {strides = array<i32>} : memref<1024xi32, #tpu.memory_space<vmem>>, vector<16xi32>,
      %gather3A_151 = tpu.vector_load_idx %arg16[%get3A_150] : memref<4096xi32, #tpu.memory_space<vmem>>[vector<16xi32>], vector<16xi32>,
      %gather3A_152 = tpu.vector_load_idx %arg15[%gather3A_151] : memref<8192xi32, #tpu.memory_space<vmem>>[vector<16xi32>], vector<16xi32>,
      %gather3A_153 = tpu.vector_load_idx %arg14[%gather3A_152] : memref<16384xi32, #tpu.memory_space<vmem>>[vector<16xi32>], vector<16xi32>,
      %mul3A_154 = arith.constant 4096 : i32
      %mul3A_155 = arith.muli %select_n3A, %mul3A_154 : i32
      %add3A_156 = vector.broadcast %mul3A_155 : i32 to vector<16xi32>
      %add3A_157 = arith.addi %get3A_150, %add3A_156 : vector<16xi32>
      %swap3A_158 = arith.index_cast %mul3A_148 : i32 to index
      %swap3A_159 = tpu.vector_load %arg18[%swap3A_158] {strides = array<i32>} : memref<1024xi32, #tpu.memory_space<vmem>>, vector<16xi32>,
      tpu.vector_store %arg18[%swap3A_158], %add3A_157 {strides = array<i32>} : memref<1024xi32, #tpu.memory_space<vmem>>, vector<16xi32>,
      %mul3A_160 = arith.constant 8192 : i32
      %mul3A_161 = arith.muli %select_n3A, %mul3A_160 : i32
      %add3A_162 = vector.broadcast %mul3A_161 : i32 to vector<16xi32>
      %add3A_163 = arith.addi %gather3A_151, %add3A_162 : vector<16xi32>
      %swap3A_164 = arith.index_cast %mul3A_148 : i32 to index
      %swap3A_165 = tpu.vector_load %arg19[%swap3A_164] {strides = array<i32>} : memref<1024xi32, #tpu.memory_space<vmem>>, vector<16xi32>,
      tpu.vector_store %arg19[%swap3A_164], %add3A_163 {strides = array<i32>} : memref<1024xi32, #tpu.memory_space<vmem>>, vector<16xi32>,
      %and3A_166 = arith.constant 8191 : i32
      %and3A_167 = vector.broadcast %and3A_166 : i32 to vector<16xi32>
      %and3A_168 = arith.andi %gather3A_152, %and3A_167 : vector<16xi32>
      %mul3A_169 = arith.constant 8192 : i32
      %mul3A_170 = arith.muli %select_n3A, %mul3A_169 : i32
      %add3A_171 = vector.broadcast %mul3A_170 : i32 to vector<16xi32>
      %add3A_172 = arith.addi %and3A_168, %add3A_171 : vector<16xi32>
      %swap3A_173 = arith.index_cast %mul3A_148 : i32 to index
      %swap3A_174 = tpu.vector_load %arg20[%swap3A_173] {strides = array<i32>} : memref<1024xi32, #tpu.memory_space<vmem>>, vector<16xi32>,
      tpu.vector_store %arg20[%swap3A_173], %add3A_172 {strides = array<i32>} : memref<1024xi32, #tpu.memory_space<vmem>>, vector<16xi32>,
      %and3A_175 = arith.constant 16383 : i32
      %and3A_176 = vector.broadcast %and3A_175 : i32 to vector<16xi32>
      %and3A_177 = arith.andi %gather3A_153, %and3A_176 : vector<16xi32>
      %mul3A_178 = arith.constant 16384 : i32
      %mul3A_179 = arith.muli %select_n3A, %mul3A_178 : i32
      %add3A_180 = vector.broadcast %mul3A_179 : i32 to vector<16xi32>
      %add3A_181 = arith.addi %and3A_177, %add3A_180 : vector<16xi32>
      %swap3A_182 = arith.index_cast %mul3A_148 : i32 to index
      %swap3A_183 = tpu.vector_load %arg21[%swap3A_182] {strides = array<i32>} : memref<1024xi32, #tpu.memory_space<vmem>>, vector<16xi32>,
      tpu.vector_store %arg21[%swap3A_182], %add3A_181 {strides = array<i32>} : memref<1024xi32, #tpu.memory_space<vmem>>, vector<16xi32>,
      %shift_right_logical3A_184 = arith.constant 13 : i32
      %shift_right_logical3A_185 = vector.broadcast %shift_right_logical3A_184 : i32 to vector<16xi32>
      %shift_right_logical3A_186 = arith.shrui %gather3A_152, %shift_right_logical3A_185 : vector<16xi32>
      %xor3A_187 = arith.constant 1 : i32
      %xor3A_188 = vector.broadcast %xor3A_187 : i32 to vector<16xi32>
      %xor3A_189 = arith.xori %shift_right_logical3A_186, %xor3A_188 : vector<16xi32>
      %mul3A_190 = arith.constant 64 : i32
      %mul3A_191 = vector.broadcast %mul3A_190 : i32 to vector<16xi32>
      %mul3A_192 = arith.muli %xor3A_189, %mul3A_191 : vector<16xi32>
      %swap3A_193 = arith.index_cast %mul3A_148 : i32 to index
      %swap3A_194 = tpu.vector_load %arg23[%swap3A_193] {strides = array<i32>} : memref<1024xi32, #tpu.memory_space<vmem>>, vector<16xi32>,
      tpu.vector_store %arg23[%swap3A_193], %mul3A_192 {strides = array<i32>} : memref<1024xi32, #tpu.memory_space<vmem>>, vector<16xi32>,
      %shift_right_logical3A_195 = arith.constant 14 : i32
      %shift_right_logical3A_196 = vector.broadcast %shift_right_logical3A_195 : i32 to vector<16xi32>
      %shift_right_logical3A_197 = arith.shrui %gather3A_153, %shift_right_logical3A_196 : vector<16xi32>
      %xor3A_198 = arith.constant 1 : i32
      %xor3A_199 = vector.broadcast %xor3A_198 : i32 to vector<16xi32>
      %xor3A_200 = arith.xori %shift_right_logical3A_197, %xor3A_199 : vector<16xi32>
      %mul3A_201 = arith.constant 64 : i32
      %mul3A_202 = vector.broadcast %mul3A_201 : i32 to vector<16xi32>
      %mul3A_203 = arith.muli %xor3A_200, %mul3A_202 : vector<16xi32>
      %swap3A_204 = arith.index_cast %mul3A_148 : i32 to index
      %swap3A_205 = tpu.vector_load %arg22[%swap3A_204] {strides = array<i32>} : memref<1024xi32, #tpu.memory_space<vmem>>, vector<16xi32>,
      tpu.vector_store %arg22[%swap3A_204], %mul3A_203 {strides = array<i32>} : memref<1024xi32, #tpu.memory_space<vmem>>, vector<16xi32>,
      %scan3A_206 = arith.constant 2 : i32
      %scan3A_207 = arith.addi %scan3A_90, %scan3A_206 : i32
      %mul3A_208 = arith.constant 16 : i32
      %mul3A_209 = arith.muli %scan3A_207, %mul3A_208 : i32
      %get3A_210 = arith.index_cast %mul3A_209 : i32 to index
      %get3A_211 = tpu.vector_load %arg17[%get3A_210] {strides = array<i32>} : memref<1024xi32, #tpu.memory_space<vmem>>, vector<16xi32>,
      %gather3A_212 = tpu.vector_load_idx %arg16[%get3A_211] : memref<4096xi32, #tpu.memory_space<vmem>>[vector<16xi32>], vector<16xi32>,
      %gather3A_213 = tpu.vector_load_idx %arg15[%gather3A_212] : memref<8192xi32, #tpu.memory_space<vmem>>[vector<16xi32>], vector<16xi32>,
      %gather3A_214 = tpu.vector_load_idx %arg14[%gather3A_213] : memref<16384xi32, #tpu.memory_space<vmem>>[vector<16xi32>], vector<16xi32>,
      %mul3A_215 = arith.constant 4096 : i32
      %mul3A_216 = arith.muli %select_n3A, %mul3A_215 : i32
      %add3A_217 = vector.broadcast %mul3A_216 : i32 to vector<16xi32>
      %add3A_218 = arith.addi %get3A_211, %add3A_217 : vector<16xi32>
      %swap3A_219 = arith.index_cast %mul3A_209 : i32 to index
      %swap3A_220 = tpu.vector_load %arg18[%swap3A_219] {strides = array<i32>} : memref<1024xi32, #tpu.memory_space<vmem>>, vector<16xi32>,
      tpu.vector_store %arg18[%swap3A_219], %add3A_218 {strides = array<i32>} : memref<1024xi32, #tpu.memory_space<vmem>>, vector<16xi32>,
      %mul3A_221 = arith.constant 8192 : i32
      %mul3A_222 = arith.muli %select_n3A, %mul3A_221 : i32
      %add3A_223 = vector.broadcast %mul3A_222 : i32 to vector<16xi32>
      %add3A_224 = arith.addi %gather3A_212, %add3A_223 : vector<16xi32>
      %swap3A_225 = arith.index_cast %mul3A_209 : i32 to index
      %swap3A_226 = tpu.vector_load %arg19[%swap3A_225] {strides = array<i32>} : memref<1024xi32, #tpu.memory_space<vmem>>, vector<16xi32>,
      tpu.vector_store %arg19[%swap3A_225], %add3A_224 {strides = array<i32>} : memref<1024xi32, #tpu.memory_space<vmem>>, vector<16xi32>,
      %and3A_227 = arith.constant 8191 : i32
      %and3A_228 = vector.broadcast %and3A_227 : i32 to vector<16xi32>
      %and3A_229 = arith.andi %gather3A_213, %and3A_228 : vector<16xi32>
      %mul3A_230 = arith.constant 8192 : i32
      %mul3A_231 = arith.muli %select_n3A, %mul3A_230 : i32
      %add3A_232 = vector.broadcast %mul3A_231 : i32 to vector<16xi32>
      %add3A_233 = arith.addi %and3A_229, %add3A_232 : vector<16xi32>
      %swap3A_234 = arith.index_cast %mul3A_209 : i32 to index
      %swap3A_235 = tpu.vector_load %arg20[%swap3A_234] {strides = array<i32>} : memref<1024xi32, #tpu.memory_space<vmem>>, vector<16xi32>,
      tpu.vector_store %arg20[%swap3A_234], %add3A_233 {strides = array<i32>} : memref<1024xi32, #tpu.memory_space<vmem>>, vector<16xi32>,
      %and3A_236 = arith.constant 16383 : i32
      %and3A_237 = vector.broadcast %and3A_236 : i32 to vector<16xi32>
      %and3A_238 = arith.andi %gather3A_214, %and3A_237 : vector<16xi32>
      %mul3A_239 = arith.constant 16384 : i32
      %mul3A_240 = arith.muli %select_n3A, %mul3A_239 : i32
      %add3A_241 = vector.broadcast %mul3A_240 : i32 to vector<16xi32>
      %add3A_242 = arith.addi %and3A_238, %add3A_241 : vector<16xi32>
      %swap3A_243 = arith.index_cast %mul3A_209 : i32 to index
      %swap3A_244 = tpu.vector_load %arg21[%swap3A_243] {strides = array<i32>} : memref<1024xi32, #tpu.memory_space<vmem>>, vector<16xi32>,
      tpu.vector_store %arg21[%swap3A_243], %add3A_242 {strides = array<i32>} : memref<1024xi32, #tpu.memory_space<vmem>>, vector<16xi32>,
      %shift_right_logical3A_245 = arith.constant 13 : i32
      %shift_right_logical3A_246 = vector.broadcast %shift_right_logical3A_245 : i32 to vector<16xi32>
      %shift_right_logical3A_247 = arith.shrui %gather3A_213, %shift_right_logical3A_246 : vector<16xi32>
      %xor3A_248 = arith.constant 1 : i32
      %xor3A_249 = vector.broadcast %xor3A_248 : i32 to vector<16xi32>
      %xor3A_250 = arith.xori %shift_right_logical3A_247, %xor3A_249 : vector<16xi32>
      %mul3A_251 = arith.constant 64 : i32
      %mul3A_252 = vector.broadcast %mul3A_251 : i32 to vector<16xi32>
      %mul3A_253 = arith.muli %xor3A_250, %mul3A_252 : vector<16xi32>
      %swap3A_254 = arith.index_cast %mul3A_209 : i32 to index
      %swap3A_255 = tpu.vector_load %arg23[%swap3A_254] {strides = array<i32>} : memref<1024xi32, #tpu.memory_space<vmem>>, vector<16xi32>,
      tpu.vector_store %arg23[%swap3A_254], %mul3A_253 {strides = array<i32>} : memref<1024xi32, #tpu.memory_space<vmem>>, vector<16xi32>,
      %shift_right_logical3A_256 = arith.constant 14 : i32
      %shift_right_logical3A_257 = vector.broadcast %shift_right_logical3A_256 : i32 to vector<16xi32>
      %shift_right_logical3A_258 = arith.shrui %gather3A_214, %shift_right_logical3A_257 : vector<16xi32>
      %xor3A_259 = arith.constant 1 : i32
      %xor3A_260 = vector.broadcast %xor3A_259 : i32 to vector<16xi32>
      %xor3A_261 = arith.xori %shift_right_logical3A_258, %xor3A_260 : vector<16xi32>
      %mul3A_262 = arith.constant 64 : i32
      %mul3A_263 = vector.broadcast %mul3A_262 : i32 to vector<16xi32>
      %mul3A_264 = arith.muli %xor3A_261, %mul3A_263 : vector<16xi32>
      %swap3A_265 = arith.index_cast %mul3A_209 : i32 to index
      %swap3A_266 = tpu.vector_load %arg22[%swap3A_265] {strides = array<i32>} : memref<1024xi32, #tpu.memory_space<vmem>>, vector<16xi32>,
      tpu.vector_store %arg22[%swap3A_265], %mul3A_264 {strides = array<i32>} : memref<1024xi32, #tpu.memory_space<vmem>>, vector<16xi32>,
      %scan3A_267 = arith.constant 3 : i32
      %scan3A_268 = arith.addi %scan3A_90, %scan3A_267 : i32
      %mul3A_269 = arith.constant 16 : i32
      %mul3A_270 = arith.muli %scan3A_268, %mul3A_269 : i32
      %get3A_271 = arith.index_cast %mul3A_270 : i32 to index
      %get3A_272 = tpu.vector_load %arg17[%get3A_271] {strides = array<i32>} : memref<1024xi32, #tpu.memory_space<vmem>>, vector<16xi32>,
      %gather3A_273 = tpu.vector_load_idx %arg16[%get3A_272] : memref<4096xi32, #tpu.memory_space<vmem>>[vector<16xi32>], vector<16xi32>,
      %gather3A_274 = tpu.vector_load_idx %arg15[%gather3A_273] : memref<8192xi32, #tpu.memory_space<vmem>>[vector<16xi32>], vector<16xi32>,
      %gather3A_275 = tpu.vector_load_idx %arg14[%gather3A_274] : memref<16384xi32, #tpu.memory_space<vmem>>[vector<16xi32>], vector<16xi32>,
      %mul3A_276 = arith.constant 4096 : i32
      %mul3A_277 = arith.muli %select_n3A, %mul3A_276 : i32
      %add3A_278 = vector.broadcast %mul3A_277 : i32 to vector<16xi32>
      %add3A_279 = arith.addi %get3A_272, %add3A_278 : vector<16xi32>
      %swap3A_280 = arith.index_cast %mul3A_270 : i32 to index
      %swap3A_281 = tpu.vector_load %arg18[%swap3A_280] {strides = array<i32>} : memref<1024xi32, #tpu.memory_space<vmem>>, vector<16xi32>,
      tpu.vector_store %arg18[%swap3A_280], %add3A_279 {strides = array<i32>} : memref<1024xi32, #tpu.memory_space<vmem>>, vector<16xi32>,
      %mul3A_282 = arith.constant 8192 : i32
      %mul3A_283 = arith.muli %select_n3A, %mul3A_282 : i32
      %add3A_284 = vector.broadcast %mul3A_283 : i32 to vector<16xi32>
      %add3A_285 = arith.addi %gather3A_273, %add3A_284 : vector<16xi32>
      %swap3A_286 = arith.index_cast %mul3A_270 : i32 to index
      %swap3A_287 = tpu.vector_load %arg19[%swap3A_286] {strides = array<i32>} : memref<1024xi32, #tpu.memory_space<vmem>>, vector<16xi32>,
      tpu.vector_store %arg19[%swap3A_286], %add3A_285 {strides = array<i32>} : memref<1024xi32, #tpu.memory_space<vmem>>, vector<16xi32>,
      %and3A_288 = arith.constant 8191 : i32
      %and3A_289 = vector.broadcast %and3A_288 : i32 to vector<16xi32>
      %and3A_290 = arith.andi %gather3A_274, %and3A_289 : vector<16xi32>
      %mul3A_291 = arith.constant 8192 : i32
      %mul3A_292 = arith.muli %select_n3A, %mul3A_291 : i32
      %add3A_293 = vector.broadcast %mul3A_292 : i32 to vector<16xi32>
      %add3A_294 = arith.addi %and3A_290, %add3A_293 : vector<16xi32>
      %swap3A_295 = arith.index_cast %mul3A_270 : i32 to index
      %swap3A_296 = tpu.vector_load %arg20[%swap3A_295] {strides = array<i32>} : memref<1024xi32, #tpu.memory_space<vmem>>, vector<16xi32>,
      tpu.vector_store %arg20[%swap3A_295], %add3A_294 {strides = array<i32>} : memref<1024xi32, #tpu.memory_space<vmem>>, vector<16xi32>,
      %and3A_297 = arith.constant 16383 : i32
      %and3A_298 = vector.broadcast %and3A_297 : i32 to vector<16xi32>
      %and3A_299 = arith.andi %gather3A_275, %and3A_298 : vector<16xi32>
      %mul3A_300 = arith.constant 16384 : i32
      %mul3A_301 = arith.muli %select_n3A, %mul3A_300 : i32
      %add3A_302 = vector.broadcast %mul3A_301 : i32 to vector<16xi32>
      %add3A_303 = arith.addi %and3A_299, %add3A_302 : vector<16xi32>
      %swap3A_304 = arith.index_cast %mul3A_270 : i32 to index
      %swap3A_305 = tpu.vector_load %arg21[%swap3A_304] {strides = array<i32>} : memref<1024xi32, #tpu.memory_space<vmem>>, vector<16xi32>,
      tpu.vector_store %arg21[%swap3A_304], %add3A_303 {strides = array<i32>} : memref<1024xi32, #tpu.memory_space<vmem>>, vector<16xi32>,
      %shift_right_logical3A_306 = arith.constant 13 : i32
      %shift_right_logical3A_307 = vector.broadcast %shift_right_logical3A_306 : i32 to vector<16xi32>
      %shift_right_logical3A_308 = arith.shrui %gather3A_274, %shift_right_logical3A_307 : vector<16xi32>
      %xor3A_309 = arith.constant 1 : i32
      %xor3A_310 = vector.broadcast %xor3A_309 : i32 to vector<16xi32>
      %xor3A_311 = arith.xori %shift_right_logical3A_308, %xor3A_310 : vector<16xi32>
      %mul3A_312 = arith.constant 64 : i32
      %mul3A_313 = vector.broadcast %mul3A_312 : i32 to vector<16xi32>
      %mul3A_314 = arith.muli %xor3A_311, %mul3A_313 : vector<16xi32>
      %swap3A_315 = arith.index_cast %mul3A_270 : i32 to index
      %swap3A_316 = tpu.vector_load %arg23[%swap3A_315] {strides = array<i32>} : memref<1024xi32, #tpu.memory_space<vmem>>, vector<16xi32>,
      tpu.vector_store %arg23[%swap3A_315], %mul3A_314 {strides = array<i32>} : memref<1024xi32, #tpu.memory_space<vmem>>, vector<16xi32>,
      %shift_right_logical3A_317 = arith.constant 14 : i32
      %shift_right_logical3A_318 = vector.broadcast %shift_right_logical3A_317 : i32 to vector<16xi32>
      %shift_right_logical3A_319 = arith.shrui %gather3A_275, %shift_right_logical3A_318 : vector<16xi32>
      %xor3A_320 = arith.constant 1 : i32
      %xor3A_321 = vector.broadcast %xor3A_320 : i32 to vector<16xi32>
      %xor3A_322 = arith.xori %shift_right_logical3A_319, %xor3A_321 : vector<16xi32>
      %mul3A_323 = arith.constant 64 : i32
      %mul3A_324 = vector.broadcast %mul3A_323 : i32 to vector<16xi32>
      %mul3A_325 = arith.muli %xor3A_322, %mul3A_324 : vector<16xi32>
      %swap3A_326 = arith.index_cast %mul3A_270 : i32 to index
      %swap3A_327 = tpu.vector_load %arg22[%swap3A_326] {strides = array<i32>} : memref<1024xi32, #tpu.memory_space<vmem>>, vector<16xi32>,
      tpu.vector_store %arg22[%swap3A_326], %mul3A_325 {strides = array<i32>} : memref<1024xi32, #tpu.memory_space<vmem>>, vector<16xi32>,
    }
    %scan3A_40 = arith.constant 64 : i32
    %iota3A = tpu.iota {dimensions = array<i32: 0>} : vector<16xi32>
    %broadcast_in_dim3A = arith.constant 0.000000e+00 : f32
    %broadcast_in_dim3A_41 = vector.broadcast %broadcast_in_dim3A : f32 to vector<16xf32>
    %dma_start3A = arith.constant 0 : i32
    %dma_start3A_42 = tpu.memref_slice %arg21[%dma_start3A] : memref<1024xi32, #tpu.memory_space<vmem>> -> memref<64xi32, #tpu.memory_space<vmem>>
    %dma_start3A_43 = arith.constant 0 : i32
    %dma_start3A_44 = arith.constant 0 : i32
    %dma_start3A_45 = tpu.memref_slice %arg6[%dma_start3A_43, %dma_start3A_44] : memref<262144x128xf32, #tpu.memory_space<hbm>> -> memref<262144x128xf32, #tpu.memory_space<hbm>>
    tpu.enqueue_indirect_dma source(%dma_start3A_45 : memref<262144x128xf32, #tpu.memory_space<hbm>>) target(%arg24 : memref<64x128xf32, #tpu.memory_space<vmem>>) offsets(%dma_start3A_42 : memref<64xi32, #tpu.memory_space<vmem>>) semaphore(%arg32 : memref<!tpu.dma_semaphore, #tpu.memory_space<semaphore_mem>>)
    %dma_start3A_46 = arith.constant 0 : i32
    %dma_start3A_47 = tpu.memref_slice %arg20[%dma_start3A_46] : memref<1024xi32, #tpu.memory_space<vmem>> -> memref<64xi32, #tpu.memory_space<vmem>>
    %dma_start3A_48 = arith.constant 0 : i32
    %dma_start3A_49 = arith.constant 0 : i32
    %dma_start3A_50 = tpu.memref_slice %arg7[%dma_start3A_48, %dma_start3A_49] : memref<131072x128xf32, #tpu.memory_space<hbm>> -> memref<131072x128xf32, #tpu.memory_space<hbm>>
    tpu.enqueue_indirect_dma source(%dma_start3A_50 : memref<131072x128xf32, #tpu.memory_space<hbm>>) target(%arg25 : memref<64x128xf32, #tpu.memory_space<vmem>>) offsets(%dma_start3A_47 : memref<64xi32, #tpu.memory_space<vmem>>) semaphore(%arg32 : memref<!tpu.dma_semaphore, #tpu.memory_space<semaphore_mem>>)
    %dma_start3A_51 = arith.constant 0 : i32
    %dma_start3A_52 = tpu.memref_slice %arg19[%dma_start3A_51] : memref<1024xi32, #tpu.memory_space<vmem>> -> memref<64xi32, #tpu.memory_space<vmem>>
    %dma_start3A_53 = arith.constant 0 : i32
    %dma_start3A_54 = arith.constant 0 : i32
    %dma_start3A_55 = tpu.memref_slice %arg8[%dma_start3A_53, %dma_start3A_54] : memref<131072x128xf32, #tpu.memory_space<hbm>> -> memref<131072x128xf32, #tpu.memory_space<hbm>>
    tpu.enqueue_indirect_dma source(%dma_start3A_55 : memref<131072x128xf32, #tpu.memory_space<hbm>>) target(%arg26 : memref<64x128xf32, #tpu.memory_space<vmem>>) offsets(%dma_start3A_52 : memref<64xi32, #tpu.memory_space<vmem>>) semaphore(%arg32 : memref<!tpu.dma_semaphore, #tpu.memory_space<semaphore_mem>>)
    %dma_start3A_56 = arith.constant 0 : i32
    %dma_start3A_57 = tpu.memref_slice %arg18[%dma_start3A_56] : memref<1024xi32, #tpu.memory_space<vmem>> -> memref<64xi32, #tpu.memory_space<vmem>>
    %dma_start3A_58 = arith.constant 0 : i32
    %dma_start3A_59 = arith.constant 0 : i32
    %dma_start3A_60 = tpu.memref_slice %arg9[%dma_start3A_58, %dma_start3A_59] : memref<65536x128xf32, #tpu.memory_space<hbm>> -> memref<65536x128xf32, #tpu.memory_space<hbm>>
    tpu.enqueue_indirect_dma source(%dma_start3A_60 : memref<65536x128xf32, #tpu.memory_space<hbm>>) target(%arg27 : memref<64x128xf32, #tpu.memory_space<vmem>>) offsets(%dma_start3A_57 : memref<64xi32, #tpu.memory_space<vmem>>) semaphore(%arg32 : memref<!tpu.dma_semaphore, #tpu.memory_space<semaphore_mem>>)
    %scan3A_61 = arith.constant 0 : i32
    %scan3A_62 = arith.constant 0 : i32
    %scan3A_63 = arith.constant 16 : i32
    %scan3A_64 = arith.addi %scan3A_62, %scan3A_63 : i32
    %scan3A_65 = arith.constant 1 : i32
    scf.for %scan3A_90 = %scan3A_62 to %scan3A_64 step %scan3A_65  : i32 {
      %rem3A_91 = arith.constant 2 : i32
      %rem3A_92 = arith.remsi %scan3A_90, %rem3A_91 : i32
      %eq3A_93 = arith.constant 0 : i32
      %eq3A_94 = arith.cmpi eq, %rem3A_92, %eq3A_93 : i32
      %convert_element_type3A = arith.extui %eq3A_94 : i1 to i32
      %cond3A = arith.constant 0 : i32
      %cond3A_95 = arith.cmpi ne, %convert_element_type3A, %cond3A : i32
      scf.if %cond3A_95 {
        %dma_wait3A_112 = arith.constant 0 : i32
        %dma_wait3A_113 = arith.constant 0 : i32
        %dma_wait3A_114 = tpu.memref_slice %arg6[%dma_wait3A_112, %dma_wait3A_113] : memref<262144x128xf32, #tpu.memory_space<hbm>> -> memref<64x128xf32, #tpu.memory_space<hbm>>
        %dma_wait3A_115 = arith.constant 0 : i32
        %dma_wait3A_116 = arith.constant 0 : i32
        %dma_wait3A_117 = tpu.memref_slice %arg6[%dma_wait3A_115, %dma_wait3A_116] : memref<262144x128xf32, #tpu.memory_space<hbm>> -> memref<64x128xf32, #tpu.memory_space<hbm>>
        tpu.wait_dma2 semaphore(%arg32 : memref<!tpu.dma_semaphore, #tpu.memory_space<semaphore_mem>>) src(%dma_wait3A_117 : memref<64x128xf32, #tpu.memory_space<hbm>>) dst(%arg24 : memref<64x128xf32, #tpu.memory_space<vmem>>)
        %dma_wait3A_118 = arith.constant 0 : i32
        %dma_wait3A_119 = arith.constant 0 : i32
        %dma_wait3A_120 = tpu.memref_slice %arg7[%dma_wait3A_118, %dma_wait3A_119] : memref<131072x128xf32, #tpu.memory_space<hbm>> -> memref<64x128xf32, #tpu.memory_space<hbm>>
        %dma_wait3A_121 = arith.constant 0 : i32
        %dma_wait3A_122 = arith.constant 0 : i32
        %dma_wait3A_123 = tpu.memref_slice %arg7[%dma_wait3A_121, %dma_wait3A_122] : memref<131072x128xf32, #tpu.memory_space<hbm>> -> memref<64x128xf32, #tpu.memory_space<hbm>>
        tpu.wait_dma2 semaphore(%arg32 : memref<!tpu.dma_semaphore, #tpu.memory_space<semaphore_mem>>) src(%dma_wait3A_123 : memref<64x128xf32, #tpu.memory_space<hbm>>) dst(%arg25 : memref<64x128xf32, #tpu.memory_space<vmem>>)
        %dma_wait3A_124 = arith.constant 0 : i32
        %dma_wait3A_125 = arith.constant 0 : i32
        %dma_wait3A_126 = tpu.memref_slice %arg8[%dma_wait3A_124, %dma_wait3A_125] : memref<131072x128xf32, #tpu.memory_space<hbm>> -> memref<64x128xf32, #tpu.memory_space<hbm>>
        %dma_wait3A_127 = arith.constant 0 : i32
        %dma_wait3A_128 = arith.constant 0 : i32
        %dma_wait3A_129 = tpu.memref_slice %arg8[%dma_wait3A_127, %dma_wait3A_128] : memref<131072x128xf32, #tpu.memory_space<hbm>> -> memref<64x128xf32, #tpu.memory_space<hbm>>
        tpu.wait_dma2 semaphore(%arg32 : memref<!tpu.dma_semaphore, #tpu.memory_space<semaphore_mem>>) src(%dma_wait3A_129 : memref<64x128xf32, #tpu.memory_space<hbm>>) dst(%arg26 : memref<64x128xf32, #tpu.memory_space<vmem>>)
        %dma_wait3A_130 = arith.constant 0 : i32
        %dma_wait3A_131 = arith.constant 0 : i32
        %dma_wait3A_132 = tpu.memref_slice %arg9[%dma_wait3A_130, %dma_wait3A_131] : memref<65536x128xf32, #tpu.memory_space<hbm>> -> memref<64x128xf32, #tpu.memory_space<hbm>>
        %dma_wait3A_133 = arith.constant 0 : i32
        %dma_wait3A_134 = arith.constant 0 : i32
        %dma_wait3A_135 = tpu.memref_slice %arg9[%dma_wait3A_133, %dma_wait3A_134] : memref<65536x128xf32, #tpu.memory_space<hbm>> -> memref<64x128xf32, #tpu.memory_space<hbm>>
        tpu.wait_dma2 semaphore(%arg32 : memref<!tpu.dma_semaphore, #tpu.memory_space<semaphore_mem>>) src(%dma_wait3A_135 : memref<64x128xf32, #tpu.memory_space<hbm>>) dst(%arg27 : memref<64x128xf32, #tpu.memory_space<vmem>>)
        %mul3A_136 = arith.constant 64 : i32
        %mul3A_137 = arith.muli %scan3A_90, %mul3A_136 : i32
        %scan3A_138 = arith.constant 0 : i32
        %scan3A_139 = arith.constant 0 : i32
        %scan3A_140 = arith.constant 4 : i32
        %scan3A_141 = arith.addi %scan3A_139, %scan3A_140 : i32
        %scan3A_142 = arith.constant 1 : i32
        scf.for %scan3A_169 = %scan3A_139 to %scan3A_141 step %scan3A_142  : i32 {
          %mul3A_170 = arith.constant 16 : i32
          %mul3A_171 = arith.muli %scan3A_169, %mul3A_170 : i32
          %add3A_172 = vector.broadcast %mul3A_171 : i32 to vector<16xi32>
          %add3A_173 = arith.addi %add3A_172, %iota3A : vector<16xi32>
          %mul3A_174 = arith.constant 16 : i32
          %mul3A_175 = arith.muli %scan3A_169, %mul3A_174 : i32
          %add3A_176 = arith.addi %mul3A_137, %mul3A_175 : i32
          %get3A = arith.index_cast %add3A_176 : i32 to index
          %get3A_177 = tpu.vector_load %arg22[%get3A] {strides = array<i32>} : memref<1024xi32, #tpu.memory_space<vmem>>, vector<16xi32>,
          %scan3A_178 = arith.constant 0 : i32
          %scan3A_179 = arith.constant 0 : i32
          %scan3A_180 = arith.constant 64 : i32
          %scan3A_181 = arith.addi %scan3A_179, %scan3A_180 : i32
          %scan3A_182 = arith.constant 16 : i32
          scf.for %scan3A_184 = %scan3A_179 to %scan3A_181 step %scan3A_182  : i32 {
            %add3A_185 = vector.broadcast %scan3A_184 : i32 to vector<16xi32>
            %add3A_186 = arith.addi %get3A_177, %add3A_185 : vector<16xi32>
            tpu.vector_store_idx %arg24[%add3A_173, %add3A_186], %broadcast_in_dim3A_41 : memref<64x128xf32, #tpu.memory_space<vmem>>[vector<16xi32>, vector<16xi32>], vector<16xf32>,
            %scan3A_187 = arith.constant 1 : i32
            %scan3A_188 = arith.addi %scan3A_184, %scan3A_187 : i32
            %add3A_189 = vector.broadcast %scan3A_188 : i32 to vector<16xi32>
            %add3A_190 = arith.addi %get3A_177, %add3A_189 : vector<16xi32>
            tpu.vector_store_idx %arg24[%add3A_173, %add3A_190], %broadcast_in_dim3A_41 : memref<64x128xf32, #tpu.memory_space<vmem>>[vector<16xi32>, vector<16xi32>], vector<16xf32>,
            %scan3A_191 = arith.constant 2 : i32
            %scan3A_192 = arith.addi %scan3A_184, %scan3A_191 : i32
            %add3A_193 = vector.broadcast %scan3A_192 : i32 to vector<16xi32>
            %add3A_194 = arith.addi %get3A_177, %add3A_193 : vector<16xi32>
            tpu.vector_store_idx %arg24[%add3A_173, %add3A_194], %broadcast_in_dim3A_41 : memref<64x128xf32, #tpu.memory_space<vmem>>[vector<16xi32>, vector<16xi32>], vector<16xf32>,
            %scan3A_195 = arith.constant 3 : i32
            %scan3A_196 = arith.addi %scan3A_184, %scan3A_195 : i32
            %add3A_197 = vector.broadcast %scan3A_196 : i32 to vector<16xi32>
            %add3A_198 = arith.addi %get3A_177, %add3A_197 : vector<16xi32>
            tpu.vector_store_idx %arg24[%add3A_173, %add3A_198], %broadcast_in_dim3A_41 : memref<64x128xf32, #tpu.memory_space<vmem>>[vector<16xi32>, vector<16xi32>], vector<16xf32>,
            %scan3A_199 = arith.constant 4 : i32
            %scan3A_200 = arith.addi %scan3A_184, %scan3A_199 : i32
            %add3A_201 = vector.broadcast %scan3A_200 : i32 to vector<16xi32>
            %add3A_202 = arith.addi %get3A_177, %add3A_201 : vector<16xi32>
            tpu.vector_store_idx %arg24[%add3A_173, %add3A_202], %broadcast_in_dim3A_41 : memref<64x128xf32, #tpu.memory_space<vmem>>[vector<16xi32>, vector<16xi32>], vector<16xf32>,
            %scan3A_203 = arith.constant 5 : i32
            %scan3A_204 = arith.addi %scan3A_184, %scan3A_203 : i32
            %add3A_205 = vector.broadcast %scan3A_204 : i32 to vector<16xi32>
            %add3A_206 = arith.addi %get3A_177, %add3A_205 : vector<16xi32>
            tpu.vector_store_idx %arg24[%add3A_173, %add3A_206], %broadcast_in_dim3A_41 : memref<64x128xf32, #tpu.memory_space<vmem>>[vector<16xi32>, vector<16xi32>], vector<16xf32>,
            %scan3A_207 = arith.constant 6 : i32
            %scan3A_208 = arith.addi %scan3A_184, %scan3A_207 : i32
            %add3A_209 = vector.broadcast %scan3A_208 : i32 to vector<16xi32>
            %add3A_210 = arith.addi %get3A_177, %add3A_209 : vector<16xi32>
            tpu.vector_store_idx %arg24[%add3A_173, %add3A_210], %broadcast_in_dim3A_41 : memref<64x128xf32, #tpu.memory_space<vmem>>[vector<16xi32>, vector<16xi32>], vector<16xf32>,
            %scan3A_211 = arith.constant 7 : i32
            %scan3A_212 = arith.addi %scan3A_184, %scan3A_211 : i32
            %add3A_213 = vector.broadcast %scan3A_212 : i32 to vector<16xi32>
            %add3A_214 = arith.addi %get3A_177, %add3A_213 : vector<16xi32>
            tpu.vector_store_idx %arg24[%add3A_173, %add3A_214], %broadcast_in_dim3A_41 : memref<64x128xf32, #tpu.memory_space<vmem>>[vector<16xi32>, vector<16xi32>], vector<16xf32>,
            %scan3A_215 = arith.constant 8 : i32
            %scan3A_216 = arith.addi %scan3A_184, %scan3A_215 : i32
            %add3A_217 = vector.broadcast %scan3A_216 : i32 to vector<16xi32>
            %add3A_218 = arith.addi %get3A_177, %add3A_217 : vector<16xi32>
            tpu.vector_store_idx %arg24[%add3A_173, %add3A_218], %broadcast_in_dim3A_41 : memref<64x128xf32, #tpu.memory_space<vmem>>[vector<16xi32>, vector<16xi32>], vector<16xf32>,
            %scan3A_219 = arith.constant 9 : i32
            %scan3A_220 = arith.addi %scan3A_184, %scan3A_219 : i32
            %add3A_221 = vector.broadcast %scan3A_220 : i32 to vector<16xi32>
            %add3A_222 = arith.addi %get3A_177, %add3A_221 : vector<16xi32>
            tpu.vector_store_idx %arg24[%add3A_173, %add3A_222], %broadcast_in_dim3A_41 : memref<64x128xf32, #tpu.memory_space<vmem>>[vector<16xi32>, vector<16xi32>], vector<16xf32>,
            %scan3A_223 = arith.constant 10 : i32
            %scan3A_224 = arith.addi %scan3A_184, %scan3A_223 : i32
            %add3A_225 = vector.broadcast %scan3A_224 : i32 to vector<16xi32>
            %add3A_226 = arith.addi %get3A_177, %add3A_225 : vector<16xi32>
            tpu.vector_store_idx %arg24[%add3A_173, %add3A_226], %broadcast_in_dim3A_41 : memref<64x128xf32, #tpu.memory_space<vmem>>[vector<16xi32>, vector<16xi32>], vector<16xf32>,
            %scan3A_227 = arith.constant 11 : i32
            %scan3A_228 = arith.addi %scan3A_184, %scan3A_227 : i32
            %add3A_229 = vector.broadcast %scan3A_228 : i32 to vector<16xi32>
            %add3A_230 = arith.addi %get3A_177, %add3A_229 : vector<16xi32>
            tpu.vector_store_idx %arg24[%add3A_173, %add3A_230], %broadcast_in_dim3A_41 : memref<64x128xf32, #tpu.memory_space<vmem>>[vector<16xi32>, vector<16xi32>], vector<16xf32>,
            %scan3A_231 = arith.constant 12 : i32
            %scan3A_232 = arith.addi %scan3A_184, %scan3A_231 : i32
            %add3A_233 = vector.broadcast %scan3A_232 : i32 to vector<16xi32>
            %add3A_234 = arith.addi %get3A_177, %add3A_233 : vector<16xi32>
            tpu.vector_store_idx %arg24[%add3A_173, %add3A_234], %broadcast_in_dim3A_41 : memref<64x128xf32, #tpu.memory_space<vmem>>[vector<16xi32>, vector<16xi32>], vector<16xf32>,
            %scan3A_235 = arith.constant 13 : i32
            %scan3A_236 = arith.addi %scan3A_184, %scan3A_235 : i32
            %add3A_237 = vector.broadcast %scan3A_236 : i32 to vector<16xi32>
            %add3A_238 = arith.addi %get3A_177, %add3A_237 : vector<16xi32>
            tpu.vector_store_idx %arg24[%add3A_173, %add3A_238], %broadcast_in_dim3A_41 : memref<64x128xf32, #tpu.memory_space<vmem>>[vector<16xi32>, vector<16xi32>], vector<16xf32>,
            %scan3A_239 = arith.constant 14 : i32
            %scan3A_240 = arith.addi %scan3A_184, %scan3A_239 : i32
            %add3A_241 = vector.broadcast %scan3A_240 : i32 to vector<16xi32>
            %add3A_242 = arith.addi %get3A_177, %add3A_241 : vector<16xi32>
            tpu.vector_store_idx %arg24[%add3A_173, %add3A_242], %broadcast_in_dim3A_41 : memref<64x128xf32, #tpu.memory_space<vmem>>[vector<16xi32>, vector<16xi32>], vector<16xf32>,
            %scan3A_243 = arith.constant 15 : i32
            %scan3A_244 = arith.addi %scan3A_184, %scan3A_243 : i32
            %add3A_245 = vector.broadcast %scan3A_244 : i32 to vector<16xi32>
            %add3A_246 = arith.addi %get3A_177, %add3A_245 : vector<16xi32>
            tpu.vector_store_idx %arg24[%add3A_173, %add3A_246], %broadcast_in_dim3A_41 : memref<64x128xf32, #tpu.memory_space<vmem>>[vector<16xi32>, vector<16xi32>], vector<16xf32>,
          }
          %scan3A_183 = arith.constant 64 : i32
        }
        %scan3A_143 = arith.constant 4 : i32
        %scan3A_144 = arith.constant 0 : i32
        %scan3A_145 = arith.constant 0 : i32
        %scan3A_146 = arith.constant 4 : i32
        %scan3A_147 = arith.addi %scan3A_145, %scan3A_146 : i32
        %scan3A_148 = arith.constant 1 : i32
        scf.for %scan3A_169 = %scan3A_145 to %scan3A_147 step %scan3A_148  : i32 {
          %mul3A_170 = arith.constant 16 : i32
          %mul3A_171 = arith.muli %scan3A_169, %mul3A_170 : i32
          %add3A_172 = vector.broadcast %mul3A_171 : i32 to vector<16xi32>
          %add3A_173 = arith.addi %add3A_172, %iota3A : vector<16xi32>
          %mul3A_174 = arith.constant 16 : i32
          %mul3A_175 = arith.muli %scan3A_169, %mul3A_174 : i32
          %add3A_176 = arith.addi %mul3A_137, %mul3A_175 : i32
          %get3A = arith.index_cast %add3A_176 : i32 to index
          %get3A_177 = tpu.vector_load %arg23[%get3A] {strides = array<i32>} : memref<1024xi32, #tpu.memory_space<vmem>>, vector<16xi32>,
          %scan3A_178 = arith.constant 0 : i32
          %scan3A_179 = arith.constant 0 : i32
          %scan3A_180 = arith.constant 64 : i32
          %scan3A_181 = arith.addi %scan3A_179, %scan3A_180 : i32
          %scan3A_182 = arith.constant 16 : i32
          scf.for %scan3A_184 = %scan3A_179 to %scan3A_181 step %scan3A_182  : i32 {
            %add3A_185 = vector.broadcast %scan3A_184 : i32 to vector<16xi32>
            %add3A_186 = arith.addi %get3A_177, %add3A_185 : vector<16xi32>
            tpu.vector_store_idx %arg25[%add3A_173, %add3A_186], %broadcast_in_dim3A_41 : memref<64x128xf32, #tpu.memory_space<vmem>>[vector<16xi32>, vector<16xi32>], vector<16xf32>,
            %scan3A_187 = arith.constant 1 : i32
            %scan3A_188 = arith.addi %scan3A_184, %scan3A_187 : i32
            %add3A_189 = vector.broadcast %scan3A_188 : i32 to vector<16xi32>
            %add3A_190 = arith.addi %get3A_177, %add3A_189 : vector<16xi32>
            tpu.vector_store_idx %arg25[%add3A_173, %add3A_190], %broadcast_in_dim3A_41 : memref<64x128xf32, #tpu.memory_space<vmem>>[vector<16xi32>, vector<16xi32>], vector<16xf32>,
            %scan3A_191 = arith.constant 2 : i32
            %scan3A_192 = arith.addi %scan3A_184, %scan3A_191 : i32
            %add3A_193 = vector.broadcast %scan3A_192 : i32 to vector<16xi32>
            %add3A_194 = arith.addi %get3A_177, %add3A_193 : vector<16xi32>
            tpu.vector_store_idx %arg25[%add3A_173, %add3A_194], %broadcast_in_dim3A_41 : memref<64x128xf32, #tpu.memory_space<vmem>>[vector<16xi32>, vector<16xi32>], vector<16xf32>,
            %scan3A_195 = arith.constant 3 : i32
            %scan3A_196 = arith.addi %scan3A_184, %scan3A_195 : i32
            %add3A_197 = vector.broadcast %scan3A_196 : i32 to vector<16xi32>
            %add3A_198 = arith.addi %get3A_177, %add3A_197 : vector<16xi32>
            tpu.vector_store_idx %arg25[%add3A_173, %add3A_198], %broadcast_in_dim3A_41 : memref<64x128xf32, #tpu.memory_space<vmem>>[vector<16xi32>, vector<16xi32>], vector<16xf32>,
            %scan3A_199 = arith.constant 4 : i32
            %scan3A_200 = arith.addi %scan3A_184, %scan3A_199 : i32
            %add3A_201 = vector.broadcast %scan3A_200 : i32 to vector<16xi32>
            %add3A_202 = arith.addi %get3A_177, %add3A_201 : vector<16xi32>
            tpu.vector_store_idx %arg25[%add3A_173, %add3A_202], %broadcast_in_dim3A_41 : memref<64x128xf32, #tpu.memory_space<vmem>>[vector<16xi32>, vector<16xi32>], vector<16xf32>,
            %scan3A_203 = arith.constant 5 : i32
            %scan3A_204 = arith.addi %scan3A_184, %scan3A_203 : i32
            %add3A_205 = vector.broadcast %scan3A_204 : i32 to vector<16xi32>
            %add3A_206 = arith.addi %get3A_177, %add3A_205 : vector<16xi32>
            tpu.vector_store_idx %arg25[%add3A_173, %add3A_206], %broadcast_in_dim3A_41 : memref<64x128xf32, #tpu.memory_space<vmem>>[vector<16xi32>, vector<16xi32>], vector<16xf32>,
            %scan3A_207 = arith.constant 6 : i32
            %scan3A_208 = arith.addi %scan3A_184, %scan3A_207 : i32
            %add3A_209 = vector.broadcast %scan3A_208 : i32 to vector<16xi32>
            %add3A_210 = arith.addi %get3A_177, %add3A_209 : vector<16xi32>
            tpu.vector_store_idx %arg25[%add3A_173, %add3A_210], %broadcast_in_dim3A_41 : memref<64x128xf32, #tpu.memory_space<vmem>>[vector<16xi32>, vector<16xi32>], vector<16xf32>,
            %scan3A_211 = arith.constant 7 : i32
            %scan3A_212 = arith.addi %scan3A_184, %scan3A_211 : i32
            %add3A_213 = vector.broadcast %scan3A_212 : i32 to vector<16xi32>
            %add3A_214 = arith.addi %get3A_177, %add3A_213 : vector<16xi32>
            tpu.vector_store_idx %arg25[%add3A_173, %add3A_214], %broadcast_in_dim3A_41 : memref<64x128xf32, #tpu.memory_space<vmem>>[vector<16xi32>, vector<16xi32>], vector<16xf32>,
            %scan3A_215 = arith.constant 8 : i32
            %scan3A_216 = arith.addi %scan3A_184, %scan3A_215 : i32
            %add3A_217 = vector.broadcast %scan3A_216 : i32 to vector<16xi32>
            %add3A_218 = arith.addi %get3A_177, %add3A_217 : vector<16xi32>
            tpu.vector_store_idx %arg25[%add3A_173, %add3A_218], %broadcast_in_dim3A_41 : memref<64x128xf32, #tpu.memory_space<vmem>>[vector<16xi32>, vector<16xi32>], vector<16xf32>,
            %scan3A_219 = arith.constant 9 : i32
            %scan3A_220 = arith.addi %scan3A_184, %scan3A_219 : i32
            %add3A_221 = vector.broadcast %scan3A_220 : i32 to vector<16xi32>
            %add3A_222 = arith.addi %get3A_177, %add3A_221 : vector<16xi32>
            tpu.vector_store_idx %arg25[%add3A_173, %add3A_222], %broadcast_in_dim3A_41 : memref<64x128xf32, #tpu.memory_space<vmem>>[vector<16xi32>, vector<16xi32>], vector<16xf32>,
            %scan3A_223 = arith.constant 10 : i32
            %scan3A_224 = arith.addi %scan3A_184, %scan3A_223 : i32
            %add3A_225 = vector.broadcast %scan3A_224 : i32 to vector<16xi32>
            %add3A_226 = arith.addi %get3A_177, %add3A_225 : vector<16xi32>
            tpu.vector_store_idx %arg25[%add3A_173, %add3A_226], %broadcast_in_dim3A_41 : memref<64x128xf32, #tpu.memory_space<vmem>>[vector<16xi32>, vector<16xi32>], vector<16xf32>,
            %scan3A_227 = arith.constant 11 : i32
            %scan3A_228 = arith.addi %scan3A_184, %scan3A_227 : i32
            %add3A_229 = vector.broadcast %scan3A_228 : i32 to vector<16xi32>
            %add3A_230 = arith.addi %get3A_177, %add3A_229 : vector<16xi32>
            tpu.vector_store_idx %arg25[%add3A_173, %add3A_230], %broadcast_in_dim3A_41 : memref<64x128xf32, #tpu.memory_space<vmem>>[vector<16xi32>, vector<16xi32>], vector<16xf32>,
            %scan3A_231 = arith.constant 12 : i32
            %scan3A_232 = arith.addi %scan3A_184, %scan3A_231 : i32
            %add3A_233 = vector.broadcast %scan3A_232 : i32 to vector<16xi32>
            %add3A_234 = arith.addi %get3A_177, %add3A_233 : vector<16xi32>
            tpu.vector_store_idx %arg25[%add3A_173, %add3A_234], %broadcast_in_dim3A_41 : memref<64x128xf32, #tpu.memory_space<vmem>>[vector<16xi32>, vector<16xi32>], vector<16xf32>,
            %scan3A_235 = arith.constant 13 : i32
            %scan3A_236 = arith.addi %scan3A_184, %scan3A_235 : i32
            %add3A_237 = vector.broadcast %scan3A_236 : i32 to vector<16xi32>
            %add3A_238 = arith.addi %get3A_177, %add3A_237 : vector<16xi32>
            tpu.vector_store_idx %arg25[%add3A_173, %add3A_238], %broadcast_in_dim3A_41 : memref<64x128xf32, #tpu.memory_space<vmem>>[vector<16xi32>, vector<16xi32>], vector<16xf32>,
            %scan3A_239 = arith.constant 14 : i32
            %scan3A_240 = arith.addi %scan3A_184, %scan3A_239 : i32
            %add3A_241 = vector.broadcast %scan3A_240 : i32 to vector<16xi32>
            %add3A_242 = arith.addi %get3A_177, %add3A_241 : vector<16xi32>
            tpu.vector_store_idx %arg25[%add3A_173, %add3A_242], %broadcast_in_dim3A_41 : memref<64x128xf32, #tpu.memory_space<vmem>>[vector<16xi32>, vector<16xi32>], vector<16xf32>,
            %scan3A_243 = arith.constant 15 : i32
            %scan3A_244 = arith.addi %scan3A_184, %scan3A_243 : i32
            %add3A_245 = vector.broadcast %scan3A_244 : i32 to vector<16xi32>
            %add3A_246 = arith.addi %get3A_177, %add3A_245 : vector<16xi32>
            tpu.vector_store_idx %arg25[%add3A_173, %add3A_246], %broadcast_in_dim3A_41 : memref<64x128xf32, #tpu.memory_space<vmem>>[vector<16xi32>, vector<16xi32>], vector<16xf32>,
          }
          %scan3A_183 = arith.constant 64 : i32
        }
        %scan3A_149 = arith.constant 4 : i32
        %mul3A_150 = arith.constant 64 : i32
        %mul3A_151 = arith.muli %scan3A_90, %mul3A_150 : i32
        %add3A_152 = arith.addi %add3A_35, %mul3A_151 : i32
        %dma_start3A_153 = arith.constant 0 : i32
        %dma_start3A_154 = tpu.memref_slice %arg10[%add3A_152, %dma_start3A_153] : memref<32768x128xf32, #tpu.memory_space<hbm>> -> memref<64x128xf32, #tpu.memory_space<hbm>>
        %dma_start3A_155 = arith.constant 0 : i32
        %dma_start3A_156 = tpu.memref_slice %arg10[%add3A_152, %dma_start3A_155] : memref<32768x128xf32, #tpu.memory_space<hbm>> -> memref<64x128xf32, #tpu.memory_space<hbm>>
        tpu.enqueue_dma source(%arg24 : memref<64x128xf32, #tpu.memory_space<vmem>>) target(%dma_start3A_156 : memref<64x128xf32, #tpu.memory_space<hbm>>) target_semaphore(%arg34 : memref<!tpu.dma_semaphore, #tpu.memory_space<semaphore_mem>>)
        %dma_start3A_157 = arith.constant 0 : i32
        %dma_start3A_158 = tpu.memref_slice %arg11[%add3A_152, %dma_start3A_157] : memref<32768x128xf32, #tpu.memory_space<hbm>> -> memref<64x128xf32, #tpu.memory_space<hbm>>
        %dma_start3A_159 = arith.constant 0 : i32
        %dma_start3A_160 = tpu.memref_slice %arg11[%add3A_152, %dma_start3A_159] : memref<32768x128xf32, #tpu.memory_space<hbm>> -> memref<64x128xf32, #tpu.memory_space<hbm>>
        tpu.enqueue_dma source(%arg25 : memref<64x128xf32, #tpu.memory_space<vmem>>) target(%dma_start3A_160 : memref<64x128xf32, #tpu.memory_space<hbm>>) target_semaphore(%arg34 : memref<!tpu.dma_semaphore, #tpu.memory_space<semaphore_mem>>)
        %dma_start3A_161 = arith.constant 0 : i32
        %dma_start3A_162 = tpu.memref_slice %arg12[%add3A_152, %dma_start3A_161] : memref<32768x128xf32, #tpu.memory_space<hbm>> -> memref<64x128xf32, #tpu.memory_space<hbm>>
        %dma_start3A_163 = arith.constant 0 : i32
        %dma_start3A_164 = tpu.memref_slice %arg12[%add3A_152, %dma_start3A_163] : memref<32768x128xf32, #tpu.memory_space<hbm>> -> memref<64x128xf32, #tpu.memory_space<hbm>>
        tpu.enqueue_dma source(%arg26 : memref<64x128xf32, #tpu.memory_space<vmem>>) target(%dma_start3A_164 : memref<64x128xf32, #tpu.memory_space<hbm>>) target_semaphore(%arg34 : memref<!tpu.dma_semaphore, #tpu.memory_space<semaphore_mem>>)
        %dma_start3A_165 = arith.constant 0 : i32
        %dma_start3A_166 = tpu.memref_slice %arg13[%add3A_152, %dma_start3A_165] : memref<32768x128xf32, #tpu.memory_space<hbm>> -> memref<64x128xf32, #tpu.memory_space<hbm>>
        %dma_start3A_167 = arith.constant 0 : i32
        %dma_start3A_168 = tpu.memref_slice %arg13[%add3A_152, %dma_start3A_167] : memref<32768x128xf32, #tpu.memory_space<hbm>> -> memref<64x128xf32, #tpu.memory_space<hbm>>
        tpu.enqueue_dma source(%arg27 : memref<64x128xf32, #tpu.memory_space<vmem>>) target(%dma_start3A_168 : memref<64x128xf32, #tpu.memory_space<hbm>>) target_semaphore(%arg34 : memref<!tpu.dma_semaphore, #tpu.memory_space<semaphore_mem>>)
      } else {
      }
      %eq3A_96 = arith.constant 1 : i32
      %eq3A_97 = arith.cmpi eq, %rem3A_92, %eq3A_96 : i32
      %convert_element_type3A_98 = arith.extui %eq3A_97 : i1 to i32
      %cond3A_99 = arith.constant 0 : i32
      %cond3A_100 = arith.cmpi ne, %convert_element_type3A_98, %cond3A_99 : i32
      scf.if %cond3A_100 {
        %dma_wait3A_112 = arith.constant 0 : i32
        %dma_wait3A_113 = arith.constant 0 : i32
        %dma_wait3A_114 = tpu.memref_slice %arg6[%dma_wait3A_112, %dma_wait3A_113] : memref<262144x128xf32, #tpu.memory_space<hbm>> -> memref<64x128xf32, #tpu.memory_space<hbm>>
        %dma_wait3A_115 = arith.constant 0 : i32
        %dma_wait3A_116 = arith.constant 0 : i32
        %dma_wait3A_117 = tpu.memref_slice %arg6[%dma_wait3A_115, %dma_wait3A_116] : memref<262144x128xf32, #tpu.memory_space<hbm>> -> memref<64x128xf32, #tpu.memory_space<hbm>>
        tpu.wait_dma2 semaphore(%arg33 : memref<!tpu.dma_semaphore, #tpu.memory_space<semaphore_mem>>) src(%dma_wait3A_117 : memref<64x128xf32, #tpu.memory_space<hbm>>) dst(%arg28 : memref<64x128xf32, #tpu.memory_space<vmem>>)
        %dma_wait3A_118 = arith.constant 0 : i32
        %dma_wait3A_119 = arith.constant 0 : i32
        %dma_wait3A_120 = tpu.memref_slice %arg7[%dma_wait3A_118, %dma_wait3A_119] : memref<131072x128xf32, #tpu.memory_space<hbm>> -> memref<64x128xf32, #tpu.memory_space<hbm>>
        %dma_wait3A_121 = arith.constant 0 : i32
        %dma_wait3A_122 = arith.constant 0 : i32
        %dma_wait3A_123 = tpu.memref_slice %arg7[%dma_wait3A_121, %dma_wait3A_122] : memref<131072x128xf32, #tpu.memory_space<hbm>> -> memref<64x128xf32, #tpu.memory_space<hbm>>
        tpu.wait_dma2 semaphore(%arg33 : memref<!tpu.dma_semaphore, #tpu.memory_space<semaphore_mem>>) src(%dma_wait3A_123 : memref<64x128xf32, #tpu.memory_space<hbm>>) dst(%arg29 : memref<64x128xf32, #tpu.memory_space<vmem>>)
        %dma_wait3A_124 = arith.constant 0 : i32
        %dma_wait3A_125 = arith.constant 0 : i32
        %dma_wait3A_126 = tpu.memref_slice %arg8[%dma_wait3A_124, %dma_wait3A_125] : memref<131072x128xf32, #tpu.memory_space<hbm>> -> memref<64x128xf32, #tpu.memory_space<hbm>>
        %dma_wait3A_127 = arith.constant 0 : i32
        %dma_wait3A_128 = arith.constant 0 : i32
        %dma_wait3A_129 = tpu.memref_slice %arg8[%dma_wait3A_127, %dma_wait3A_128] : memref<131072x128xf32, #tpu.memory_space<hbm>> -> memref<64x128xf32, #tpu.memory_space<hbm>>
        tpu.wait_dma2 semaphore(%arg33 : memref<!tpu.dma_semaphore, #tpu.memory_space<semaphore_mem>>) src(%dma_wait3A_129 : memref<64x128xf32, #tpu.memory_space<hbm>>) dst(%arg30 : memref<64x128xf32, #tpu.memory_space<vmem>>)
        %dma_wait3A_130 = arith.constant 0 : i32
        %dma_wait3A_131 = arith.constant 0 : i32
        %dma_wait3A_132 = tpu.memref_slice %arg9[%dma_wait3A_130, %dma_wait3A_131] : memref<65536x128xf32, #tpu.memory_space<hbm>> -> memref<64x128xf32, #tpu.memory_space<hbm>>
        %dma_wait3A_133 = arith.constant 0 : i32
        %dma_wait3A_134 = arith.constant 0 : i32
        %dma_wait3A_135 = tpu.memref_slice %arg9[%dma_wait3A_133, %dma_wait3A_134] : memref<65536x128xf32, #tpu.memory_space<hbm>> -> memref<64x128xf32, #tpu.memory_space<hbm>>
        tpu.wait_dma2 semaphore(%arg33 : memref<!tpu.dma_semaphore, #tpu.memory_space<semaphore_mem>>) src(%dma_wait3A_135 : memref<64x128xf32, #tpu.memory_space<hbm>>) dst(%arg31 : memref<64x128xf32, #tpu.memory_space<vmem>>)
        %mul3A_136 = arith.constant 64 : i32
        %mul3A_137 = arith.muli %scan3A_90, %mul3A_136 : i32
        %scan3A_138 = arith.constant 0 : i32
        %scan3A_139 = arith.constant 0 : i32
        %scan3A_140 = arith.constant 4 : i32
        %scan3A_141 = arith.addi %scan3A_139, %scan3A_140 : i32
        %scan3A_142 = arith.constant 1 : i32
        scf.for %scan3A_169 = %scan3A_139 to %scan3A_141 step %scan3A_142  : i32 {
          %mul3A_170 = arith.constant 16 : i32
          %mul3A_171 = arith.muli %scan3A_169, %mul3A_170 : i32
          %add3A_172 = vector.broadcast %mul3A_171 : i32 to vector<16xi32>
          %add3A_173 = arith.addi %add3A_172, %iota3A : vector<16xi32>
          %mul3A_174 = arith.constant 16 : i32
          %mul3A_175 = arith.muli %scan3A_169, %mul3A_174 : i32
          %add3A_176 = arith.addi %mul3A_137, %mul3A_175 : i32
          %get3A = arith.index_cast %add3A_176 : i32 to index
          %get3A_177 = tpu.vector_load %arg22[%get3A] {strides = array<i32>} : memref<1024xi32, #tpu.memory_space<vmem>>, vector<16xi32>,
          %scan3A_178 = arith.constant 0 : i32
          %scan3A_179 = arith.constant 0 : i32
          %scan3A_180 = arith.constant 64 : i32
          %scan3A_181 = arith.addi %scan3A_179, %scan3A_180 : i32
          %scan3A_182 = arith.constant 16 : i32
          scf.for %scan3A_184 = %scan3A_179 to %scan3A_181 step %scan3A_182  : i32 {
            %add3A_185 = vector.broadcast %scan3A_184 : i32 to vector<16xi32>
            %add3A_186 = arith.addi %get3A_177, %add3A_185 : vector<16xi32>
            tpu.vector_store_idx %arg28[%add3A_173, %add3A_186], %broadcast_in_dim3A_41 : memref<64x128xf32, #tpu.memory_space<vmem>>[vector<16xi32>, vector<16xi32>], vector<16xf32>,
            %scan3A_187 = arith.constant 1 : i32
            %scan3A_188 = arith.addi %scan3A_184, %scan3A_187 : i32
            %add3A_189 = vector.broadcast %scan3A_188 : i32 to vector<16xi32>
            %add3A_190 = arith.addi %get3A_177, %add3A_189 : vector<16xi32>
            tpu.vector_store_idx %arg28[%add3A_173, %add3A_190], %broadcast_in_dim3A_41 : memref<64x128xf32, #tpu.memory_space<vmem>>[vector<16xi32>, vector<16xi32>], vector<16xf32>,
            %scan3A_191 = arith.constant 2 : i32
            %scan3A_192 = arith.addi %scan3A_184, %scan3A_191 : i32
            %add3A_193 = vector.broadcast %scan3A_192 : i32 to vector<16xi32>
            %add3A_194 = arith.addi %get3A_177, %add3A_193 : vector<16xi32>
            tpu.vector_store_idx %arg28[%add3A_173, %add3A_194], %broadcast_in_dim3A_41 : memref<64x128xf32, #tpu.memory_space<vmem>>[vector<16xi32>, vector<16xi32>], vector<16xf32>,
            %scan3A_195 = arith.constant 3 : i32
            %scan3A_196 = arith.addi %scan3A_184, %scan3A_195 : i32
            %add3A_197 = vector.broadcast %scan3A_196 : i32 to vector<16xi32>
            %add3A_198 = arith.addi %get3A_177, %add3A_197 : vector<16xi32>
            tpu.vector_store_idx %arg28[%add3A_173, %add3A_198], %broadcast_in_dim3A_41 : memref<64x128xf32, #tpu.memory_space<vmem>>[vector<16xi32>, vector<16xi32>], vector<16xf32>,
            %scan3A_199 = arith.constant 4 : i32
            %scan3A_200 = arith.addi %scan3A_184, %scan3A_199 : i32
            %add3A_201 = vector.broadcast %scan3A_200 : i32 to vector<16xi32>
            %add3A_202 = arith.addi %get3A_177, %add3A_201 : vector<16xi32>
            tpu.vector_store_idx %arg28[%add3A_173, %add3A_202], %broadcast_in_dim3A_41 : memref<64x128xf32, #tpu.memory_space<vmem>>[vector<16xi32>, vector<16xi32>], vector<16xf32>,
            %scan3A_203 = arith.constant 5 : i32
            %scan3A_204 = arith.addi %scan3A_184, %scan3A_203 : i32
            %add3A_205 = vector.broadcast %scan3A_204 : i32 to vector<16xi32>
            %add3A_206 = arith.addi %get3A_177, %add3A_205 : vector<16xi32>
            tpu.vector_store_idx %arg28[%add3A_173, %add3A_206], %broadcast_in_dim3A_41 : memref<64x128xf32, #tpu.memory_space<vmem>>[vector<16xi32>, vector<16xi32>], vector<16xf32>,
            %scan3A_207 = arith.constant 6 : i32
            %scan3A_208 = arith.addi %scan3A_184, %scan3A_207 : i32
            %add3A_209 = vector.broadcast %scan3A_208 : i32 to vector<16xi32>
            %add3A_210 = arith.addi %get3A_177, %add3A_209 : vector<16xi32>
            tpu.vector_store_idx %arg28[%add3A_173, %add3A_210], %broadcast_in_dim3A_41 : memref<64x128xf32, #tpu.memory_space<vmem>>[vector<16xi32>, vector<16xi32>], vector<16xf32>,
            %scan3A_211 = arith.constant 7 : i32
            %scan3A_212 = arith.addi %scan3A_184, %scan3A_211 : i32
            %add3A_213 = vector.broadcast %scan3A_212 : i32 to vector<16xi32>
            %add3A_214 = arith.addi %get3A_177, %add3A_213 : vector<16xi32>
            tpu.vector_store_idx %arg28[%add3A_173, %add3A_214], %broadcast_in_dim3A_41 : memref<64x128xf32, #tpu.memory_space<vmem>>[vector<16xi32>, vector<16xi32>], vector<16xf32>,
            %scan3A_215 = arith.constant 8 : i32
            %scan3A_216 = arith.addi %scan3A_184, %scan3A_215 : i32
            %add3A_217 = vector.broadcast %scan3A_216 : i32 to vector<16xi32>
            %add3A_218 = arith.addi %get3A_177, %add3A_217 : vector<16xi32>
            tpu.vector_store_idx %arg28[%add3A_173, %add3A_218], %broadcast_in_dim3A_41 : memref<64x128xf32, #tpu.memory_space<vmem>>[vector<16xi32>, vector<16xi32>], vector<16xf32>,
            %scan3A_219 = arith.constant 9 : i32
            %scan3A_220 = arith.addi %scan3A_184, %scan3A_219 : i32
            %add3A_221 = vector.broadcast %scan3A_220 : i32 to vector<16xi32>
            %add3A_222 = arith.addi %get3A_177, %add3A_221 : vector<16xi32>
            tpu.vector_store_idx %arg28[%add3A_173, %add3A_222], %broadcast_in_dim3A_41 : memref<64x128xf32, #tpu.memory_space<vmem>>[vector<16xi32>, vector<16xi32>], vector<16xf32>,
            %scan3A_223 = arith.constant 10 : i32
            %scan3A_224 = arith.addi %scan3A_184, %scan3A_223 : i32
            %add3A_225 = vector.broadcast %scan3A_224 : i32 to vector<16xi32>
            %add3A_226 = arith.addi %get3A_177, %add3A_225 : vector<16xi32>
            tpu.vector_store_idx %arg28[%add3A_173, %add3A_226], %broadcast_in_dim3A_41 : memref<64x128xf32, #tpu.memory_space<vmem>>[vector<16xi32>, vector<16xi32>], vector<16xf32>,
            %scan3A_227 = arith.constant 11 : i32
            %scan3A_228 = arith.addi %scan3A_184, %scan3A_227 : i32
            %add3A_229 = vector.broadcast %scan3A_228 : i32 to vector<16xi32>
            %add3A_230 = arith.addi %get3A_177, %add3A_229 : vector<16xi32>
            tpu.vector_store_idx %arg28[%add3A_173, %add3A_230], %broadcast_in_dim3A_41 : memref<64x128xf32, #tpu.memory_space<vmem>>[vector<16xi32>, vector<16xi32>], vector<16xf32>,
            %scan3A_231 = arith.constant 12 : i32
            %scan3A_232 = arith.addi %scan3A_184, %scan3A_231 : i32
            %add3A_233 = vector.broadcast %scan3A_232 : i32 to vector<16xi32>
            %add3A_234 = arith.addi %get3A_177, %add3A_233 : vector<16xi32>
            tpu.vector_store_idx %arg28[%add3A_173, %add3A_234], %broadcast_in_dim3A_41 : memref<64x128xf32, #tpu.memory_space<vmem>>[vector<16xi32>, vector<16xi32>], vector<16xf32>,
            %scan3A_235 = arith.constant 13 : i32
            %scan3A_236 = arith.addi %scan3A_184, %scan3A_235 : i32
            %add3A_237 = vector.broadcast %scan3A_236 : i32 to vector<16xi32>
            %add3A_238 = arith.addi %get3A_177, %add3A_237 : vector<16xi32>
            tpu.vector_store_idx %arg28[%add3A_173, %add3A_238], %broadcast_in_dim3A_41 : memref<64x128xf32, #tpu.memory_space<vmem>>[vector<16xi32>, vector<16xi32>], vector<16xf32>,
            %scan3A_239 = arith.constant 14 : i32
            %scan3A_240 = arith.addi %scan3A_184, %scan3A_239 : i32
            %add3A_241 = vector.broadcast %scan3A_240 : i32 to vector<16xi32>
            %add3A_242 = arith.addi %get3A_177, %add3A_241 : vector<16xi32>
            tpu.vector_store_idx %arg28[%add3A_173, %add3A_242], %broadcast_in_dim3A_41 : memref<64x128xf32, #tpu.memory_space<vmem>>[vector<16xi32>, vector<16xi32>], vector<16xf32>,
            %scan3A_243 = arith.constant 15 : i32
            %scan3A_244 = arith.addi %scan3A_184, %scan3A_243 : i32
            %add3A_245 = vector.broadcast %scan3A_244 : i32 to vector<16xi32>
            %add3A_246 = arith.addi %get3A_177, %add3A_245 : vector<16xi32>
            tpu.vector_store_idx %arg28[%add3A_173, %add3A_246], %broadcast_in_dim3A_41 : memref<64x128xf32, #tpu.memory_space<vmem>>[vector<16xi32>, vector<16xi32>], vector<16xf32>,
          }
          %scan3A_183 = arith.constant 64 : i32
        }
        %scan3A_143 = arith.constant 4 : i32
        %scan3A_144 = arith.constant 0 : i32
        %scan3A_145 = arith.constant 0 : i32
        %scan3A_146 = arith.constant 4 : i32
        %scan3A_147 = arith.addi %scan3A_145, %scan3A_146 : i32
        %scan3A_148 = arith.constant 1 : i32
        scf.for %scan3A_169 = %scan3A_145 to %scan3A_147 step %scan3A_148  : i32 {
          %mul3A_170 = arith.constant 16 : i32
          %mul3A_171 = arith.muli %scan3A_169, %mul3A_170 : i32
          %add3A_172 = vector.broadcast %mul3A_171 : i32 to vector<16xi32>
          %add3A_173 = arith.addi %add3A_172, %iota3A : vector<16xi32>
          %mul3A_174 = arith.constant 16 : i32
          %mul3A_175 = arith.muli %scan3A_169, %mul3A_174 : i32
          %add3A_176 = arith.addi %mul3A_137, %mul3A_175 : i32
          %get3A = arith.index_cast %add3A_176 : i32 to index
          %get3A_177 = tpu.vector_load %arg23[%get3A] {strides = array<i32>} : memref<1024xi32, #tpu.memory_space<vmem>>, vector<16xi32>,
          %scan3A_178 = arith.constant 0 : i32
          %scan3A_179 = arith.constant 0 : i32
          %scan3A_180 = arith.constant 64 : i32
          %scan3A_181 = arith.addi %scan3A_179, %scan3A_180 : i32
          %scan3A_182 = arith.constant 16 : i32
          scf.for %scan3A_184 = %scan3A_179 to %scan3A_181 step %scan3A_182  : i32 {
            %add3A_185 = vector.broadcast %scan3A_184 : i32 to vector<16xi32>
            %add3A_186 = arith.addi %get3A_177, %add3A_185 : vector<16xi32>
            tpu.vector_store_idx %arg29[%add3A_173, %add3A_186], %broadcast_in_dim3A_41 : memref<64x128xf32, #tpu.memory_space<vmem>>[vector<16xi32>, vector<16xi32>], vector<16xf32>,
            %scan3A_187 = arith.constant 1 : i32
            %scan3A_188 = arith.addi %scan3A_184, %scan3A_187 : i32
            %add3A_189 = vector.broadcast %scan3A_188 : i32 to vector<16xi32>
            %add3A_190 = arith.addi %get3A_177, %add3A_189 : vector<16xi32>
            tpu.vector_store_idx %arg29[%add3A_173, %add3A_190], %broadcast_in_dim3A_41 : memref<64x128xf32, #tpu.memory_space<vmem>>[vector<16xi32>, vector<16xi32>], vector<16xf32>,
            %scan3A_191 = arith.constant 2 : i32
            %scan3A_192 = arith.addi %scan3A_184, %scan3A_191 : i32
            %add3A_193 = vector.broadcast %scan3A_192 : i32 to vector<16xi32>
            %add3A_194 = arith.addi %get3A_177, %add3A_193 : vector<16xi32>
            tpu.vector_store_idx %arg29[%add3A_173, %add3A_194], %broadcast_in_dim3A_41 : memref<64x128xf32, #tpu.memory_space<vmem>>[vector<16xi32>, vector<16xi32>], vector<16xf32>,
            %scan3A_195 = arith.constant 3 : i32
            %scan3A_196 = arith.addi %scan3A_184, %scan3A_195 : i32
            %add3A_197 = vector.broadcast %scan3A_196 : i32 to vector<16xi32>
            %add3A_198 = arith.addi %get3A_177, %add3A_197 : vector<16xi32>
            tpu.vector_store_idx %arg29[%add3A_173, %add3A_198], %broadcast_in_dim3A_41 : memref<64x128xf32, #tpu.memory_space<vmem>>[vector<16xi32>, vector<16xi32>], vector<16xf32>,
            %scan3A_199 = arith.constant 4 : i32
            %scan3A_200 = arith.addi %scan3A_184, %scan3A_199 : i32
            %add3A_201 = vector.broadcast %scan3A_200 : i32 to vector<16xi32>
            %add3A_202 = arith.addi %get3A_177, %add3A_201 : vector<16xi32>
            tpu.vector_store_idx %arg29[%add3A_173, %add3A_202], %broadcast_in_dim3A_41 : memref<64x128xf32, #tpu.memory_space<vmem>>[vector<16xi32>, vector<16xi32>], vector<16xf32>,
            %scan3A_203 = arith.constant 5 : i32
            %scan3A_204 = arith.addi %scan3A_184, %scan3A_203 : i32
            %add3A_205 = vector.broadcast %scan3A_204 : i32 to vector<16xi32>
            %add3A_206 = arith.addi %get3A_177, %add3A_205 : vector<16xi32>
            tpu.vector_store_idx %arg29[%add3A_173, %add3A_206], %broadcast_in_dim3A_41 : memref<64x128xf32, #tpu.memory_space<vmem>>[vector<16xi32>, vector<16xi32>], vector<16xf32>,
            %scan3A_207 = arith.constant 6 : i32
            %scan3A_208 = arith.addi %scan3A_184, %scan3A_207 : i32
            %add3A_209 = vector.broadcast %scan3A_208 : i32 to vector<16xi32>
            %add3A_210 = arith.addi %get3A_177, %add3A_209 : vector<16xi32>
            tpu.vector_store_idx %arg29[%add3A_173, %add3A_210], %broadcast_in_dim3A_41 : memref<64x128xf32, #tpu.memory_space<vmem>>[vector<16xi32>, vector<16xi32>], vector<16xf32>,
            %scan3A_211 = arith.constant 7 : i32
            %scan3A_212 = arith.addi %scan3A_184, %scan3A_211 : i32
            %add3A_213 = vector.broadcast %scan3A_212 : i32 to vector<16xi32>
            %add3A_214 = arith.addi %get3A_177, %add3A_213 : vector<16xi32>
            tpu.vector_store_idx %arg29[%add3A_173, %add3A_214], %broadcast_in_dim3A_41 : memref<64x128xf32, #tpu.memory_space<vmem>>[vector<16xi32>, vector<16xi32>], vector<16xf32>,
            %scan3A_215 = arith.constant 8 : i32
            %scan3A_216 = arith.addi %scan3A_184, %scan3A_215 : i32
            %add3A_217 = vector.broadcast %scan3A_216 : i32 to vector<16xi32>
            %add3A_218 = arith.addi %get3A_177, %add3A_217 : vector<16xi32>
            tpu.vector_store_idx %arg29[%add3A_173, %add3A_218], %broadcast_in_dim3A_41 : memref<64x128xf32, #tpu.memory_space<vmem>>[vector<16xi32>, vector<16xi32>], vector<16xf32>,
            %scan3A_219 = arith.constant 9 : i32
            %scan3A_220 = arith.addi %scan3A_184, %scan3A_219 : i32
            %add3A_221 = vector.broadcast %scan3A_220 : i32 to vector<16xi32>
            %add3A_222 = arith.addi %get3A_177, %add3A_221 : vector<16xi32>
            tpu.vector_store_idx %arg29[%add3A_173, %add3A_222], %broadcast_in_dim3A_41 : memref<64x128xf32, #tpu.memory_space<vmem>>[vector<16xi32>, vector<16xi32>], vector<16xf32>,
            %scan3A_223 = arith.constant 10 : i32
            %scan3A_224 = arith.addi %scan3A_184, %scan3A_223 : i32
            %add3A_225 = vector.broadcast %scan3A_224 : i32 to vector<16xi32>
            %add3A_226 = arith.addi %get3A_177, %add3A_225 : vector<16xi32>
            tpu.vector_store_idx %arg29[%add3A_173, %add3A_226], %broadcast_in_dim3A_41 : memref<64x128xf32, #tpu.memory_space<vmem>>[vector<16xi32>, vector<16xi32>], vector<16xf32>,
            %scan3A_227 = arith.constant 11 : i32
            %scan3A_228 = arith.addi %scan3A_184, %scan3A_227 : i32
            %add3A_229 = vector.broadcast %scan3A_228 : i32 to vector<16xi32>
            %add3A_230 = arith.addi %get3A_177, %add3A_229 : vector<16xi32>
            tpu.vector_store_idx %arg29[%add3A_173, %add3A_230], %broadcast_in_dim3A_41 : memref<64x128xf32, #tpu.memory_space<vmem>>[vector<16xi32>, vector<16xi32>], vector<16xf32>,
            %scan3A_231 = arith.constant 12 : i32
            %scan3A_232 = arith.addi %scan3A_184, %scan3A_231 : i32
            %add3A_233 = vector.broadcast %scan3A_232 : i32 to vector<16xi32>
            %add3A_234 = arith.addi %get3A_177, %add3A_233 : vector<16xi32>
            tpu.vector_store_idx %arg29[%add3A_173, %add3A_234], %broadcast_in_dim3A_41 : memref<64x128xf32, #tpu.memory_space<vmem>>[vector<16xi32>, vector<16xi32>], vector<16xf32>,
            %scan3A_235 = arith.constant 13 : i32
            %scan3A_236 = arith.addi %scan3A_184, %scan3A_235 : i32
            %add3A_237 = vector.broadcast %scan3A_236 : i32 to vector<16xi32>
            %add3A_238 = arith.addi %get3A_177, %add3A_237 : vector<16xi32>
            tpu.vector_store_idx %arg29[%add3A_173, %add3A_238], %broadcast_in_dim3A_41 : memref<64x128xf32, #tpu.memory_space<vmem>>[vector<16xi32>, vector<16xi32>], vector<16xf32>,
            %scan3A_239 = arith.constant 14 : i32
            %scan3A_240 = arith.addi %scan3A_184, %scan3A_239 : i32
            %add3A_241 = vector.broadcast %scan3A_240 : i32 to vector<16xi32>
            %add3A_242 = arith.addi %get3A_177, %add3A_241 : vector<16xi32>
            tpu.vector_store_idx %arg29[%add3A_173, %add3A_242], %broadcast_in_dim3A_41 : memref<64x128xf32, #tpu.memory_space<vmem>>[vector<16xi32>, vector<16xi32>], vector<16xf32>,
            %scan3A_243 = arith.constant 15 : i32
            %scan3A_244 = arith.addi %scan3A_184, %scan3A_243 : i32
            %add3A_245 = vector.broadcast %scan3A_244 : i32 to vector<16xi32>
            %add3A_246 = arith.addi %get3A_177, %add3A_245 : vector<16xi32>
            tpu.vector_store_idx %arg29[%add3A_173, %add3A_246], %broadcast_in_dim3A_41 : memref<64x128xf32, #tpu.memory_space<vmem>>[vector<16xi32>, vector<16xi32>], vector<16xf32>,
          }
          %scan3A_183 = arith.constant 64 : i32
        }
        %scan3A_149 = arith.constant 4 : i32
        %mul3A_150 = arith.constant 64 : i32
        %mul3A_151 = arith.muli %scan3A_90, %mul3A_150 : i32
        %add3A_152 = arith.addi %add3A_35, %mul3A_151 : i32
        %dma_start3A_153 = arith.constant 0 : i32
        %dma_start3A_154 = tpu.memref_slice %arg10[%add3A_152, %dma_start3A_153] : memref<32768x128xf32, #tpu.memory_space<hbm>> -> memref<64x128xf32, #tpu.memory_space<hbm>>
        %dma_start3A_155 = arith.constant 0 : i32
        %dma_start3A_156 = tpu.memref_slice %arg10[%add3A_152, %dma_start3A_155] : memref<32768x128xf32, #tpu.memory_space<hbm>> -> memref<64x128xf32, #tpu.memory_space<hbm>>
        tpu.enqueue_dma source(%arg28 : memref<64x128xf32, #tpu.memory_space<vmem>>) target(%dma_start3A_156 : memref<64x128xf32, #tpu.memory_space<hbm>>) target_semaphore(%arg35 : memref<!tpu.dma_semaphore, #tpu.memory_space<semaphore_mem>>)
        %dma_start3A_157 = arith.constant 0 : i32
        %dma_start3A_158 = tpu.memref_slice %arg11[%add3A_152, %dma_start3A_157] : memref<32768x128xf32, #tpu.memory_space<hbm>> -> memref<64x128xf32, #tpu.memory_space<hbm>>
        %dma_start3A_159 = arith.constant 0 : i32
        %dma_start3A_160 = tpu.memref_slice %arg11[%add3A_152, %dma_start3A_159] : memref<32768x128xf32, #tpu.memory_space<hbm>> -> memref<64x128xf32, #tpu.memory_space<hbm>>
        tpu.enqueue_dma source(%arg29 : memref<64x128xf32, #tpu.memory_space<vmem>>) target(%dma_start3A_160 : memref<64x128xf32, #tpu.memory_space<hbm>>) target_semaphore(%arg35 : memref<!tpu.dma_semaphore, #tpu.memory_space<semaphore_mem>>)
        %dma_start3A_161 = arith.constant 0 : i32
        %dma_start3A_162 = tpu.memref_slice %arg12[%add3A_152, %dma_start3A_161] : memref<32768x128xf32, #tpu.memory_space<hbm>> -> memref<64x128xf32, #tpu.memory_space<hbm>>
        %dma_start3A_163 = arith.constant 0 : i32
        %dma_start3A_164 = tpu.memref_slice %arg12[%add3A_152, %dma_start3A_163] : memref<32768x128xf32, #tpu.memory_space<hbm>> -> memref<64x128xf32, #tpu.memory_space<hbm>>
        tpu.enqueue_dma source(%arg30 : memref<64x128xf32, #tpu.memory_space<vmem>>) target(%dma_start3A_164 : memref<64x128xf32, #tpu.memory_space<hbm>>) target_semaphore(%arg35 : memref<!tpu.dma_semaphore, #tpu.memory_space<semaphore_mem>>)
        %dma_start3A_165 = arith.constant 0 : i32
        %dma_start3A_166 = tpu.memref_slice %arg13[%add3A_152, %dma_start3A_165] : memref<32768x128xf32, #tpu.memory_space<hbm>> -> memref<64x128xf32, #tpu.memory_space<hbm>>
        %dma_start3A_167 = arith.constant 0 : i32
        %dma_start3A_168 = tpu.memref_slice %arg13[%add3A_152, %dma_start3A_167] : memref<32768x128xf32, #tpu.memory_space<hbm>> -> memref<64x128xf32, #tpu.memory_space<hbm>>
        tpu.enqueue_dma source(%arg31 : memref<64x128xf32, #tpu.memory_space<vmem>>) target(%dma_start3A_168 : memref<64x128xf32, #tpu.memory_space<hbm>>) target_semaphore(%arg35 : memref<!tpu.dma_semaphore, #tpu.memory_space<semaphore_mem>>)
      } else {
      }
      %ge3A = arith.constant 1 : i32
      %ge3A_101 = arith.cmpi sge, %scan3A_90, %ge3A : i32
      %convert_element_type3A_102 = arith.extui %ge3A_101 : i1 to i32
      %cond3A_103 = arith.constant 0 : i32
      %cond3A_104 = arith.cmpi ne, %convert_element_type3A_102, %cond3A_103 : i32
      scf.if %cond3A_104 {
        %eq3A_112 = arith.constant 0 : i32
        %eq3A_113 = arith.cmpi eq, %rem3A_92, %eq3A_112 : i32
        %convert_element_type3A_114 = arith.extui %eq3A_113 : i1 to i32
        %cond3A_115 = arith.constant 0 : i32
        %cond3A_116 = arith.cmpi ne, %convert_element_type3A_114, %cond3A_115 : i32
        scf.if %cond3A_116 {
          %dma_wait3A_122 = arith.constant 0 : i32
          %dma_wait3A_123 = arith.constant 0 : i32
          %dma_wait3A_124 = tpu.memref_slice %arg10[%dma_wait3A_122, %dma_wait3A_123] : memref<32768x128xf32, #tpu.memory_space<hbm>> -> memref<64x128xf32, #tpu.memory_space<hbm>>
          %dma_wait3A_125 = arith.constant 0 : i32
          %dma_wait3A_126 = arith.constant 0 : i32
          %dma_wait3A_127 = tpu.memref_slice %arg10[%dma_wait3A_125, %dma_wait3A_126] : memref<32768x128xf32, #tpu.memory_space<hbm>> -> memref<64x128xf32, #tpu.memory_space<hbm>>
          tpu.wait_dma2 semaphore(%arg35 : memref<!tpu.dma_semaphore, #tpu.memory_space<semaphore_mem>>) src(%arg28 : memref<64x128xf32, #tpu.memory_space<vmem>>) dst(%dma_wait3A_127 : memref<64x128xf32, #tpu.memory_space<hbm>>)
          %dma_wait3A_128 = arith.constant 0 : i32
          %dma_wait3A_129 = arith.constant 0 : i32
          %dma_wait3A_130 = tpu.memref_slice %arg11[%dma_wait3A_128, %dma_wait3A_129] : memref<32768x128xf32, #tpu.memory_space<hbm>> -> memref<64x128xf32, #tpu.memory_space<hbm>>
          %dma_wait3A_131 = arith.constant 0 : i32
          %dma_wait3A_132 = arith.constant 0 : i32
          %dma_wait3A_133 = tpu.memref_slice %arg11[%dma_wait3A_131, %dma_wait3A_132] : memref<32768x128xf32, #tpu.memory_space<hbm>> -> memref<64x128xf32, #tpu.memory_space<hbm>>
          tpu.wait_dma2 semaphore(%arg35 : memref<!tpu.dma_semaphore, #tpu.memory_space<semaphore_mem>>) src(%arg29 : memref<64x128xf32, #tpu.memory_space<vmem>>) dst(%dma_wait3A_133 : memref<64x128xf32, #tpu.memory_space<hbm>>)
          %dma_wait3A_134 = arith.constant 0 : i32
          %dma_wait3A_135 = arith.constant 0 : i32
          %dma_wait3A_136 = tpu.memref_slice %arg12[%dma_wait3A_134, %dma_wait3A_135] : memref<32768x128xf32, #tpu.memory_space<hbm>> -> memref<64x128xf32, #tpu.memory_space<hbm>>
          %dma_wait3A_137 = arith.constant 0 : i32
          %dma_wait3A_138 = arith.constant 0 : i32
          %dma_wait3A_139 = tpu.memref_slice %arg12[%dma_wait3A_137, %dma_wait3A_138] : memref<32768x128xf32, #tpu.memory_space<hbm>> -> memref<64x128xf32, #tpu.memory_space<hbm>>
          tpu.wait_dma2 semaphore(%arg35 : memref<!tpu.dma_semaphore, #tpu.memory_space<semaphore_mem>>) src(%arg30 : memref<64x128xf32, #tpu.memory_space<vmem>>) dst(%dma_wait3A_139 : memref<64x128xf32, #tpu.memory_space<hbm>>)
          %dma_wait3A_140 = arith.constant 0 : i32
          %dma_wait3A_141 = arith.constant 0 : i32
          %dma_wait3A_142 = tpu.memref_slice %arg13[%dma_wait3A_140, %dma_wait3A_141] : memref<32768x128xf32, #tpu.memory_space<hbm>> -> memref<64x128xf32, #tpu.memory_space<hbm>>
          %dma_wait3A_143 = arith.constant 0 : i32
          %dma_wait3A_144 = arith.constant 0 : i32
          %dma_wait3A_145 = tpu.memref_slice %arg13[%dma_wait3A_143, %dma_wait3A_144] : memref<32768x128xf32, #tpu.memory_space<hbm>> -> memref<64x128xf32, #tpu.memory_space<hbm>>
          tpu.wait_dma2 semaphore(%arg35 : memref<!tpu.dma_semaphore, #tpu.memory_space<semaphore_mem>>) src(%arg31 : memref<64x128xf32, #tpu.memory_space<vmem>>) dst(%dma_wait3A_145 : memref<64x128xf32, #tpu.memory_space<hbm>>)
        } else {
        }
        %eq3A_117 = arith.constant 1 : i32
        %eq3A_118 = arith.cmpi eq, %rem3A_92, %eq3A_117 : i32
        %convert_element_type3A_119 = arith.extui %eq3A_118 : i1 to i32
        %cond3A_120 = arith.constant 0 : i32
        %cond3A_121 = arith.cmpi ne, %convert_element_type3A_119, %cond3A_120 : i32
        scf.if %cond3A_121 {
          %dma_wait3A_122 = arith.constant 0 : i32
          %dma_wait3A_123 = arith.constant 0 : i32
          %dma_wait3A_124 = tpu.memref_slice %arg10[%dma_wait3A_122, %dma_wait3A_123] : memref<32768x128xf32, #tpu.memory_space<hbm>> -> memref<64x128xf32, #tpu.memory_space<hbm>>
          %dma_wait3A_125 = arith.constant 0 : i32
          %dma_wait3A_126 = arith.constant 0 : i32
          %dma_wait3A_127 = tpu.memref_slice %arg10[%dma_wait3A_125, %dma_wait3A_126] : memref<32768x128xf32, #tpu.memory_space<hbm>> -> memref<64x128xf32, #tpu.memory_space<hbm>>
          tpu.wait_dma2 semaphore(%arg34 : memref<!tpu.dma_semaphore, #tpu.memory_space<semaphore_mem>>) src(%arg24 : memref<64x128xf32, #tpu.memory_space<vmem>>) dst(%dma_wait3A_127 : memref<64x128xf32, #tpu.memory_space<hbm>>)
          %dma_wait3A_128 = arith.constant 0 : i32
          %dma_wait3A_129 = arith.constant 0 : i32
          %dma_wait3A_130 = tpu.memref_slice %arg11[%dma_wait3A_128, %dma_wait3A_129] : memref<32768x128xf32, #tpu.memory_space<hbm>> -> memref<64x128xf32, #tpu.memory_space<hbm>>
          %dma_wait3A_131 = arith.constant 0 : i32
          %dma_wait3A_132 = arith.constant 0 : i32
          %dma_wait3A_133 = tpu.memref_slice %arg11[%dma_wait3A_131, %dma_wait3A_132] : memref<32768x128xf32, #tpu.memory_space<hbm>> -> memref<64x128xf32, #tpu.memory_space<hbm>>
          tpu.wait_dma2 semaphore(%arg34 : memref<!tpu.dma_semaphore, #tpu.memory_space<semaphore_mem>>) src(%arg25 : memref<64x128xf32, #tpu.memory_space<vmem>>) dst(%dma_wait3A_133 : memref<64x128xf32, #tpu.memory_space<hbm>>)
          %dma_wait3A_134 = arith.constant 0 : i32
          %dma_wait3A_135 = arith.constant 0 : i32
          %dma_wait3A_136 = tpu.memref_slice %arg12[%dma_wait3A_134, %dma_wait3A_135] : memref<32768x128xf32, #tpu.memory_space<hbm>> -> memref<64x128xf32, #tpu.memory_space<hbm>>
          %dma_wait3A_137 = arith.constant 0 : i32
          %dma_wait3A_138 = arith.constant 0 : i32
          %dma_wait3A_139 = tpu.memref_slice %arg12[%dma_wait3A_137, %dma_wait3A_138] : memref<32768x128xf32, #tpu.memory_space<hbm>> -> memref<64x128xf32, #tpu.memory_space<hbm>>
          tpu.wait_dma2 semaphore(%arg34 : memref<!tpu.dma_semaphore, #tpu.memory_space<semaphore_mem>>) src(%arg26 : memref<64x128xf32, #tpu.memory_space<vmem>>) dst(%dma_wait3A_139 : memref<64x128xf32, #tpu.memory_space<hbm>>)
          %dma_wait3A_140 = arith.constant 0 : i32
          %dma_wait3A_141 = arith.constant 0 : i32
          %dma_wait3A_142 = tpu.memref_slice %arg13[%dma_wait3A_140, %dma_wait3A_141] : memref<32768x128xf32, #tpu.memory_space<hbm>> -> memref<64x128xf32, #tpu.memory_space<hbm>>
          %dma_wait3A_143 = arith.constant 0 : i32
          %dma_wait3A_144 = arith.constant 0 : i32
          %dma_wait3A_145 = tpu.memref_slice %arg13[%dma_wait3A_143, %dma_wait3A_144] : memref<32768x128xf32, #tpu.memory_space<hbm>> -> memref<64x128xf32, #tpu.memory_space<hbm>>
          tpu.wait_dma2 semaphore(%arg34 : memref<!tpu.dma_semaphore, #tpu.memory_space<semaphore_mem>>) src(%arg27 : memref<64x128xf32, #tpu.memory_space<vmem>>) dst(%dma_wait3A_145 : memref<64x128xf32, #tpu.memory_space<hbm>>)
        } else {
        }
      } else {
      }
      %add3A_105 = arith.constant 1 : i32
      %add3A_106 = arith.addi %scan3A_90, %add3A_105 : i32
      %lt3A_107 = arith.constant 16 : i32
      %lt3A_108 = arith.cmpi slt, %add3A_106, %lt3A_107 : i32
      %convert_element_type3A_109 = arith.extui %lt3A_108 : i1 to i32
      %cond3A_110 = arith.constant 0 : i32
      %cond3A_111 = arith.cmpi ne, %convert_element_type3A_109, %cond3A_110 : i32
      scf.if %cond3A_111 {
        %eq3A_112 = arith.constant 0 : i32
        %eq3A_113 = arith.cmpi eq, %rem3A_92, %eq3A_112 : i32
        %convert_element_type3A_114 = arith.extui %eq3A_113 : i1 to i32
        %cond3A_115 = arith.constant 0 : i32
        %cond3A_116 = arith.cmpi ne, %convert_element_type3A_114, %cond3A_115 : i32
        scf.if %cond3A_116 {
          %add3A_122 = arith.constant 1 : i32
          %add3A_123 = arith.addi %scan3A_90, %add3A_122 : i32
          %mul3A_124 = arith.constant 64 : i32
          %mul3A_125 = arith.muli %add3A_123, %mul3A_124 : i32
          %dma_start3A_126 = tpu.memref_slice %arg21[%mul3A_125] : memref<1024xi32, #tpu.memory_space<vmem>> -> memref<64xi32, #tpu.memory_space<vmem>>
          %dma_start3A_127 = arith.constant 0 : i32
          %dma_start3A_128 = arith.constant 0 : i32
          %dma_start3A_129 = tpu.memref_slice %arg6[%dma_start3A_127, %dma_start3A_128] : memref<262144x128xf32, #tpu.memory_space<hbm>> -> memref<262144x128xf32, #tpu.memory_space<hbm>>
          tpu.enqueue_indirect_dma source(%dma_start3A_129 : memref<262144x128xf32, #tpu.memory_space<hbm>>) target(%arg28 : memref<64x128xf32, #tpu.memory_space<vmem>>) offsets(%dma_start3A_126 : memref<64xi32, #tpu.memory_space<vmem>>) semaphore(%arg33 : memref<!tpu.dma_semaphore, #tpu.memory_space<semaphore_mem>>)
          %dma_start3A_130 = tpu.memref_slice %arg20[%mul3A_125] : memref<1024xi32, #tpu.memory_space<vmem>> -> memref<64xi32, #tpu.memory_space<vmem>>
          %dma_start3A_131 = arith.constant 0 : i32
          %dma_start3A_132 = arith.constant 0 : i32
          %dma_start3A_133 = tpu.memref_slice %arg7[%dma_start3A_131, %dma_start3A_132] : memref<131072x128xf32, #tpu.memory_space<hbm>> -> memref<131072x128xf32, #tpu.memory_space<hbm>>
          tpu.enqueue_indirect_dma source(%dma_start3A_133 : memref<131072x128xf32, #tpu.memory_space<hbm>>) target(%arg29 : memref<64x128xf32, #tpu.memory_space<vmem>>) offsets(%dma_start3A_130 : memref<64xi32, #tpu.memory_space<vmem>>) semaphore(%arg33 : memref<!tpu.dma_semaphore, #tpu.memory_space<semaphore_mem>>)
          %dma_start3A_134 = tpu.memref_slice %arg19[%mul3A_125] : memref<1024xi32, #tpu.memory_space<vmem>> -> memref<64xi32, #tpu.memory_space<vmem>>
          %dma_start3A_135 = arith.constant 0 : i32
          %dma_start3A_136 = arith.constant 0 : i32
          %dma_start3A_137 = tpu.memref_slice %arg8[%dma_start3A_135, %dma_start3A_136] : memref<131072x128xf32, #tpu.memory_space<hbm>> -> memref<131072x128xf32, #tpu.memory_space<hbm>>
          tpu.enqueue_indirect_dma source(%dma_start3A_137 : memref<131072x128xf32, #tpu.memory_space<hbm>>) target(%arg30 : memref<64x128xf32, #tpu.memory_space<vmem>>) offsets(%dma_start3A_134 : memref<64xi32, #tpu.memory_space<vmem>>) semaphore(%arg33 : memref<!tpu.dma_semaphore, #tpu.memory_space<semaphore_mem>>)
          %dma_start3A_138 = tpu.memref_slice %arg18[%mul3A_125] : memref<1024xi32, #tpu.memory_space<vmem>> -> memref<64xi32, #tpu.memory_space<vmem>>
          %dma_start3A_139 = arith.constant 0 : i32
          %dma_start3A_140 = arith.constant 0 : i32
          %dma_start3A_141 = tpu.memref_slice %arg9[%dma_start3A_139, %dma_start3A_140] : memref<65536x128xf32, #tpu.memory_space<hbm>> -> memref<65536x128xf32, #tpu.memory_space<hbm>>
          tpu.enqueue_indirect_dma source(%dma_start3A_141 : memref<65536x128xf32, #tpu.memory_space<hbm>>) target(%arg31 : memref<64x128xf32, #tpu.memory_space<vmem>>) offsets(%dma_start3A_138 : memref<64xi32, #tpu.memory_space<vmem>>) semaphore(%arg33 : memref<!tpu.dma_semaphore, #tpu.memory_space<semaphore_mem>>)
        } else {
        }
        %eq3A_117 = arith.constant 1 : i32
        %eq3A_118 = arith.cmpi eq, %rem3A_92, %eq3A_117 : i32
        %convert_element_type3A_119 = arith.extui %eq3A_118 : i1 to i32
        %cond3A_120 = arith.constant 0 : i32
        %cond3A_121 = arith.cmpi ne, %convert_element_type3A_119, %cond3A_120 : i32
        scf.if %cond3A_121 {
          %add3A_122 = arith.constant 1 : i32
          %add3A_123 = arith.addi %scan3A_90, %add3A_122 : i32
          %mul3A_124 = arith.constant 64 : i32
          %mul3A_125 = arith.muli %add3A_123, %mul3A_124 : i32
          %dma_start3A_126 = tpu.memref_slice %arg21[%mul3A_125] : memref<1024xi32, #tpu.memory_space<vmem>> -> memref<64xi32, #tpu.memory_space<vmem>>
          %dma_start3A_127 = arith.constant 0 : i32
          %dma_start3A_128 = arith.constant 0 : i32
          %dma_start3A_129 = tpu.memref_slice %arg6[%dma_start3A_127, %dma_start3A_128] : memref<262144x128xf32, #tpu.memory_space<hbm>> -> memref<262144x128xf32, #tpu.memory_space<hbm>>
          tpu.enqueue_indirect_dma source(%dma_start3A_129 : memref<262144x128xf32, #tpu.memory_space<hbm>>) target(%arg24 : memref<64x128xf32, #tpu.memory_space<vmem>>) offsets(%dma_start3A_126 : memref<64xi32, #tpu.memory_space<vmem>>) semaphore(%arg32 : memref<!tpu.dma_semaphore, #tpu.memory_space<semaphore_mem>>)
          %dma_start3A_130 = tpu.memref_slice %arg20[%mul3A_125] : memref<1024xi32, #tpu.memory_space<vmem>> -> memref<64xi32, #tpu.memory_space<vmem>>
          %dma_start3A_131 = arith.constant 0 : i32
          %dma_start3A_132 = arith.constant 0 : i32
          %dma_start3A_133 = tpu.memref_slice %arg7[%dma_start3A_131, %dma_start3A_132] : memref<131072x128xf32, #tpu.memory_space<hbm>> -> memref<131072x128xf32, #tpu.memory_space<hbm>>
          tpu.enqueue_indirect_dma source(%dma_start3A_133 : memref<131072x128xf32, #tpu.memory_space<hbm>>) target(%arg25 : memref<64x128xf32, #tpu.memory_space<vmem>>) offsets(%dma_start3A_130 : memref<64xi32, #tpu.memory_space<vmem>>) semaphore(%arg32 : memref<!tpu.dma_semaphore, #tpu.memory_space<semaphore_mem>>)
          %dma_start3A_134 = tpu.memref_slice %arg19[%mul3A_125] : memref<1024xi32, #tpu.memory_space<vmem>> -> memref<64xi32, #tpu.memory_space<vmem>>
          %dma_start3A_135 = arith.constant 0 : i32
          %dma_start3A_136 = arith.constant 0 : i32
          %dma_start3A_137 = tpu.memref_slice %arg8[%dma_start3A_135, %dma_start3A_136] : memref<131072x128xf32, #tpu.memory_space<hbm>> -> memref<131072x128xf32, #tpu.memory_space<hbm>>
          tpu.enqueue_indirect_dma source(%dma_start3A_137 : memref<131072x128xf32, #tpu.memory_space<hbm>>) target(%arg26 : memref<64x128xf32, #tpu.memory_space<vmem>>) offsets(%dma_start3A_134 : memref<64xi32, #tpu.memory_space<vmem>>) semaphore(%arg32 : memref<!tpu.dma_semaphore, #tpu.memory_space<semaphore_mem>>)
          %dma_start3A_138 = tpu.memref_slice %arg18[%mul3A_125] : memref<1024xi32, #tpu.memory_space<vmem>> -> memref<64xi32, #tpu.memory_space<vmem>>
          %dma_start3A_139 = arith.constant 0 : i32
          %dma_start3A_140 = arith.constant 0 : i32
          %dma_start3A_141 = tpu.memref_slice %arg9[%dma_start3A_139, %dma_start3A_140] : memref<65536x128xf32, #tpu.memory_space<hbm>> -> memref<65536x128xf32, #tpu.memory_space<hbm>>
          tpu.enqueue_indirect_dma source(%dma_start3A_141 : memref<65536x128xf32, #tpu.memory_space<hbm>>) target(%arg27 : memref<64x128xf32, #tpu.memory_space<vmem>>) offsets(%dma_start3A_138 : memref<64xi32, #tpu.memory_space<vmem>>) semaphore(%arg32 : memref<!tpu.dma_semaphore, #tpu.memory_space<semaphore_mem>>)
        } else {
        }
      } else {
      }
    }
    %scan3A_66 = arith.constant 16 : i32
    %dma_wait3A = arith.constant 0 : i32
    %dma_wait3A_67 = arith.constant 0 : i32
    %dma_wait3A_68 = tpu.memref_slice %arg10[%dma_wait3A, %dma_wait3A_67] : memref<32768x128xf32, #tpu.memory_space<hbm>> -> memref<64x128xf32, #tpu.memory_space<hbm>>
    %dma_wait3A_69 = arith.constant 0 : i32
    %dma_wait3A_70 = arith.constant 0 : i32
    %dma_wait3A_71 = tpu.memref_slice %arg10[%dma_wait3A_69, %dma_wait3A_70] : memref<32768x128xf32, #tpu.memory_space<hbm>> -> memref<64x128xf32, #tpu.memory_space<hbm>>
    tpu.wait_dma2 semaphore(%arg35 : memref<!tpu.dma_semaphore, #tpu.memory_space<semaphore_mem>>) src(%arg28 : memref<64x128xf32, #tpu.memory_space<vmem>>) dst(%dma_wait3A_71 : memref<64x128xf32, #tpu.memory_space<hbm>>)
    %dma_wait3A_72 = arith.constant 0 : i32
    %dma_wait3A_73 = arith.constant 0 : i32
    %dma_wait3A_74 = tpu.memref_slice %arg11[%dma_wait3A_72, %dma_wait3A_73] : memref<32768x128xf32, #tpu.memory_space<hbm>> -> memref<64x128xf32, #tpu.memory_space<hbm>>
    %dma_wait3A_75 = arith.constant 0 : i32
    %dma_wait3A_76 = arith.constant 0 : i32
    %dma_wait3A_77 = tpu.memref_slice %arg11[%dma_wait3A_75, %dma_wait3A_76] : memref<32768x128xf32, #tpu.memory_space<hbm>> -> memref<64x128xf32, #tpu.memory_space<hbm>>
    tpu.wait_dma2 semaphore(%arg35 : memref<!tpu.dma_semaphore, #tpu.memory_space<semaphore_mem>>) src(%arg29 : memref<64x128xf32, #tpu.memory_space<vmem>>) dst(%dma_wait3A_77 : memref<64x128xf32, #tpu.memory_space<hbm>>)
    %dma_wait3A_78 = arith.constant 0 : i32
    %dma_wait3A_79 = arith.constant 0 : i32
    %dma_wait3A_80 = tpu.memref_slice %arg12[%dma_wait3A_78, %dma_wait3A_79] : memref<32768x128xf32, #tpu.memory_space<hbm>> -> memref<64x128xf32, #tpu.memory_space<hbm>>
    %dma_wait3A_81 = arith.constant 0 : i32
    %dma_wait3A_82 = arith.constant 0 : i32
    %dma_wait3A_83 = tpu.memref_slice %arg12[%dma_wait3A_81, %dma_wait3A_82] : memref<32768x128xf32, #tpu.memory_space<hbm>> -> memref<64x128xf32, #tpu.memory_space<hbm>>
    tpu.wait_dma2 semaphore(%arg35 : memref<!tpu.dma_semaphore, #tpu.memory_space<semaphore_mem>>) src(%arg30 : memref<64x128xf32, #tpu.memory_space<vmem>>) dst(%dma_wait3A_83 : memref<64x128xf32, #tpu.memory_space<hbm>>)
    %dma_wait3A_84 = arith.constant 0 : i32
    %dma_wait3A_85 = arith.constant 0 : i32
    %dma_wait3A_86 = tpu.memref_slice %arg13[%dma_wait3A_84, %dma_wait3A_85] : memref<32768x128xf32, #tpu.memory_space<hbm>> -> memref<64x128xf32, #tpu.memory_space<hbm>>
    %dma_wait3A_87 = arith.constant 0 : i32
    %dma_wait3A_88 = arith.constant 0 : i32
    %dma_wait3A_89 = tpu.memref_slice %arg13[%dma_wait3A_87, %dma_wait3A_88] : memref<32768x128xf32, #tpu.memory_space<hbm>> -> memref<64x128xf32, #tpu.memory_space<hbm>>
    tpu.wait_dma2 semaphore(%arg35 : memref<!tpu.dma_semaphore, #tpu.memory_space<semaphore_mem>>) src(%arg31 : memref<64x128xf32, #tpu.memory_space<vmem>>) dst(%dma_wait3A_89 : memref<64x128xf32, #tpu.memory_space<hbm>>)
    return
  }
}

module attributes {stable_mosaic.version = 14 : i64} {
  func.func @_pack_body(%arg0: i32, %arg1: i32, %arg2: memref<64x2048xf32, #tpu.memory_space<vmem>>, %arg3: memref<64x2048xf32, #tpu.memory_space<vmem>>, %arg4: memref<2048x128xf32, #tpu.memory_space<vmem>>) attributes {dimension_semantics = [#tpu.dimension_semantics<arbitrary>, #tpu.dimension_semantics<arbitrary>], iteration_bounds = array<i64: 16, 8>, scalar_prefetch = 0 : i64, scratch_operands = 0 : i64, tpu.core_type = #tpu.core_type<tc>, window_params = [{transform_indices = @transform_0, window_bounds = array<i64: 64, 2048>}, {transform_indices = @transform_1, window_bounds = array<i64: 64, 2048>}, {transform_indices = @transform_2, window_bounds = array<i64: 2048, 128>}]} {
    %get3A = arith.constant 0 : index
    %get3A_0 = arith.constant 0 : index
    %get3A_1 = vector.load %arg2[%get3A, %get3A_0] : memref<64x2048xf32, #tpu.memory_space<vmem>>, vector<64x2048xf32>
    %transpose3A = tpu.transpose %get3A_1, [1, 0] : vector<64x2048xf32> -> vector<2048x64xf32>
    %get3A_2 = arith.constant 0 : index
    %get3A_3 = arith.constant 0 : index
    %get3A_4 = vector.load %arg3[%get3A_2, %get3A_3] : memref<64x2048xf32, #tpu.memory_space<vmem>>, vector<64x2048xf32>
    %transpose3A_5 = tpu.transpose %get3A_4, [1, 0] : vector<64x2048xf32> -> vector<2048x64xf32>
    %concatenate3A = tpu.concatenate %transpose3A, %transpose3A_5 in 1 : vector<2048x64xf32>, vector<2048x64xf32> -> vector<2048x128xf32>
    %swap3A = arith.constant 0 : index
    %swap3A_6 = arith.constant 0 : index
    %swap3A_7 = vector.load %arg4[%swap3A, %swap3A_6] : memref<2048x128xf32, #tpu.memory_space<vmem>>, vector<2048x128xf32>
    tpu.vector_store %arg4[%swap3A, %swap3A_6], %concatenate3A {strides = array<i32>} : memref<2048x128xf32, #tpu.memory_space<vmem>>, vector<2048x128xf32>,
    return
  }
  func.func @transform_0(%arg0: i32, %arg1: i32) -> (i32, i32) {
    %c0_i32 = arith.constant 0 : i32
    return %arg0, %arg1 : i32, i32
  }
  func.func @transform_1(%arg0: i32, %arg1: i32) -> (i32, i32) {
    %add3A = arith.constant 8 : i32
    %add3A_0 = arith.addi %arg1, %add3A : i32
    %c0_i32 = arith.constant 0 : i32
    return %arg0, %add3A_0 : i32, i32
  }
  func.func @transform_2(%arg0: i32, %arg1: i32) -> (i32, i32) {
    %mul3A = arith.constant 8 : i32
    %mul3A_0 = arith.muli %arg0, %mul3A : i32
    %add3A = arith.addi %mul3A_0, %arg1 : i32
    %c0_i32 = arith.constant 0 : i32
    %c0_i32_1 = arith.constant 0 : i32
    return %add3A, %c0_i32 : i32, i32
  }
}

module attributes {stable_mosaic.version = 14 : i64} {
  func.func @_pack_body(%arg0: i32, %arg1: i32, %arg2: memref<64x2048xf32, #tpu.memory_space<vmem>>, %arg3: memref<64x2048xf32, #tpu.memory_space<vmem>>, %arg4: memref<2048x128xf32, #tpu.memory_space<vmem>>) attributes {dimension_semantics = [#tpu.dimension_semantics<arbitrary>, #tpu.dimension_semantics<arbitrary>], iteration_bounds = array<i64: 16, 4>, scalar_prefetch = 0 : i64, scratch_operands = 0 : i64, tpu.core_type = #tpu.core_type<tc>, window_params = [{transform_indices = @transform_0, window_bounds = array<i64: 64, 2048>}, {transform_indices = @transform_1, window_bounds = array<i64: 64, 2048>}, {transform_indices = @transform_2, window_bounds = array<i64: 2048, 128>}]} {
    %get3A = arith.constant 0 : index
    %get3A_0 = arith.constant 0 : index
    %get3A_1 = vector.load %arg2[%get3A, %get3A_0] : memref<64x2048xf32, #tpu.memory_space<vmem>>, vector<64x2048xf32>
    %transpose3A = tpu.transpose %get3A_1, [1, 0] : vector<64x2048xf32> -> vector<2048x64xf32>
    %get3A_2 = arith.constant 0 : index
    %get3A_3 = arith.constant 0 : index
    %get3A_4 = vector.load %arg3[%get3A_2, %get3A_3] : memref<64x2048xf32, #tpu.memory_space<vmem>>, vector<64x2048xf32>
    %transpose3A_5 = tpu.transpose %get3A_4, [1, 0] : vector<64x2048xf32> -> vector<2048x64xf32>
    %concatenate3A = tpu.concatenate %transpose3A, %transpose3A_5 in 1 : vector<2048x64xf32>, vector<2048x64xf32> -> vector<2048x128xf32>
    %swap3A = arith.constant 0 : index
    %swap3A_6 = arith.constant 0 : index
    %swap3A_7 = vector.load %arg4[%swap3A, %swap3A_6] : memref<2048x128xf32, #tpu.memory_space<vmem>>, vector<2048x128xf32>
    tpu.vector_store %arg4[%swap3A, %swap3A_6], %concatenate3A {strides = array<i32>} : memref<2048x128xf32, #tpu.memory_space<vmem>>, vector<2048x128xf32>,
    return
  }
  func.func @transform_0(%arg0: i32, %arg1: i32) -> (i32, i32) {
    %c0_i32 = arith.constant 0 : i32
    return %arg0, %arg1 : i32, i32
  }
  func.func @transform_1(%arg0: i32, %arg1: i32) -> (i32, i32) {
    %add3A = arith.constant 4 : i32
    %add3A_0 = arith.addi %arg1, %add3A : i32
    %c0_i32 = arith.constant 0 : i32
    return %arg0, %add3A_0 : i32, i32
  }
  func.func @transform_2(%arg0: i32, %arg1: i32) -> (i32, i32) {
    %mul3A = arith.constant 4 : i32
    %mul3A_0 = arith.muli %arg0, %mul3A : i32
    %add3A = arith.addi %mul3A_0, %arg1 : i32
    %c0_i32 = arith.constant 0 : i32
    %c0_i32_1 = arith.constant 0 : i32
    return %add3A, %c0_i32 : i32, i32
  }
}

module attributes {stable_mosaic.version = 14 : i64} {
  func.func @_fused_body(%arg0: i32, %arg1: i32, %arg2: memref<1x1xi32, #tpu.memory_space<smem>>, %arg3: memref<2048x128xf32, #tpu.memory_space<vmem>>, %arg4: memref<2048x128xf32, #tpu.memory_space<vmem>>, %arg5: memref<2048x128xf32, #tpu.memory_space<vmem>>, %arg6: memref<2048x128xf32, #tpu.memory_space<vmem>>, %arg7: memref<2048x256xf32, #tpu.memory_space<vmem>>, %arg8: memref<128x256xf32, #tpu.memory_space<vmem>>, %arg9: memref<128x256xf32, #tpu.memory_space<vmem>>, %arg10: memref<128x256xf32, #tpu.memory_space<vmem>>, %arg11: memref<128x256xf32, #tpu.memory_space<vmem>>, %arg12: memref<256x256xf32, #tpu.memory_space<vmem>>, %arg13: memref<4x256xf32, #tpu.memory_space<vmem>>, %arg14: memref<4x256xf32, #tpu.memory_space<vmem>>, %arg15: memref<1x256xf32, #tpu.memory_space<vmem>>, %arg16: memref<1x256xf32, #tpu.memory_space<vmem>>, %arg17: memref<2048x256xf32, #tpu.memory_space<vmem>>, %arg18: memref<32768x256xf32, #tpu.memory_space<vmem>>, %arg19: memref<4x256xf32, #tpu.memory_space<vmem>>, %arg20: memref<4x256xf32, #tpu.memory_space<vmem>>, %arg21: memref<1x256xf32, #tpu.memory_space<vmem>>, %arg22: memref<1x256xf32, #tpu.memory_space<vmem>>) attributes {dimension_semantics = [#tpu.dimension_semantics<arbitrary>, #tpu.dimension_semantics<arbitrary>], iteration_bounds = array<i64: 3, 16>, scalar_prefetch = 0 : i64, scratch_operands = 5 : i64, tpu.core_type = #tpu.core_type<tc>, window_params = [{transform_indices = @transform_0, window_bounds = array<i64: 1, 1>}, {transform_indices = @transform_1, window_bounds = array<i64: 2048, 128>}, {transform_indices = @transform_2, window_bounds = array<i64: 2048, 128>}, {transform_indices = @transform_3, window_bounds = array<i64: 2048, 128>}, {transform_indices = @transform_4, window_bounds = array<i64: 2048, 128>}, {transform_indices = @transform_5, window_bounds = array<i64: 2048, 256>}, {pipeline_mode = #tpu.pipeline_mode<synchronous>, transform_indices = @transform_6, window_bounds = array<i64: 128, 256>}, {pipeline_mode = #tpu.pipeline_mode<synchronous>, transform_indices = @transform_7, window_bounds = array<i64: 128, 256>}, {pipeline_mode = #tpu.pipeline_mode<synchronous>, transform_indices = @transform_8, window_bounds = array<i64: 128, 256>}, {pipeline_mode = #tpu.pipeline_mode<synchronous>, transform_indices = @transform_9, window_bounds = array<i64: 128, 256>}, {pipeline_mode = #tpu.pipeline_mode<synchronous>, transform_indices = @transform_10, window_bounds = array<i64: 256, 256>}, {pipeline_mode = #tpu.pipeline_mode<synchronous>, transform_indices = @transform_11, window_bounds = array<i64: 4, 256>}, {pipeline_mode = #tpu.pipeline_mode<synchronous>, transform_indices = @transform_12, window_bounds = array<i64: 4, 256>}, {pipeline_mode = #tpu.pipeline_mode<synchronous>, transform_indices = @transform_13, window_bounds = array<i64: 1, 256>}, {pipeline_mode = #tpu.pipeline_mode<synchronous>, transform_indices = @transform_14, window_bounds = array<i64: 1, 256>}, {transform_indices = @transform_15, window_bounds = array<i64: 2048, 256>}]} {
    %eq3A = arith.constant 0 : i32
    %eq3A_0 = arith.cmpi eq, %arg0, %eq3A : i32
    %eq3A_1 = arith.constant 0 : i32
    %eq3A_2 = arith.cmpi eq, %arg1, %eq3A_1 : i32
    %and3A = arith.andi %eq3A_0, %eq3A_2 : i1
    %convert_element_type3A = arith.extui %and3A : i1 to i32
    %cond3A = arith.constant 0 : i32
    %cond3A_3 = arith.cmpi ne, %convert_element_type3A, %cond3A : i32
    scf.if %cond3A_3 {
      %broadcast_in_dim3A = arith.constant 0.000000e+00 : f32
      %broadcast_in_dim3A_19 = vector.broadcast %broadcast_in_dim3A : f32 to vector<4x256xf32>
      %swap3A = arith.constant 0 : index
      %swap3A_20 = arith.constant 0 : index
      %swap3A_21 = vector.load %arg19[%swap3A, %swap3A_20] : memref<4x256xf32, #tpu.memory_space<vmem>>, vector<4x256xf32>
      tpu.vector_store %arg19[%swap3A, %swap3A_20], %broadcast_in_dim3A_19 {strides = array<i32>} : memref<4x256xf32, #tpu.memory_space<vmem>>, vector<4x256xf32>,
      %broadcast_in_dim3A_22 = arith.constant 0.000000e+00 : f32
      %broadcast_in_dim3A_23 = vector.broadcast %broadcast_in_dim3A_22 : f32 to vector<4x256xf32>
      %swap3A_24 = arith.constant 0 : index
      %swap3A_25 = arith.constant 0 : index
      %swap3A_26 = vector.load %arg20[%swap3A_24, %swap3A_25] : memref<4x256xf32, #tpu.memory_space<vmem>>, vector<4x256xf32>
      tpu.vector_store %arg20[%swap3A_24, %swap3A_25], %broadcast_in_dim3A_23 {strides = array<i32>} : memref<4x256xf32, #tpu.memory_space<vmem>>, vector<4x256xf32>,
      %broadcast_in_dim3A_27 = arith.constant 0.000000e+00 : f32
      %broadcast_in_dim3A_28 = vector.broadcast %broadcast_in_dim3A_27 : f32 to vector<1x256xf32>
      %swap3A_29 = arith.constant 0 : index
      %swap3A_30 = arith.constant 0 : index
      %swap3A_31 = vector.load %arg21[%swap3A_29, %swap3A_30] : memref<1x256xf32, #tpu.memory_space<vmem>>, vector<1x256xf32>
      tpu.vector_store %arg21[%swap3A_29, %swap3A_30], %broadcast_in_dim3A_28 {strides = array<i32>} : memref<1x256xf32, #tpu.memory_space<vmem>>, vector<1x256xf32>,
      %broadcast_in_dim3A_32 = arith.constant 0.000000e+00 : f32
      %broadcast_in_dim3A_33 = vector.broadcast %broadcast_in_dim3A_32 : f32 to vector<1x256xf32>
      %swap3A_34 = arith.constant 0 : index
      %swap3A_35 = arith.constant 0 : index
      %swap3A_36 = vector.load %arg22[%swap3A_34, %swap3A_35] : memref<1x256xf32, #tpu.memory_space<vmem>>, vector<1x256xf32>
      tpu.vector_store %arg22[%swap3A_34, %swap3A_35], %broadcast_in_dim3A_33 {strides = array<i32>} : memref<1x256xf32, #tpu.memory_space<vmem>>, vector<1x256xf32>,
    } else {
    }
    %eq3A_4 = arith.constant 0 : i32
    %eq3A_5 = arith.cmpi eq, %arg0, %eq3A_4 : i32
    %convert_element_type3A_6 = arith.extui %eq3A_5 : i1 to i32
    %cond3A_7 = arith.constant 0 : i32
    %cond3A_8 = arith.cmpi ne, %convert_element_type3A_6, %cond3A_7 : i32
    scf.if %cond3A_8 {
      %get3A = arith.constant 0 : index
      %get3A_19 = arith.constant 0 : index
      %get3A_20 = vector.load %arg3[%get3A, %get3A_19] : memref<2048x128xf32, #tpu.memory_space<vmem>>, vector<2048x128xf32>
      %get3A_21 = arith.constant 0 : index
      %get3A_22 = arith.constant 0 : index
      %get3A_23 = vector.load %arg8[%get3A_21, %get3A_22] : memref<128x256xf32, #tpu.memory_space<vmem>>, vector<128x256xf32>
      %dot_general3A = arith.constant dense<0.000000e+00> : vector<2048x256xf32>
      %dot_general3A_24 = tpu.matmul %get3A_20, %get3A_23, %dot_general3A {dimension_numbers = #tpu.dot_dimension_numbers<[1], [0], [0], [1], [0, 0, 1, 1], [], []>, transpose_lhs_hint = false} : vector<2048x128xf32>, vector<128x256xf32>, vector<2048x256xf32> -> vector<2048x256xf32>
      %get3A_25 = arith.constant 0 : index
      %get3A_26 = arith.constant 0 : index
      %get3A_27 = vector.load %arg19[%get3A_25, %get3A_26] : memref<4x256xf32, #tpu.memory_space<vmem>>, vector<1x256xf32>
      %reduce_sum3A = arith.constant dense<0.000000e+00> : vector<256xf32>
      %reduce_sum3A_28 = vector.multi_reduction <add>, %dot_general3A_24, %reduce_sum3A [0] : vector<2048x256xf32> to vector<256xf32>
      %broadcast_in_dim3A = vector.shape_cast %reduce_sum3A_28 : vector<256xf32> to vector<1x256xf32>
      %add3A = arith.addf %get3A_27, %broadcast_in_dim3A : vector<1x256xf32>
      %swap3A = arith.constant 0 : index
      %swap3A_29 = arith.constant 0 : index
      %swap3A_30 = vector.load %arg19[%swap3A, %swap3A_29] : memref<4x256xf32, #tpu.memory_space<vmem>>, vector<1x256xf32>
      tpu.vector_store %arg19[%swap3A, %swap3A_29], %add3A {strides = array<i32>} : memref<4x256xf32, #tpu.memory_space<vmem>>, vector<1x256xf32>,
      %get3A_31 = arith.constant 0 : index
      %get3A_32 = arith.constant 0 : index
      %get3A_33 = vector.load %arg20[%get3A_31, %get3A_32] : memref<4x256xf32, #tpu.memory_space<vmem>>, vector<1x256xf32>
      %mul3A = arith.mulf %dot_general3A_24, %dot_general3A_24 : vector<2048x256xf32>
      %reduce_sum3A_34 = arith.constant dense<0.000000e+00> : vector<256xf32>
      %reduce_sum3A_35 = vector.multi_reduction <add>, %mul3A, %reduce_sum3A_34 [0] : vector<2048x256xf32> to vector<256xf32>
      %broadcast_in_dim3A_36 = vector.shape_cast %reduce_sum3A_35 : vector<256xf32> to vector<1x256xf32>
      %add3A_37 = arith.addf %get3A_33, %broadcast_in_dim3A_36 : vector<1x256xf32>
      %swap3A_38 = arith.constant 0 : index
      %swap3A_39 = arith.constant 0 : index
      %swap3A_40 = vector.load %arg20[%swap3A_38, %swap3A_39] : memref<4x256xf32, #tpu.memory_space<vmem>>, vector<1x256xf32>
      tpu.vector_store %arg20[%swap3A_38, %swap3A_39], %add3A_37 {strides = array<i32>} : memref<4x256xf32, #tpu.memory_space<vmem>>, vector<1x256xf32>,
      %get3A_41 = arith.constant 0 : index
      %get3A_42 = arith.constant 0 : index
      %get3A_43 = vector.load %arg4[%get3A_41, %get3A_42] : memref<2048x128xf32, #tpu.memory_space<vmem>>, vector<2048x128xf32>
      %get3A_44 = arith.constant 0 : index
      %get3A_45 = arith.constant 0 : index
      %get3A_46 = vector.load %arg9[%get3A_44, %get3A_45] : memref<128x256xf32, #tpu.memory_space<vmem>>, vector<128x256xf32>
      %dot_general3A_47 = arith.constant dense<0.000000e+00> : vector<2048x256xf32>
      %dot_general3A_48 = tpu.matmul %get3A_43, %get3A_46, %dot_general3A_47 {dimension_numbers = #tpu.dot_dimension_numbers<[1], [0], [0], [1], [0, 0, 1, 1], [], []>, transpose_lhs_hint = false} : vector<2048x128xf32>, vector<128x256xf32>, vector<2048x256xf32> -> vector<2048x256xf32>
      %get3A_49 = arith.constant 1 : index
      %get3A_50 = arith.constant 0 : index
      %get3A_51 = vector.load %arg19[%get3A_49, %get3A_50] : memref<4x256xf32, #tpu.memory_space<vmem>>, vector<1x256xf32>
      %reduce_sum3A_52 = arith.constant dense<0.000000e+00> : vector<256xf32>
      %reduce_sum3A_53 = vector.multi_reduction <add>, %dot_general3A_48, %reduce_sum3A_52 [0] : vector<2048x256xf32> to vector<256xf32>
      %broadcast_in_dim3A_54 = vector.shape_cast %reduce_sum3A_53 : vector<256xf32> to vector<1x256xf32>
      %add3A_55 = arith.addf %get3A_51, %broadcast_in_dim3A_54 : vector<1x256xf32>
      %swap3A_56 = arith.constant 1 : index
      %swap3A_57 = arith.constant 0 : index
      %swap3A_58 = vector.load %arg19[%swap3A_56, %swap3A_57] : memref<4x256xf32, #tpu.memory_space<vmem>>, vector<1x256xf32>
      tpu.vector_store %arg19[%swap3A_56, %swap3A_57], %add3A_55 {strides = array<i32>} : memref<4x256xf32, #tpu.memory_space<vmem>>, vector<1x256xf32>,
      %get3A_59 = arith.constant 1 : index
      %get3A_60 = arith.constant 0 : index
      %get3A_61 = vector.load %arg20[%get3A_59, %get3A_60] : memref<4x256xf32, #tpu.memory_space<vmem>>, vector<1x256xf32>
      %mul3A_62 = arith.mulf %dot_general3A_48, %dot_general3A_48 : vector<2048x256xf32>
      %reduce_sum3A_63 = arith.constant dense<0.000000e+00> : vector<256xf32>
      %reduce_sum3A_64 = vector.multi_reduction <add>, %mul3A_62, %reduce_sum3A_63 [0] : vector<2048x256xf32> to vector<256xf32>
      %broadcast_in_dim3A_65 = vector.shape_cast %reduce_sum3A_64 : vector<256xf32> to vector<1x256xf32>
      %add3A_66 = arith.addf %get3A_61, %broadcast_in_dim3A_65 : vector<1x256xf32>
      %swap3A_67 = arith.constant 1 : index
      %swap3A_68 = arith.constant 0 : index
      %swap3A_69 = vector.load %arg20[%swap3A_67, %swap3A_68] : memref<4x256xf32, #tpu.memory_space<vmem>>, vector<1x256xf32>
      tpu.vector_store %arg20[%swap3A_67, %swap3A_68], %add3A_66 {strides = array<i32>} : memref<4x256xf32, #tpu.memory_space<vmem>>, vector<1x256xf32>,
      %get3A_70 = arith.constant 0 : index
      %get3A_71 = arith.constant 0 : index
      %get3A_72 = vector.load %arg5[%get3A_70, %get3A_71] : memref<2048x128xf32, #tpu.memory_space<vmem>>, vector<2048x128xf32>
      %get3A_73 = arith.constant 0 : index
      %get3A_74 = arith.constant 0 : index
      %get3A_75 = vector.load %arg10[%get3A_73, %get3A_74] : memref<128x256xf32, #tpu.memory_space<vmem>>, vector<128x256xf32>
      %dot_general3A_76 = arith.constant dense<0.000000e+00> : vector<2048x256xf32>
      %dot_general3A_77 = tpu.matmul %get3A_72, %get3A_75, %dot_general3A_76 {dimension_numbers = #tpu.dot_dimension_numbers<[1], [0], [0], [1], [0, 0, 1, 1], [], []>, transpose_lhs_hint = false} : vector<2048x128xf32>, vector<128x256xf32>, vector<2048x256xf32> -> vector<2048x256xf32>
      %get3A_78 = arith.constant 2 : index
      %get3A_79 = arith.constant 0 : index
      %get3A_80 = vector.load %arg19[%get3A_78, %get3A_79] : memref<4x256xf32, #tpu.memory_space<vmem>>, vector<1x256xf32>
      %reduce_sum3A_81 = arith.constant dense<0.000000e+00> : vector<256xf32>
      %reduce_sum3A_82 = vector.multi_reduction <add>, %dot_general3A_77, %reduce_sum3A_81 [0] : vector<2048x256xf32> to vector<256xf32>
      %broadcast_in_dim3A_83 = vector.shape_cast %reduce_sum3A_82 : vector<256xf32> to vector<1x256xf32>
      %add3A_84 = arith.addf %get3A_80, %broadcast_in_dim3A_83 : vector<1x256xf32>
      %swap3A_85 = arith.constant 2 : index
      %swap3A_86 = arith.constant 0 : index
      %swap3A_87 = vector.load %arg19[%swap3A_85, %swap3A_86] : memref<4x256xf32, #tpu.memory_space<vmem>>, vector<1x256xf32>
      tpu.vector_store %arg19[%swap3A_85, %swap3A_86], %add3A_84 {strides = array<i32>} : memref<4x256xf32, #tpu.memory_space<vmem>>, vector<1x256xf32>,
      %get3A_88 = arith.constant 2 : index
      %get3A_89 = arith.constant 0 : index
      %get3A_90 = vector.load %arg20[%get3A_88, %get3A_89] : memref<4x256xf32, #tpu.memory_space<vmem>>, vector<1x256xf32>
      %mul3A_91 = arith.mulf %dot_general3A_77, %dot_general3A_77 : vector<2048x256xf32>
      %reduce_sum3A_92 = arith.constant dense<0.000000e+00> : vector<256xf32>
      %reduce_sum3A_93 = vector.multi_reduction <add>, %mul3A_91, %reduce_sum3A_92 [0] : vector<2048x256xf32> to vector<256xf32>
      %broadcast_in_dim3A_94 = vector.shape_cast %reduce_sum3A_93 : vector<256xf32> to vector<1x256xf32>
      %add3A_95 = arith.addf %get3A_90, %broadcast_in_dim3A_94 : vector<1x256xf32>
      %swap3A_96 = arith.constant 2 : index
      %swap3A_97 = arith.constant 0 : index
      %swap3A_98 = vector.load %arg20[%swap3A_96, %swap3A_97] : memref<4x256xf32, #tpu.memory_space<vmem>>, vector<1x256xf32>
      tpu.vector_store %arg20[%swap3A_96, %swap3A_97], %add3A_95 {strides = array<i32>} : memref<4x256xf32, #tpu.memory_space<vmem>>, vector<1x256xf32>,
      %get3A_99 = arith.constant 0 : index
      %get3A_100 = arith.constant 0 : index
      %get3A_101 = vector.load %arg6[%get3A_99, %get3A_100] : memref<2048x128xf32, #tpu.memory_space<vmem>>, vector<2048x128xf32>
      %get3A_102 = arith.constant 0 : index
      %get3A_103 = arith.constant 0 : index
      %get3A_104 = vector.load %arg11[%get3A_102, %get3A_103] : memref<128x256xf32, #tpu.memory_space<vmem>>, vector<128x256xf32>
      %dot_general3A_105 = arith.constant dense<0.000000e+00> : vector<2048x256xf32>
      %dot_general3A_106 = tpu.matmul %get3A_101, %get3A_104, %dot_general3A_105 {dimension_numbers = #tpu.dot_dimension_numbers<[1], [0], [0], [1], [0, 0, 1, 1], [], []>, transpose_lhs_hint = false} : vector<2048x128xf32>, vector<128x256xf32>, vector<2048x256xf32> -> vector<2048x256xf32>
      %get3A_107 = arith.constant 3 : index
      %get3A_108 = arith.constant 0 : index
      %get3A_109 = vector.load %arg19[%get3A_107, %get3A_108] : memref<4x256xf32, #tpu.memory_space<vmem>>, vector<1x256xf32>
      %reduce_sum3A_110 = arith.constant dense<0.000000e+00> : vector<256xf32>
      %reduce_sum3A_111 = vector.multi_reduction <add>, %dot_general3A_106, %reduce_sum3A_110 [0] : vector<2048x256xf32> to vector<256xf32>
      %broadcast_in_dim3A_112 = vector.shape_cast %reduce_sum3A_111 : vector<256xf32> to vector<1x256xf32>
      %add3A_113 = arith.addf %get3A_109, %broadcast_in_dim3A_112 : vector<1x256xf32>
      %swap3A_114 = arith.constant 3 : index
      %swap3A_115 = arith.constant 0 : index
      %swap3A_116 = vector.load %arg19[%swap3A_114, %swap3A_115] : memref<4x256xf32, #tpu.memory_space<vmem>>, vector<1x256xf32>
      tpu.vector_store %arg19[%swap3A_114, %swap3A_115], %add3A_113 {strides = array<i32>} : memref<4x256xf32, #tpu.memory_space<vmem>>, vector<1x256xf32>,
      %get3A_117 = arith.constant 3 : index
      %get3A_118 = arith.constant 0 : index
      %get3A_119 = vector.load %arg20[%get3A_117, %get3A_118] : memref<4x256xf32, #tpu.memory_space<vmem>>, vector<1x256xf32>
      %mul3A_120 = arith.mulf %dot_general3A_106, %dot_general3A_106 : vector<2048x256xf32>
      %reduce_sum3A_121 = arith.constant dense<0.000000e+00> : vector<256xf32>
      %reduce_sum3A_122 = vector.multi_reduction <add>, %mul3A_120, %reduce_sum3A_121 [0] : vector<2048x256xf32> to vector<256xf32>
      %broadcast_in_dim3A_123 = vector.shape_cast %reduce_sum3A_122 : vector<256xf32> to vector<1x256xf32>
      %add3A_124 = arith.addf %get3A_119, %broadcast_in_dim3A_123 : vector<1x256xf32>
      %swap3A_125 = arith.constant 3 : index
      %swap3A_126 = arith.constant 0 : index
      %swap3A_127 = vector.load %arg20[%swap3A_125, %swap3A_126] : memref<4x256xf32, #tpu.memory_space<vmem>>, vector<1x256xf32>
      tpu.vector_store %arg20[%swap3A_125, %swap3A_126], %add3A_124 {strides = array<i32>} : memref<4x256xf32, #tpu.memory_space<vmem>>, vector<1x256xf32>,
    } else {
    }
    %eq3A_9 = arith.constant 1 : i32
    %eq3A_10 = arith.cmpi eq, %arg0, %eq3A_9 : i32
    %convert_element_type3A_11 = arith.extui %eq3A_10 : i1 to i32
    %cond3A_12 = arith.constant 0 : i32
    %cond3A_13 = arith.cmpi ne, %convert_element_type3A_11, %cond3A_12 : i32
    scf.if %cond3A_13 {
      %get3A = arith.constant 0 : index
      %get3A_19 = arith.constant 0 : index
      %get3A_20 = vector.load %arg7[%get3A, %get3A_19] : memref<2048x256xf32, #tpu.memory_space<vmem>>, vector<2048x256xf32>
      %get3A_21 = arith.constant 0 : index
      %get3A_22 = arith.constant 0 : index
      %get3A_23 = vector.load %arg3[%get3A_21, %get3A_22] : memref<2048x128xf32, #tpu.memory_space<vmem>>, vector<2048x128xf32>
      %get3A_24 = arith.constant 0 : index
      %get3A_25 = arith.constant 0 : index
      %get3A_26 = vector.load %arg8[%get3A_24, %get3A_25] : memref<128x256xf32, #tpu.memory_space<vmem>>, vector<128x256xf32>
      %dot_general3A = arith.constant dense<0.000000e+00> : vector<2048x256xf32>
      %dot_general3A_27 = tpu.matmul %get3A_23, %get3A_26, %dot_general3A {dimension_numbers = #tpu.dot_dimension_numbers<[1], [0], [0], [1], [0, 0, 1, 1], [], []>, transpose_lhs_hint = false} : vector<2048x128xf32>, vector<128x256xf32>, vector<2048x256xf32> -> vector<2048x256xf32>
      %get3A_28 = arith.constant 0 : index
      %get3A_29 = arith.constant 0 : index
      %get3A_30 = vector.load %arg19[%get3A_28, %get3A_29] : memref<4x256xf32, #tpu.memory_space<vmem>>, vector<1x256xf32>
      %mul3A = arith.constant 3.05175781E-5 : f32
      %mul3A_31 = vector.broadcast %mul3A : f32 to vector<1x256xf32>
      %mul3A_32 = arith.mulf %get3A_30, %mul3A_31 : vector<1x256xf32>
      %get3A_33 = arith.constant 0 : index
      %get3A_34 = arith.constant 0 : index
      %get3A_35 = vector.load %arg20[%get3A_33, %get3A_34] : memref<4x256xf32, #tpu.memory_space<vmem>>, vector<1x256xf32>
      %mul3A_36 = arith.constant 3.05175781E-5 : f32
      %mul3A_37 = vector.broadcast %mul3A_36 : f32 to vector<1x256xf32>
      %mul3A_38 = arith.mulf %get3A_35, %mul3A_37 : vector<1x256xf32>
      %mul3A_39 = arith.mulf %mul3A_32, %mul3A_32 : vector<1x256xf32>
      %sub3A = arith.subf %mul3A_38, %mul3A_39 : vector<1x256xf32>
      %get3A_40 = arith.constant 0 : index
      %get3A_41 = arith.constant 0 : index
      %get3A_42 = vector.load %arg13[%get3A_40, %get3A_41] : memref<4x256xf32, #tpu.memory_space<vmem>>, vector<1x256xf32>
      %add3A = arith.constant 9.99999974E-6 : f32
      %add3A_43 = vector.broadcast %add3A : f32 to vector<1x256xf32>
      %add3A_44 = arith.addf %sub3A, %add3A_43 : vector<1x256xf32>
      %rsqrt3A = math.rsqrt %add3A_44 : vector<1x256xf32>
      %mul3A_45 = arith.mulf %get3A_42, %rsqrt3A : vector<1x256xf32>
      %sub3A_46 = vector.broadcast %mul3A_32 : vector<1x256xf32> to vector<2048x256xf32>
      %sub3A_47 = arith.subf %dot_general3A_27, %sub3A_46 : vector<2048x256xf32>
      %mul3A_48 = vector.broadcast %mul3A_45 : vector<1x256xf32> to vector<2048x256xf32>
      %mul3A_49 = arith.mulf %mul3A_48, %sub3A_47 : vector<2048x256xf32>
      %get3A_50 = arith.constant 0 : index
      %get3A_51 = arith.constant 0 : index
      %get3A_52 = vector.load %arg14[%get3A_50, %get3A_51] : memref<4x256xf32, #tpu.memory_space<vmem>>, vector<1x256xf32>
      %add3A_53 = vector.broadcast %get3A_52 : vector<1x256xf32> to vector<2048x256xf32>
      %add3A_54 = arith.addf %mul3A_49, %add3A_53 : vector<2048x256xf32>
      %ge3A = arith.constant 0.000000e+00 : f32
      %ge3A_55 = vector.broadcast %ge3A : f32 to vector<2048x256xf32>
      %ge3A_56 = arith.cmpf oge, %add3A_54, %ge3A_55 : vector<2048x256xf32>
      %mul3A_57 = arith.constant 2.000000e-01 : f32
      %mul3A_58 = vector.broadcast %mul3A_57 : f32 to vector<2048x256xf32>
      %mul3A_59 = arith.mulf %mul3A_58, %add3A_54 : vector<2048x256xf32>
      %select_n3A = arith.select %ge3A_56, %add3A_54, %mul3A_59 : vector<2048x256xi1>, vector<2048x256xf32>
      %add3A_60 = arith.addf %get3A_20, %select_n3A : vector<2048x256xf32>
      %get3A_61 = arith.constant 0 : index
      %get3A_62 = arith.constant 0 : index
      %get3A_63 = vector.load %arg4[%get3A_61, %get3A_62] : memref<2048x128xf32, #tpu.memory_space<vmem>>, vector<2048x128xf32>
      %get3A_64 = arith.constant 0 : index
      %get3A_65 = arith.constant 0 : index
      %get3A_66 = vector.load %arg9[%get3A_64, %get3A_65] : memref<128x256xf32, #tpu.memory_space<vmem>>, vector<128x256xf32>
      %dot_general3A_67 = arith.constant dense<0.000000e+00> : vector<2048x256xf32>
      %dot_general3A_68 = tpu.matmul %get3A_63, %get3A_66, %dot_general3A_67 {dimension_numbers = #tpu.dot_dimension_numbers<[1], [0], [0], [1], [0, 0, 1, 1], [], []>, transpose_lhs_hint = false} : vector<2048x128xf32>, vector<128x256xf32>, vector<2048x256xf32> -> vector<2048x256xf32>
      %get3A_69 = arith.constant 1 : index
      %get3A_70 = arith.constant 0 : index
      %get3A_71 = vector.load %arg19[%get3A_69, %get3A_70] : memref<4x256xf32, #tpu.memory_space<vmem>>, vector<1x256xf32>
      %mul3A_72 = arith.constant 3.05175781E-5 : f32
      %mul3A_73 = vector.broadcast %mul3A_72 : f32 to vector<1x256xf32>
      %mul3A_74 = arith.mulf %get3A_71, %mul3A_73 : vector<1x256xf32>
      %get3A_75 = arith.constant 1 : index
      %get3A_76 = arith.constant 0 : index
      %get3A_77 = vector.load %arg20[%get3A_75, %get3A_76] : memref<4x256xf32, #tpu.memory_space<vmem>>, vector<1x256xf32>
      %mul3A_78 = arith.constant 3.05175781E-5 : f32
      %mul3A_79 = vector.broadcast %mul3A_78 : f32 to vector<1x256xf32>
      %mul3A_80 = arith.mulf %get3A_77, %mul3A_79 : vector<1x256xf32>
      %mul3A_81 = arith.mulf %mul3A_74, %mul3A_74 : vector<1x256xf32>
      %sub3A_82 = arith.subf %mul3A_80, %mul3A_81 : vector<1x256xf32>
      %get3A_83 = arith.constant 1 : index
      %get3A_84 = arith.constant 0 : index
      %get3A_85 = vector.load %arg13[%get3A_83, %get3A_84] : memref<4x256xf32, #tpu.memory_space<vmem>>, vector<1x256xf32>
      %add3A_86 = arith.constant 9.99999974E-6 : f32
      %add3A_87 = vector.broadcast %add3A_86 : f32 to vector<1x256xf32>
      %add3A_88 = arith.addf %sub3A_82, %add3A_87 : vector<1x256xf32>
      %rsqrt3A_89 = math.rsqrt %add3A_88 : vector<1x256xf32>
      %mul3A_90 = arith.mulf %get3A_85, %rsqrt3A_89 : vector<1x256xf32>
      %sub3A_91 = vector.broadcast %mul3A_74 : vector<1x256xf32> to vector<2048x256xf32>
      %sub3A_92 = arith.subf %dot_general3A_68, %sub3A_91 : vector<2048x256xf32>
      %mul3A_93 = vector.broadcast %mul3A_90 : vector<1x256xf32> to vector<2048x256xf32>
      %mul3A_94 = arith.mulf %mul3A_93, %sub3A_92 : vector<2048x256xf32>
      %get3A_95 = arith.constant 1 : index
      %get3A_96 = arith.constant 0 : index
      %get3A_97 = vector.load %arg14[%get3A_95, %get3A_96] : memref<4x256xf32, #tpu.memory_space<vmem>>, vector<1x256xf32>
      %add3A_98 = vector.broadcast %get3A_97 : vector<1x256xf32> to vector<2048x256xf32>
      %add3A_99 = arith.addf %mul3A_94, %add3A_98 : vector<2048x256xf32>
      %ge3A_100 = arith.constant 0.000000e+00 : f32
      %ge3A_101 = vector.broadcast %ge3A_100 : f32 to vector<2048x256xf32>
      %ge3A_102 = arith.cmpf oge, %add3A_99, %ge3A_101 : vector<2048x256xf32>
      %mul3A_103 = arith.constant 2.000000e-01 : f32
      %mul3A_104 = vector.broadcast %mul3A_103 : f32 to vector<2048x256xf32>
      %mul3A_105 = arith.mulf %mul3A_104, %add3A_99 : vector<2048x256xf32>
      %select_n3A_106 = arith.select %ge3A_102, %add3A_99, %mul3A_105 : vector<2048x256xi1>, vector<2048x256xf32>
      %add3A_107 = arith.addf %add3A_60, %select_n3A_106 : vector<2048x256xf32>
      %get3A_108 = arith.constant 0 : index
      %get3A_109 = arith.constant 0 : index
      %get3A_110 = vector.load %arg5[%get3A_108, %get3A_109] : memref<2048x128xf32, #tpu.memory_space<vmem>>, vector<2048x128xf32>
      %get3A_111 = arith.constant 0 : index
      %get3A_112 = arith.constant 0 : index
      %get3A_113 = vector.load %arg10[%get3A_111, %get3A_112] : memref<128x256xf32, #tpu.memory_space<vmem>>, vector<128x256xf32>
      %dot_general3A_114 = arith.constant dense<0.000000e+00> : vector<2048x256xf32>
      %dot_general3A_115 = tpu.matmul %get3A_110, %get3A_113, %dot_general3A_114 {dimension_numbers = #tpu.dot_dimension_numbers<[1], [0], [0], [1], [0, 0, 1, 1], [], []>, transpose_lhs_hint = false} : vector<2048x128xf32>, vector<128x256xf32>, vector<2048x256xf32> -> vector<2048x256xf32>
      %get3A_116 = arith.constant 2 : index
      %get3A_117 = arith.constant 0 : index
      %get3A_118 = vector.load %arg19[%get3A_116, %get3A_117] : memref<4x256xf32, #tpu.memory_space<vmem>>, vector<1x256xf32>
      %mul3A_119 = arith.constant 3.05175781E-5 : f32
      %mul3A_120 = vector.broadcast %mul3A_119 : f32 to vector<1x256xf32>
      %mul3A_121 = arith.mulf %get3A_118, %mul3A_120 : vector<1x256xf32>
      %get3A_122 = arith.constant 2 : index
      %get3A_123 = arith.constant 0 : index
      %get3A_124 = vector.load %arg20[%get3A_122, %get3A_123] : memref<4x256xf32, #tpu.memory_space<vmem>>, vector<1x256xf32>
      %mul3A_125 = arith.constant 3.05175781E-5 : f32
      %mul3A_126 = vector.broadcast %mul3A_125 : f32 to vector<1x256xf32>
      %mul3A_127 = arith.mulf %get3A_124, %mul3A_126 : vector<1x256xf32>
      %mul3A_128 = arith.mulf %mul3A_121, %mul3A_121 : vector<1x256xf32>
      %sub3A_129 = arith.subf %mul3A_127, %mul3A_128 : vector<1x256xf32>
      %get3A_130 = arith.constant 2 : index
      %get3A_131 = arith.constant 0 : index
      %get3A_132 = vector.load %arg13[%get3A_130, %get3A_131] : memref<4x256xf32, #tpu.memory_space<vmem>>, vector<1x256xf32>
      %add3A_133 = arith.constant 9.99999974E-6 : f32
      %add3A_134 = vector.broadcast %add3A_133 : f32 to vector<1x256xf32>
      %add3A_135 = arith.addf %sub3A_129, %add3A_134 : vector<1x256xf32>
      %rsqrt3A_136 = math.rsqrt %add3A_135 : vector<1x256xf32>
      %mul3A_137 = arith.mulf %get3A_132, %rsqrt3A_136 : vector<1x256xf32>
      %sub3A_138 = vector.broadcast %mul3A_121 : vector<1x256xf32> to vector<2048x256xf32>
      %sub3A_139 = arith.subf %dot_general3A_115, %sub3A_138 : vector<2048x256xf32>
      %mul3A_140 = vector.broadcast %mul3A_137 : vector<1x256xf32> to vector<2048x256xf32>
      %mul3A_141 = arith.mulf %mul3A_140, %sub3A_139 : vector<2048x256xf32>
      %get3A_142 = arith.constant 2 : index
      %get3A_143 = arith.constant 0 : index
      %get3A_144 = vector.load %arg14[%get3A_142, %get3A_143] : memref<4x256xf32, #tpu.memory_space<vmem>>, vector<1x256xf32>
      %add3A_145 = vector.broadcast %get3A_144 : vector<1x256xf32> to vector<2048x256xf32>
      %add3A_146 = arith.addf %mul3A_141, %add3A_145 : vector<2048x256xf32>
      %ge3A_147 = arith.constant 0.000000e+00 : f32
      %ge3A_148 = vector.broadcast %ge3A_147 : f32 to vector<2048x256xf32>
      %ge3A_149 = arith.cmpf oge, %add3A_146, %ge3A_148 : vector<2048x256xf32>
      %mul3A_150 = arith.constant 2.000000e-01 : f32
      %mul3A_151 = vector.broadcast %mul3A_150 : f32 to vector<2048x256xf32>
      %mul3A_152 = arith.mulf %mul3A_151, %add3A_146 : vector<2048x256xf32>
      %select_n3A_153 = arith.select %ge3A_149, %add3A_146, %mul3A_152 : vector<2048x256xi1>, vector<2048x256xf32>
      %add3A_154 = arith.addf %add3A_107, %select_n3A_153 : vector<2048x256xf32>
      %get3A_155 = arith.constant 0 : index
      %get3A_156 = arith.constant 0 : index
      %get3A_157 = vector.load %arg6[%get3A_155, %get3A_156] : memref<2048x128xf32, #tpu.memory_space<vmem>>, vector<2048x128xf32>
      %get3A_158 = arith.constant 0 : index
      %get3A_159 = arith.constant 0 : index
      %get3A_160 = vector.load %arg11[%get3A_158, %get3A_159] : memref<128x256xf32, #tpu.memory_space<vmem>>, vector<128x256xf32>
      %dot_general3A_161 = arith.constant dense<0.000000e+00> : vector<2048x256xf32>
      %dot_general3A_162 = tpu.matmul %get3A_157, %get3A_160, %dot_general3A_161 {dimension_numbers = #tpu.dot_dimension_numbers<[1], [0], [0], [1], [0, 0, 1, 1], [], []>, transpose_lhs_hint = false} : vector<2048x128xf32>, vector<128x256xf32>, vector<2048x256xf32> -> vector<2048x256xf32>
      %get3A_163 = arith.constant 3 : index
      %get3A_164 = arith.constant 0 : index
      %get3A_165 = vector.load %arg19[%get3A_163, %get3A_164] : memref<4x256xf32, #tpu.memory_space<vmem>>, vector<1x256xf32>
      %mul3A_166 = arith.constant 3.05175781E-5 : f32
      %mul3A_167 = vector.broadcast %mul3A_166 : f32 to vector<1x256xf32>
      %mul3A_168 = arith.mulf %get3A_165, %mul3A_167 : vector<1x256xf32>
      %get3A_169 = arith.constant 3 : index
      %get3A_170 = arith.constant 0 : index
      %get3A_171 = vector.load %arg20[%get3A_169, %get3A_170] : memref<4x256xf32, #tpu.memory_space<vmem>>, vector<1x256xf32>
      %mul3A_172 = arith.constant 3.05175781E-5 : f32
      %mul3A_173 = vector.broadcast %mul3A_172 : f32 to vector<1x256xf32>
      %mul3A_174 = arith.mulf %get3A_171, %mul3A_173 : vector<1x256xf32>
      %mul3A_175 = arith.mulf %mul3A_168, %mul3A_168 : vector<1x256xf32>
      %sub3A_176 = arith.subf %mul3A_174, %mul3A_175 : vector<1x256xf32>
      %get3A_177 = arith.constant 3 : index
      %get3A_178 = arith.constant 0 : index
      %get3A_179 = vector.load %arg13[%get3A_177, %get3A_178] : memref<4x256xf32, #tpu.memory_space<vmem>>, vector<1x256xf32>
      %add3A_180 = arith.constant 9.99999974E-6 : f32
      %add3A_181 = vector.broadcast %add3A_180 : f32 to vector<1x256xf32>
      %add3A_182 = arith.addf %sub3A_176, %add3A_181 : vector<1x256xf32>
      %rsqrt3A_183 = math.rsqrt %add3A_182 : vector<1x256xf32>
      %mul3A_184 = arith.mulf %get3A_179, %rsqrt3A_183 : vector<1x256xf32>
      %sub3A_185 = vector.broadcast %mul3A_168 : vector<1x256xf32> to vector<2048x256xf32>
      %sub3A_186 = arith.subf %dot_general3A_162, %sub3A_185 : vector<2048x256xf32>
      %mul3A_187 = vector.broadcast %mul3A_184 : vector<1x256xf32> to vector<2048x256xf32>
      %mul3A_188 = arith.mulf %mul3A_187, %sub3A_186 : vector<2048x256xf32>
      %get3A_189 = arith.constant 3 : index
      %get3A_190 = arith.constant 0 : index
      %get3A_191 = vector.load %arg14[%get3A_189, %get3A_190] : memref<4x256xf32, #tpu.memory_space<vmem>>, vector<1x256xf32>
      %add3A_192 = vector.broadcast %get3A_191 : vector<1x256xf32> to vector<2048x256xf32>
      %add3A_193 = arith.addf %mul3A_188, %add3A_192 : vector<2048x256xf32>
      %ge3A_194 = arith.constant 0.000000e+00 : f32
      %ge3A_195 = vector.broadcast %ge3A_194 : f32 to vector<2048x256xf32>
      %ge3A_196 = arith.cmpf oge, %add3A_193, %ge3A_195 : vector<2048x256xf32>
      %mul3A_197 = arith.constant 2.000000e-01 : f32
      %mul3A_198 = vector.broadcast %mul3A_197 : f32 to vector<2048x256xf32>
      %mul3A_199 = arith.mulf %mul3A_198, %add3A_193 : vector<2048x256xf32>
      %select_n3A_200 = arith.select %ge3A_196, %add3A_193, %mul3A_199 : vector<2048x256xi1>, vector<2048x256xf32>
      %add3A_201 = arith.addf %add3A_154, %select_n3A_200 : vector<2048x256xf32>
      %mul3A_202 = arith.constant 2048 : i32
      %mul3A_203 = arith.muli %arg1, %mul3A_202 : i32
      %swap3A = arith.index_cast %mul3A_203 : i32 to index
      %swap3A_204 = arith.constant 0 : index
      %swap3A_205 = vector.load %arg18[%swap3A, %swap3A_204] : memref<32768x256xf32, #tpu.memory_space<vmem>>, vector<2048x256xf32>
      tpu.vector_store %arg18[%swap3A, %swap3A_204], %add3A_201 {strides = array<i32>} : memref<32768x256xf32, #tpu.memory_space<vmem>>, vector<2048x256xf32>,
      %get3A_206 = arith.constant 0 : index
      %get3A_207 = arith.constant 0 : index
      %get3A_208 = vector.load %arg12[%get3A_206, %get3A_207] : memref<256x256xf32, #tpu.memory_space<vmem>>, vector<256x256xf32>
      %dot_general3A_209 = arith.constant dense<0.000000e+00> : vector<2048x256xf32>
      %dot_general3A_210 = tpu.matmul %add3A_201, %get3A_208, %dot_general3A_209 {dimension_numbers = #tpu.dot_dimension_numbers<[1], [0], [0], [1], [0, 0, 1, 1], [], []>, transpose_lhs_hint = false} : vector<2048x256xf32>, vector<256x256xf32>, vector<2048x256xf32> -> vector<2048x256xf32>
      %get3A_211 = arith.constant 0 : index
      %get3A_212 = arith.constant 0 : index
      %get3A_213 = vector.load %arg21[%get3A_211, %get3A_212] : memref<1x256xf32, #tpu.memory_space<vmem>>, vector<1x256xf32>
      %reduce_sum3A = arith.constant dense<0.000000e+00> : vector<256xf32>
      %reduce_sum3A_214 = vector.multi_reduction <add>, %dot_general3A_210, %reduce_sum3A [0] : vector<2048x256xf32> to vector<256xf32>
      %broadcast_in_dim3A = vector.shape_cast %reduce_sum3A_214 : vector<256xf32> to vector<1x256xf32>
      %add3A_215 = arith.addf %get3A_213, %broadcast_in_dim3A : vector<1x256xf32>
      %swap3A_216 = arith.constant 0 : index
      %swap3A_217 = arith.constant 0 : index
      %swap3A_218 = vector.load %arg21[%swap3A_216, %swap3A_217] : memref<1x256xf32, #tpu.memory_space<vmem>>, vector<1x256xf32>
      tpu.vector_store %arg21[%swap3A_216, %swap3A_217], %add3A_215 {strides = array<i32>} : memref<1x256xf32, #tpu.memory_space<vmem>>, vector<1x256xf32>,
      %get3A_219 = arith.constant 0 : index
      %get3A_220 = arith.constant 0 : index
      %get3A_221 = vector.load %arg22[%get3A_219, %get3A_220] : memref<1x256xf32, #tpu.memory_space<vmem>>, vector<1x256xf32>
      %mul3A_222 = arith.mulf %dot_general3A_210, %dot_general3A_210 : vector<2048x256xf32>
      %reduce_sum3A_223 = arith.constant dense<0.000000e+00> : vector<256xf32>
      %reduce_sum3A_224 = vector.multi_reduction <add>, %mul3A_222, %reduce_sum3A_223 [0] : vector<2048x256xf32> to vector<256xf32>
      %broadcast_in_dim3A_225 = vector.shape_cast %reduce_sum3A_224 : vector<256xf32> to vector<1x256xf32>
      %add3A_226 = arith.addf %get3A_221, %broadcast_in_dim3A_225 : vector<1x256xf32>
      %swap3A_227 = arith.constant 0 : index
      %swap3A_228 = arith.constant 0 : index
      %swap3A_229 = vector.load %arg22[%swap3A_227, %swap3A_228] : memref<1x256xf32, #tpu.memory_space<vmem>>, vector<1x256xf32>
      tpu.vector_store %arg22[%swap3A_227, %swap3A_228], %add3A_226 {strides = array<i32>} : memref<1x256xf32, #tpu.memory_space<vmem>>, vector<1x256xf32>,
    } else {
    }
    %eq3A_14 = arith.constant 2 : i32
    %eq3A_15 = arith.cmpi eq, %arg0, %eq3A_14 : i32
    %convert_element_type3A_16 = arith.extui %eq3A_15 : i1 to i32
    %cond3A_17 = arith.constant 0 : i32
    %cond3A_18 = arith.cmpi ne, %convert_element_type3A_16, %cond3A_17 : i32
    scf.if %cond3A_18 {
      %mul3A = arith.constant 2048 : i32
      %mul3A_19 = arith.muli %arg1, %mul3A : i32
      %get3A = arith.index_cast %mul3A_19 : i32 to index
      %get3A_20 = arith.constant 0 : index
      %get3A_21 = vector.load %arg18[%get3A, %get3A_20] : memref<32768x256xf32, #tpu.memory_space<vmem>>, vector<2048x256xf32>
      %get3A_22 = arith.constant 0 : index
      %get3A_23 = arith.constant 0 : index
      %get3A_24 = vector.load %arg12[%get3A_22, %get3A_23] : memref<256x256xf32, #tpu.memory_space<vmem>>, vector<256x256xf32>
      %dot_general3A = arith.constant dense<0.000000e+00> : vector<2048x256xf32>
      %dot_general3A_25 = tpu.matmul %get3A_21, %get3A_24, %dot_general3A {dimension_numbers = #tpu.dot_dimension_numbers<[1], [0], [0], [1], [0, 0, 1, 1], [], []>, transpose_lhs_hint = false} : vector<2048x256xf32>, vector<256x256xf32>, vector<2048x256xf32> -> vector<2048x256xf32>
      %get3A_26 = arith.constant 0 : index
      %get3A_27 = arith.constant 0 : index
      %get3A_28 = vector.load %arg21[%get3A_26, %get3A_27] : memref<1x256xf32, #tpu.memory_space<vmem>>, vector<1x256xf32>
      %mul3A_29 = arith.constant 3.05175781E-5 : f32
      %mul3A_30 = vector.broadcast %mul3A_29 : f32 to vector<1x256xf32>
      %mul3A_31 = arith.mulf %get3A_28, %mul3A_30 : vector<1x256xf32>
      %get3A_32 = arith.constant 0 : index
      %get3A_33 = arith.constant 0 : index
      %get3A_34 = vector.load %arg22[%get3A_32, %get3A_33] : memref<1x256xf32, #tpu.memory_space<vmem>>, vector<1x256xf32>
      %mul3A_35 = arith.constant 3.05175781E-5 : f32
      %mul3A_36 = vector.broadcast %mul3A_35 : f32 to vector<1x256xf32>
      %mul3A_37 = arith.mulf %get3A_34, %mul3A_36 : vector<1x256xf32>
      %mul3A_38 = arith.mulf %mul3A_31, %mul3A_31 : vector<1x256xf32>
      %sub3A = arith.subf %mul3A_37, %mul3A_38 : vector<1x256xf32>
      %get3A_39 = arith.constant 0 : index
      %get3A_40 = arith.constant 0 : index
      %get3A_41 = vector.load %arg15[%get3A_39, %get3A_40] : memref<1x256xf32, #tpu.memory_space<vmem>>, vector<1x256xf32>
      %add3A = arith.constant 9.99999974E-6 : f32
      %add3A_42 = vector.broadcast %add3A : f32 to vector<1x256xf32>
      %add3A_43 = arith.addf %sub3A, %add3A_42 : vector<1x256xf32>
      %rsqrt3A = math.rsqrt %add3A_43 : vector<1x256xf32>
      %mul3A_44 = arith.mulf %get3A_41, %rsqrt3A : vector<1x256xf32>
      %sub3A_45 = vector.broadcast %mul3A_31 : vector<1x256xf32> to vector<2048x256xf32>
      %sub3A_46 = arith.subf %dot_general3A_25, %sub3A_45 : vector<2048x256xf32>
      %mul3A_47 = vector.broadcast %mul3A_44 : vector<1x256xf32> to vector<2048x256xf32>
      %mul3A_48 = arith.mulf %mul3A_47, %sub3A_46 : vector<2048x256xf32>
      %get3A_49 = arith.constant 0 : index
      %get3A_50 = arith.constant 0 : index
      %get3A_51 = vector.load %arg16[%get3A_49, %get3A_50] : memref<1x256xf32, #tpu.memory_space<vmem>>, vector<1x256xf32>
      %add3A_52 = vector.broadcast %get3A_51 : vector<1x256xf32> to vector<2048x256xf32>
      %add3A_53 = arith.addf %mul3A_48, %add3A_52 : vector<2048x256xf32>
      %ge3A = arith.constant 0.000000e+00 : f32
      %ge3A_54 = vector.broadcast %ge3A : f32 to vector<2048x256xf32>
      %ge3A_55 = arith.cmpf oge, %add3A_53, %ge3A_54 : vector<2048x256xf32>
      %mul3A_56 = arith.constant 2.000000e-01 : f32
      %mul3A_57 = vector.broadcast %mul3A_56 : f32 to vector<2048x256xf32>
      %mul3A_58 = arith.mulf %mul3A_57, %add3A_53 : vector<2048x256xf32>
      %select_n3A = arith.select %ge3A_55, %add3A_53, %mul3A_58 : vector<2048x256xi1>, vector<2048x256xf32>
      %get3A_59 = arith.constant 0 : index
      %get3A_60 = arith.constant 0 : index
      %get3A_61 = vector.load %arg7[%get3A_59, %get3A_60] : memref<2048x256xf32, #tpu.memory_space<vmem>>, vector<2048x256xf32>
      %add3A_62 = arith.addf %select_n3A, %get3A_61 : vector<2048x256xf32>
      %get3A_63 = arith.constant 0 : index
      %get3A_64 = arith.constant 0 : index
      %get3A_65 = memref.load %arg2[%get3A_63, %get3A_64] : memref<1x1xi32, #tpu.memory_space<smem>>
      %ne3A = arith.constant 0 : i32
      %ne3A_66 = arith.cmpi ne, %get3A_65, %ne3A : i32
      %get3A_67 = arith.constant 0 : index
      %get3A_68 = arith.constant 0 : index
      %get3A_69 = vector.load %arg7[%get3A_67, %get3A_68] : memref<2048x256xf32, #tpu.memory_space<vmem>>, vector<2048x256xf32>
      %select_n3A_70 = arith.select %ne3A_66, %add3A_62, %get3A_69 : vector<2048x256xf32>
      %swap3A = arith.constant 0 : index
      %swap3A_71 = arith.constant 0 : index
      %swap3A_72 = vector.load %arg17[%swap3A, %swap3A_71] : memref<2048x256xf32, #tpu.memory_space<vmem>>, vector<2048x256xf32>
      tpu.vector_store %arg17[%swap3A, %swap3A_71], %select_n3A_70 {strides = array<i32>} : memref<2048x256xf32, #tpu.memory_space<vmem>>, vector<2048x256xf32>,
    } else {
    }
    return
  }
  func.func @transform_0(%arg0: i32, %arg1: i32) -> (i32, i32) {
    %c0_i32 = arith.constant 0 : i32
    %c0_i32_0 = arith.constant 0 : i32
    %c0_i32_1 = arith.constant 0 : i32
    return %c0_i32, %c0_i32_0 : i32, i32
  }
  func.func @transform_1(%arg0: i32, %arg1: i32) -> (i32, i32) {
    %eq3A = arith.constant 2 : i32
    %eq3A_0 = arith.cmpi eq, %arg0, %eq3A : i32
    %jit3A = arith.constant 0 : i32
    %select_n3A = arith.select %eq3A_0, %jit3A, %arg1 : i32
    %c0_i32 = arith.constant 0 : i32
    %c0_i32_1 = arith.constant 0 : i32
    return %select_n3A, %c0_i32 : i32, i32
  }
  func.func @transform_2(%arg0: i32, %arg1: i32) -> (i32, i32) {
    %eq3A = arith.constant 2 : i32
    %eq3A_0 = arith.cmpi eq, %arg0, %eq3A : i32
    %jit3A = arith.constant 0 : i32
    %select_n3A = arith.select %eq3A_0, %jit3A, %arg1 : i32
    %c0_i32 = arith.constant 0 : i32
    %c0_i32_1 = arith.constant 0 : i32
    return %select_n3A, %c0_i32 : i32, i32
  }
  func.func @transform_3(%arg0: i32, %arg1: i32) -> (i32, i32) {
    %eq3A = arith.constant 2 : i32
    %eq3A_0 = arith.cmpi eq, %arg0, %eq3A : i32
    %jit3A = arith.constant 0 : i32
    %select_n3A = arith.select %eq3A_0, %jit3A, %arg1 : i32
    %c0_i32 = arith.constant 0 : i32
    %c0_i32_1 = arith.constant 0 : i32
    return %select_n3A, %c0_i32 : i32, i32
  }
  func.func @transform_4(%arg0: i32, %arg1: i32) -> (i32, i32) {
    %eq3A = arith.constant 2 : i32
    %eq3A_0 = arith.cmpi eq, %arg0, %eq3A : i32
    %jit3A = arith.constant 0 : i32
    %select_n3A = arith.select %eq3A_0, %jit3A, %arg1 : i32
    %c0_i32 = arith.constant 0 : i32
    %c0_i32_1 = arith.constant 0 : i32
    return %select_n3A, %c0_i32 : i32, i32
  }
  func.func @transform_5(%arg0: i32, %arg1: i32) -> (i32, i32) {
    %eq3A = arith.constant 0 : i32
    %eq3A_0 = arith.cmpi eq, %arg0, %eq3A : i32
    %jit3A = arith.constant 0 : i32
    %select_n3A = arith.select %eq3A_0, %jit3A, %arg1 : i32
    %c0_i32 = arith.constant 0 : i32
    %c0_i32_1 = arith.constant 0 : i32
    return %select_n3A, %c0_i32 : i32, i32
  }
  func.func @transform_6(%arg0: i32, %arg1: i32) -> (i32, i32) {
    %c0_i32 = arith.constant 0 : i32
    %c0_i32_0 = arith.constant 0 : i32
    %c0_i32_1 = arith.constant 0 : i32
    return %c0_i32, %c0_i32_0 : i32, i32
  }
  func.func @transform_7(%arg0: i32, %arg1: i32) -> (i32, i32) {
    %c0_i32 = arith.constant 0 : i32
    %c0_i32_0 = arith.constant 0 : i32
    %c0_i32_1 = arith.constant 0 : i32
    return %c0_i32, %c0_i32_0 : i32, i32
  }
  func.func @transform_8(%arg0: i32, %arg1: i32) -> (i32, i32) {
    %c0_i32 = arith.constant 0 : i32
    %c0_i32_0 = arith.constant 0 : i32
    %c0_i32_1 = arith.constant 0 : i32
    return %c0_i32, %c0_i32_0 : i32, i32
  }
  func.func @transform_9(%arg0: i32, %arg1: i32) -> (i32, i32) {
    %c0_i32 = arith.constant 0 : i32
    %c0_i32_0 = arith.constant 0 : i32
    %c0_i32_1 = arith.constant 0 : i32
    return %c0_i32, %c0_i32_0 : i32, i32
  }
  func.func @transform_10(%arg0: i32, %arg1: i32) -> (i32, i32) {
    %c0_i32 = arith.constant 0 : i32
    %c0_i32_0 = arith.constant 0 : i32
    %c0_i32_1 = arith.constant 0 : i32
    return %c0_i32, %c0_i32_0 : i32, i32
  }
  func.func @transform_11(%arg0: i32, %arg1: i32) -> (i32, i32) {
    %c0_i32 = arith.constant 0 : i32
    %c0_i32_0 = arith.constant 0 : i32
    %c0_i32_1 = arith.constant 0 : i32
    return %c0_i32, %c0_i32_0 : i32, i32
  }
  func.func @transform_12(%arg0: i32, %arg1: i32) -> (i32, i32) {
    %c0_i32 = arith.constant 0 : i32
    %c0_i32_0 = arith.constant 0 : i32
    %c0_i32_1 = arith.constant 0 : i32
    return %c0_i32, %c0_i32_0 : i32, i32
  }
  func.func @transform_13(%arg0: i32, %arg1: i32) -> (i32, i32) {
    %c0_i32 = arith.constant 0 : i32
    %c0_i32_0 = arith.constant 0 : i32
    %c0_i32_1 = arith.constant 0 : i32
    return %c0_i32, %c0_i32_0 : i32, i32
  }
  func.func @transform_14(%arg0: i32, %arg1: i32) -> (i32, i32) {
    %c0_i32 = arith.constant 0 : i32
    %c0_i32_0 = arith.constant 0 : i32
    %c0_i32_1 = arith.constant 0 : i32
    return %c0_i32, %c0_i32_0 : i32, i32
  }
  func.func @transform_15(%arg0: i32, %arg1: i32) -> (i32, i32) {
    %eq3A = arith.constant 2 : i32
    %eq3A_0 = arith.cmpi eq, %arg0, %eq3A : i32
    %jit3A = arith.constant 0 : i32
    %select_n3A = arith.select %eq3A_0, %arg1, %jit3A : i32
    %c0_i32 = arith.constant 0 : i32
    %c0_i32_1 = arith.constant 0 : i32
    return %select_n3A, %c0_i32 : i32, i32
  }
}

</mosaic_0001>

<sc_bundles>
// kernel: kernel.6.cloned.1.call-start
scs
__scs_entry_jumppad:
0x0: {  	(pc) =	sbr.rel $0x88, $3  }
0x1: {  	(tag) =	ssettag $0x0;
	lr =	simm.s32 $0x1  }
0x2: {  	[smem:$0x3F88] =	sst lr;
	_ =	strace $0xD0000000  }
0x3: {  	_ = 	snop  }
0x4: {  	_ = 	snop  }
0x5: {  	_ = 	snop  }
0x6: {  	_ = 	snop  }
0x7: {  	_ = 	snop  }
__scs_overlays_trampoline_lowered:
0x8: {  	[smem:$0x3F97] =	sst s0  }
0x9: {  	[smem:$0x3F98] =	sst s1  }
0xa: {  	[smem:$0x3F99] =	sst s2  }
0xb: {  	[smem:$0x3F9A] =	sst s3  }
0xc: {  	[smem:$0x3F9B] =	sst s4  }
0xd: {  	[smem:$0x3F9C] =	sst s5  }
0xe: {  	[smem:$0x3F9D] =	sst s6  }
0xf: {  	[smem:$0x3F9E] =	sst s7  }
0x10: {  	[smem:$0x3F9F] =	sst s8  }
0x11: {  	[smem:$0x3FA0] =	sst s9;
	s0 =	simm.s32 @!p0 $0x0  }
0x12: {  	s1 =	sld [smem:$0x3F86];
	s0 =	simm.s32 @p0 $0x1  }
0x13: {  	[smem:$0x3FA1] =	sst s0;
	s0 =	simm.s32 @!p1 $0x0  }
0x14: {  	s2 =	sld [smem:$0x3F85];
	s0 =	simm.s32 @p1 $0x1  }
0x15: {  	[smem:$0x3FA2] =	sst s0;
	s0 =	simm.s32 @!p2 $0x0  }
0x16: {  	s3 =	sld [smem:$0x3FDB];
	s0 =	simm.s32 @p2 $0x1  }
0x17: {  	s4 =	simm.s32 $0x1BF5;
	[smem:$0x3FA4] =	sst s0  }
0x18: {  	s0 =	sld [smem:$0x3F87];
	_ =	swait.ge [sflag:s4], $0x0  }
0x19: {  	s7 =	sld [smem:$0x3F88]  }
0x1a: {  	s8 =	sadd.s32 $0xFFFFE003, lr  }
0x1b: {  	s9 =	sadd.s32 $0xFFFFFEF7, lr;
	s5 =	simm.s32 $0xFFFFFFFF;
	p2 =	slt.u32 s8, $0xFFFFF086  }
0x1c: {  	p1 =	slt.u32 s9, $0xF7A;
	s5 =	simm.s32 @!p2 $0x0  }
0x1d: {  	s5 =	simm.s32 @p1 $0x1;
	p0 =	seq.s32 s7, s2  }
0x1e: {  	s7 =	smul.u32 @!p0 $0xF7A, s2;
	p2 =	seq.s32 @!p0 s5, $0x0  }
0x1f: {  	s9 =	smul.u32 $0xF7A, s1;
	s8 =	simm.s32 @!p0 $0x1BF5;
	p2 =	por !p2, p0  }
0x20: {  	[sflag:s8] =	ssyncset.s32 @!p0 $0xFFFFF086;
	s6 =	sadd.s32 @!p0 s3, s7;
	s7 =	simm.s32 @!p0 $0x108  }
0x21: {  	s3 =	sadd.s32 s3, s9;
	s6 =	sadd.s32 @!p0 $0x88, s6;
	s7 =	simm.s32 @p2 $0x1082  }
0x22: {  	[simem:s7], [sflag:s8] =	dma.local @!p0 [hbm:s6], $0xF7A  }
0x23: {  	s9 =	sor.u32 $0xD0000000, s2;
	s6 =	simm.s32 $0x108;
	_ =	swait.ge @!p0 [sflag:s8], $0x0  }
0x24: {  	s3 =	sadd.s32 $0x88, s3;
	s6 =	simm.s32 @!p1 $0x1082;
	[sflag:s4] =	ssyncset.s32 $0xFFFFF086  }
0x25: {  	[simem:s6], [sflag:s4] =	dma.local [hbm:s3], $0xF7A  }
0x26: {  	[smem:$0x3F88] =	sst s1;
	(tag) =	ssettag s2;
	_ =	strace s9  }
0x27: {  	s1 =	sld [smem:$0x3F98]  }
0x28: {  	s2 =	sld [smem:$0x3F99]  }
0x29: {  	s4 =	sld [smem:$0x3F9B]  }
0x2a: {  	p0 =	seq.s32 s5, $0x0;
	s5 =	sld [smem:$0x3F9C]  }
0x2b: {  	s6 =	sld [smem:$0x3F9D]  }
0x2c: {  	s7 =	sld [smem:$0x3F9E]  }
0x2d: {  	s3 =	simm.s32 $0x108;
	s8 =	sld [smem:$0x3F9F]  }
0x2e: {  	s3 =	simm.s32 @!p0 $0x1082;
	s9 =	sld [smem:$0x3FA0]  }
0x2f: {  	lr =	sadd.s32 s0, s3;
	s0 =	sld [smem:$0x3F97]  }
0x30: {  	s3 =	sld [smem:$0x3F9A]  }
0x31: {  	[smem:$0x3FA3] =	sst s10  }
0x32: {  	s10 =	sld [smem:$0x3FA1];
	_ =	sdelay $0x3  }
0x33: {  	p0 =	seq.s32 s10, $0x1;
	s10 =	sld [smem:$0x3FA3];
	_ =	sdelay $0x3  }
0x34: {  	[smem:$0x3FA3] =	sst s10  }
0x35: {  	s10 =	sld [smem:$0x3FA2];
	_ =	sdelay $0x3  }
0x36: {  	p1 =	seq.s32 s10, $0x1;
	s10 =	sld [smem:$0x3FA3];
	_ =	sdelay $0x3  }
0x37: {  	[smem:$0x3FA3] =	sst s10  }
0x38: {  	s10 =	sld [smem:$0x3FA4]  }
0x39: {  	_ = 	snop;
	(pc) =	sbr.ind lr, $3  }
0x3a: {  	_ = 	snop  }
0x3b: {  	_ = 	snop  }
0x3c: {  	p2 =	seq.s32 s10, $0x1;
	s10 =	sld [smem:$0x3FA3]  }
0x3d: {  	_ =	shalt  }
0x3e: {  	_ =	shalt  }
0x3f: {  	_ =	shalt  }
0x40: {  	_ =	shalt  }
0x41: {  	_ =	shalt  }
0x42: {  	_ =	shalt  }
0x43: {  	_ =	shalt  }
0x44: {  	_ =	shalt  }
0x45: {  	_ =	shalt  }
0x46: {  	_ =	shalt  }
0x47: {  	_ =	shalt  }
0x48: {  	_ =	shalt  }
0x49: {  	_ =	shalt  }
0x4a: {  	_ =	shalt  }
0x4b: {  	_ =	shalt  }
0x4c: {  	_ =	shalt  }
0x4d: {  	_ =	shalt  }
0x4e: {  	_ =	shalt  }
0x4f: {  	_ =	shalt  }
0x50: {  	_ =	shalt  }
0x51: {  	_ =	shalt  }
0x52: {  	_ =	shalt  }
0x53: {  	_ =	shalt  }
0x54: {  	_ =	shalt  }
0x55: {  	_ =	shalt  }
0x56: {  	_ =	shalt  }
0x57: {  	_ =	shalt  }
0x58: {  	_ =	shalt  }
0x59: {  	_ =	shalt  }
0x5a: {  	_ =	shalt  }
0x5b: {  	_ =	shalt  }
0x5c: {  	_ =	shalt  }
0x5d: {  	_ =	shalt  }
0x5e: {  	_ =	shalt  }
0x5f: {  	_ =	shalt  }
0x60: {  	_ =	shalt  }
0x61: {  	_ =	shalt  }
0x62: {  	_ =	shalt  }
0x63: {  	_ =	shalt  }
0x64: {  	_ =	shalt  }
0x65: {  	_ =	shalt  }
0x66: {  	_ =	shalt  }
0x67: {  	_ =	shalt  }
0x68: {  	_ =	shalt  }
0x69: {  	_ =	shalt  }
0x6a: {  	_ =	shalt  }
0x6b: {  	_ =	shalt  }
0x6c: {  	_ =	shalt  }
0x6d: {  	_ =	shalt  }
0x6e: {  	_ =	shalt  }
0x6f: {  	_ =	shalt  }
0x70: {  	_ =	shalt  }
0x71: {  	_ =	shalt  }
0x72: {  	_ =	shalt  }
0x73: {  	_ =	shalt  }
0x74: {  	_ =	shalt  }
0x75: {  	_ =	shalt  }
0x76: {  	_ =	shalt  }
0x77: {  	_ =	shalt  }
0x78: {  	_ =	shalt  }
0x79: {  	_ =	shalt  }
0x7a: {  	_ =	shalt  }
0x7b: {  	_ =	shalt  }
0x7c: {  	_ =	shalt  }
0x7d: {  	_ =	shalt  }
0x7e: {  	_ =	shalt  }
0x7f: {  	_ =	shalt  }
0x80: {  	_ =	shalt  }
0x81: {  	_ =	shalt  }
0x82: {  	_ =	shalt  }
0x83: {  	_ =	shalt  }
0x84: {  	_ =	shalt  }
0x85: {  	_ =	shalt  }
0x86: {  	_ =	shalt  }
0x87: {  	_ =	shalt  }
.Lfunc_end0:
.L_simem_size_0:
called_computation_lowered:
.L_overlay_start_0:
0x88: {  	s2 =	sld [smem:$0x3FD9]  }
0x89: {  	s3 =	sld [smem:$0x3FFE];
	_ =	sdelay $0x1  }
0x8a: {  	s1 =	srdreg.scid  }
0x8b: {  	s0 =	sand.u32 $0x1, s1  }
0x8c: {  	s30 =	sshll.u32 s0, $0xA;
	s2 =	sadd.s32 s3, s2  }
0x8d: {  	s2 =	sadd.s32 s2, s30  }
0x8e: {  	[smem:$0x3FAF] =	sst s2  }
0x8f: {  	_ = 	snop  }
0x90: {  	s2 =	sld [smem:$0x3FC6]  }
0x91: {  	s31 =	sld [smem:$0x3FC5]  }
0x92: {  	s4 =	sld [smem:$0x3FC3]  }
0x93: {  	s5 =	sld [smem:$0x3FD0]  }
0x94: {  	s6 =	sld [smem:$0x3FC2]  }
0x95: {  	s7 =	sld [smem:$0x3FC1]  }
0x96: {  	s9 =	simm.s32 $0xA;
	s10 =	simm.s32 $0x10;
	s8 =	sld [smem:$0x3FC0]  }
0x97: {  	[smem:s10], [sflag:s9] =	dma.local [hbm:s5], $0x1  }
0x98: {  	_ =	swait.eq [sflag:s9], $0x1  }
0x99: {  	s10 =	sld [smem:$0x10]  }
0x9a: {  	s17 =	sld [smem:$0x11];
	[sflag:s9] =	ssyncset.done $0x0  }
0x9b: {  	s11 =	sld [smem:$0x12];
	[sflag:s9] =	ssyncadd.s32 $0xFFFFFFFF  }
0x9c: {  	s18 =	sld [smem:$0x13];
	(tm) =	ssettm $0x1  }
0x9d: {  	s12 =	sld [smem:$0x3FFB];
	_ =	sdelay $0x3  }
0x9e: {  	_ =	strace s12  }
0x9f: {  	s12 =	sld [smem:$0x3FFC];
	_ =	sdelay $0x3  }
0xa0: {  	_ =	strace s12  }
0xa1: {  	s12 =	sld [smem:$0x3FFD];
	_ =	sdelay $0x3  }
0xa2: {  	_ =	strace s12  }
0xa3: {  	_ =	strace $0x8FFFFFFF  }
0xa4: {  	s19 =	sld [smem:$0x3FDB];
	_ =	sdelay $0x1  }
0xa5: {  	s13 =	simm.s32 $_scs_section_size  }
0xa6: {  	s14 =	simm.s32 $_size__tile_overlayer_lowered;
	s15 =	simm.s32 $_tile_overlayer_lowered  }
0xa7: {  	s22 =	simm.s32 $0x1BFF;
	s21 =	sshll.u32 s15, $0x1;
	s12 =	sadd.s32 s13, s19  }
0xa8: {  	s16 =	simm.s32 $0x0;
	s20 =	sshll.u32 s14, $0x1;
	s14 =	sadd.s32 s21, s12  }
0xa9: {  	[timem:s16], [sflag:s22] =	dma.local [hbm:s14], s20  }
0xaa: {  	_ =	swait.ge [sflag:s22], s20  }
0xab: {  	s13 =	ssub.s32 $0x0, s20;
	[sflag:s22] =	ssyncset.done $0x0  }
0xac: {  	[sflag:s22] =	ssyncadd.s32 s13;
	_ =	sdelay $0x1  }
0xad: {  	s23 =	simm.s32 $0x1B8B  }
0xae: {  	_ =	swait.ge [sflag:s23], $0x1  }
0xaf: {  	[sflag:s23] =	ssyncset.done $0x0  }
0xb0: {  	s25 =	simm.s32 $0x1B8E;
	s24 =	sld [smem:$0x3FFE];
	[sflag:s23] =	ssyncadd.s32 $0xFFFFFFFF  }
0xb1: {  	s26 =	simm.s32 $execute0_lowered;
	[smem:$0x3FD2] =	sst s25  }
0xb2: {  	s14 =	sshll.u32 s26, $0x1;
	_ =	strace $0x80000046;
	[dreg:$0x1] =	wrdreg $0xFFFFFFFF  }
0xb3: {  	s28 =	simm.s32 $_size_execute0_lowered;
	s12 =	sadd.s32 s12, s14;
	[dreg:$0x0] =	wrdreg $0x0  }
0xb4: {  	s14 =	sshll.u32 s28, $0x1;
	[dreg:$0x2] =	wrdreg s12  }
0xb5: {  	[dreg:$0x3] =	wrdreg s14  }
0xb6: {  	[dreg:$0x4] =	wrdreg $0xC0  }
0xb7: {  	_ =	task [dreg:s16], $0x5FFFF  }
0xb8: {  	[dreg:$0x1] =	wrdreg $0xFFFFFFFF  }
0xb9: {  	[dreg:$0x0] =	wrdreg $0x60  }
0xba: {  	[dreg:$0x2] =	wrdreg s4  }
0xbb: {  	[dreg:$0x3] =	wrdreg s6  }
0xbc: {  	[dreg:$0x4] =	wrdreg s7  }
0xbd: {  	[dreg:$0x5] =	wrdreg s8  }
0xbe: {  	[dreg:$0x6] =	wrdreg s10  }
0xbf: {  	[dreg:$0x7] =	wrdreg s11  }
0xc0: {  	[dreg:$0x8] =	wrdreg s2  }
0xc1: {  	[dreg:$0x9] =	wrdreg s31  }
0xc2: {  	[dreg:$0xa] =	wrdreg s18  }
0xc3: {  	[dreg:$0xb] =	wrdreg s17  }
0xc4: {  	[dreg:$0xc] =	wrdreg s24  }
0xc5: {  	[dreg:$0xd] =	wrdreg $0x9  }
0xc6: {  	_ =	task.clear_ibuf [dreg:s16], $0xEFFFF;
	_ =	strace $0x90000046  }
0xc7: {  	s29 =	simm.s32 $0x9;
	_ =	strace $0x80000048  }
0xc8: {  	_ =	swait.ge [sflag:s29], $0x1  }
0xc9: {  	[sflag:s29] =	ssyncadd.s32 $0xFFFFFFFF  }
0xca: {  	_ =	strace $0x90000048  }
0xcb: {  	_ =	sfence  }
0xcc: {  	s30 =	sld [smem:$0x0];
	_ =	sdelay $0x2  }
0xcd: {  	s31 =	sshll.u32 s1, $0xD;
	s1 =	sshrl.u32 s1, $0x2  }
0xce: {  	s3 =	sand.u32 $0x4000, s31;
	s1 =	sadd.s32 s1, s30  }
0xcf: {  	s0 =	sor.u32 s3, s0;
	s1 =	sshll.u32 s1, $0x11  }
0xd0: {  	s0 =	sor.u32 s1, s0  }
0xd1: {  	s0 =	sadd.s32 $0x8F2B, s0  }
0xd2: {  	[sflag:s0] =	ssyncadd.remote.s32 $0x1  }
0xd3: {  	_ =	sfence.sel $0xFFFF  }
0xd4: {  	[dreg:$0x0] =	wrdreg $0xFFFFFFFF;
	(pc) =	sbr.abs _section_cstart, $3  }
0xd5: {  	[dreg:$0x1] =	wrdreg $0xFFFFFFFF  }
0xd6: {  	_ =	task.clear_ibuf [dreg:s16], $0x2FFFF;
	_ =	strace $0x9FFFFFFF  }
0xd7: {  	(tm) =	ssettm $0x7FFFFFFF  }
tec
execute0_lowered:
.L_overlay_start_1:
0x0: {  	(tag) =	ssettag $0x1  }
0x1: {  	s2 =	rddreg [dreg:$0x0]  }
0x2: {  	s6 =	rddreg [dreg:$0x1]  }
0x3: {  	s13 =	rddreg [dreg:$0x2]  }
0x4: {  	s14 =	rddreg [dreg:$0x3]  }
0x5: {  	s3 =	rddreg [dreg:$0x6]  }
0x6: {  	s4 =	rddreg [dreg:$0x7];
	s7 =	srdreg.scid  }
0x7: {  	s0 =	stileid.u32;
	s10 =	rddreg [dreg:$0xa];
	s11 =	simm.s32 $0x1  }
0x8: {  	s22 =	simm.s32 $0x6000;
	s29 =	simm.s32 $0xAC00;
	s28 =	simm.s32 $0x14C00  }
0x9: {  	s30 =	simm.s32 $0x16C00;
	s15 =	sand.u32 $0x1, s7;
	s9 =	sadd.s32 $0x4600, s10  }
0xa: {  	s10 =	sadd.s32 $0x84600, s10;
	s8 =	sor.u32 s15, s0;
	p1 =	seq.s32 s15, $0x1  }
0xb: {  	s12 =	ssub.s32 $0x2, s15;
	s25 =	sshll.u32 s15, $0xA;
	p0 =	seq.s32 s8, $0x0  }
0xc: {  	s15 =	sshll.u32 s15, $0xD;
	s8 =	simm.s32 $0x0;
	p0 =	por !p0, !p1  }
0xd: {  	s23 =	sshrl.u32 s12, $0x1;
	[smem:$0x7FF] =	sst s8;
	p0 =	por !p0, !p0  }
0xe: {  	s19 =	ssub.s32 s12, s23;
	s23 =	simm.s32 $0x10C00;
	s11 =	simm.s32 @!p0 $0x0  }
0xf: {  	_ =	strace $0x80000047;
	s16 =	ssub.s32 s0, s11;
	s11 =	simm.s32 $0x1  }
0x10: {  	s17 =	sshrl.u32 s16, $0x3;
	s18 =	sshll.u32 s16, $0x7;
	s20 =	sshll.u32 s16, $0xB  }
0x11: {  	s18 =	sand.u32 $0x380, s18;
	s24 =	sshll.u32 s17, $0x11;
	s12 =	sor.u32 s25, s20  }
0x12: {  	s0 =	sshll.u32 s17, $0xE;
	s1 =	sshll.u32 s17, $0x10;
	s17 =	sshll.u32 s17, $0xF  }
0x13: {  	s20 =	sshll.u32 s16, $0xE;
	s25 =	simm.s32 $0x12C00;
	s21 =	sor.u32 s18, s24  }
0x14: {  	s5 =	sor.u32 s18, s1;
	s17 =	sor.u32 s18, s17;
	s24 =	simm.s32 $0x40  }
0x15: {  	s26 =	sshrl.u32 s21, $0x3;
	s17 =	sshrl.u32 s17, $0x3;
	s21 =	simm.s32 $0x4000  }
0x16: {  	s31 =	sadd.s32 s2, s26;
	s2 =	sor.u32 s15, s0;
	s15 =	sshrl.u32 s5, $0x3  }
0x17: {  	s13 =	sadd.s32 s13, s17;
	s17 =	sshll.u32 s16, $0xC;
	s26 =	simm.s32 $0x8C00  }
.Ltmp0:
0x18: {  	[dreg:$0xc] =	wrdreg s31;
	s2 =	sor.u32 s18, s2;
	(pc) =	sbr.rel .LBB2_1-.Ltmp0, $4  }
0x19: {  	s7 =	sadd.s32 s6, s15;
	[dreg:$0xe] =	wrdreg s13;
	s18 =	sshll.u32 s16, $0xD  }
0x1a: {  	v3 =	vlaneseq.u32;
	s31 =	smax.u32 s19, $0x1;
	s2 =	sshrl.u32 s2, $0x3;
	[dreg:$0xd] =	wrdreg s7  }
0x1b: {  	v4 =	vimm.f32 $0.0e+00;
	v3 =	vmul.u32 $0x80, v3;
	s13 =	simm.s32 $0x2;
	[dreg:$0x10] =	wrdreg s31;
	s15 =	sadd.s32 s14, s2  }
0x1c: {  	v2 =	vmov s20;
	v0 =	vmov s17;
	v1 =	vmov s18;
	s14 =	simm.s32 $0x3;
	s2 =	simm.s32 $0x0;
	[dreg:$0xf] =	wrdreg s15  }
.LBB2_28:
0x1d: {  	s1 =	simm.s32 $0x4  }
0x1e: {  	_ =	swait.ge [sflag:s1], $0x2000  }
0x1f: {  	[sflag:s1] =	ssyncset.done $0x0  }
0x20: {  	[sflag:s1] =	ssyncadd.s32 $0xFFFFE000  }
0x21: {  	_ =	swait.ge [sflag:s1], $0x2000  }
0x22: {  	[sflag:s1] =	ssyncset.done $0x0  }
0x23: {  	[sflag:s1] =	ssyncadd.s32 $0xFFFFE000  }
0x24: {  	_ =	swait.ge [sflag:s1], $0x2000  }
0x25: {  	[sflag:s1] =	ssyncset.done $0x0  }
0x26: {  	[sflag:s1] =	ssyncadd.s32 $0xFFFFE000  }
0x27: {  	_ =	swait.ge [sflag:s1], $0x2000  }
0x28: {  	s2 =	rddreg [dreg:$0x11]  }
0x29: {  	s0 =	rddreg [dreg:$0x10];
	s2 =	sadd.s32 $0x1, s2  }
0x2a: {  	p0 =	sne.s32 s2, s0  }
.Ltmp1:
0x2b: {  	_ = 	snop;
	(pc) =	sbr.rel @!p0 .LBB2_29-.Ltmp1, $3  }
0x2c: {  	_ =	sdelay $0x1  }
0x2d: {  	[sflag:s1] =	ssyncset.done $0x0  }
0x2e: {  	[sflag:s1] =	ssyncadd.s32 $0xFFFFE000  }
.LBB2_1:
0x2f: {  	[dreg:$0x11] =	wrdreg s2  }
0x30: {  	s0 =	rddreg [dreg:$0xc]  }
0x31: {  	s1 =	simm.s32 $0x80;
	s17 =	simm.s32 $0x400;
	s5 =	simm.s32 $0x5  }
0x32: {  	[tilespmem:s8], [sflag:$0x5] =	stream.strided.gather [hbm4b:s0+s1], $0x4000, s17, s1, $0x38;
	[tilespmem:$0x18C00] =	vst v63  }
0x33: {  	_ =	swait.ge [sflag:s5], $0x4000  }
0x34: {  	[sflag:s5] =	ssyncset.done $0x0  }
0x35: {  	s18 =	rddreg [dreg:$0xd];
	[sflag:s5] =	ssyncadd.s32 $0xFFFFC000  }
0x36: {  	[tilespmem:s21], [sflag:$0x5] =	stream.strided.gather [hbm4b:s18+s1], $0x2000, s17, s1, $0x38;
	[tilespmem:$0x18C00] =	vst v63  }
0x37: {  	_ =	swait.ge [sflag:s5], $0x2000  }
0x38: {  	[sflag:s5] =	ssyncset.done $0x0  }
0x39: {  	s19 =	rddreg [dreg:$0xe];
	[sflag:s5] =	ssyncadd.s32 $0xFFFFE000  }
0x3a: {  	[tilespmem:s22], [sflag:$0x5] =	stream.strided.gather [hbm4b:s19+s1], $0x1000, s17, s1, $0x38;
	[tilespmem:$0x18C00] =	vst v63  }
0x3b: {  	_ =	swait.ge [sflag:s5], $0x1000  }
0x3c: {  	s6 =	simm.s32 $0x7000;
	s16 =	simm.s32 $0xFFFFFFFC;
	[sflag:s5] =	ssyncset.done $0x0  }
0x3d: {  	s15 =	simm.s32 $0x7420;
	s20 =	rddreg [dreg:$0xf];
	[sflag:s5] =	ssyncadd.s32 $0xFFFFF000  }
0x3e: {  	[tilespmem:s6], [sflag:$0x5] =	stream.strided.gather [hbm4b:s20+s1], $0x400, s17, s1, $0x38;
	[tilespmem:$0x18C00] =	vst v63  }
0x3f: {  	s31 =	simm.s32 $0x7020;
	s18 =	simm.s32 $0x8020;
	_ =	swait.ge [sflag:s5], $0x400  }
0x40: {  	s19 =	simm.s32 $0x7C20;
	s6 =	simm.s32 $0x8420;
	[sflag:s5] =	ssyncset.done $0x0  }
0x41: {  	s17 =	simm.s32 $0x8820;
	s20 =	simm.s32 $0x7820;
	[sflag:s5] =	ssyncadd.s32 $0xFFFFFC00  }
.LBB2_2:
0x42: {  	v5 =	vld [tilespmem:s31+$0xFFFFFFE0];
	_ =	sdelay $0x7  }
0x43: {  	v6 =	vld.idx.msk [tilespmem:v5+s22+$0x0], $0xffff;
	_ =	sdelay $0x7  }
0x44: {  	v7 =	vld.idx.msk [tilespmem:v6+s21+$0x0], $0xffff;
	_ =	sdelay $0x7  }
0x45: {  	v8 =	vld.idx.msk [tilespmem:v7+s8+$0x0], $0xffff;
	_ =	sdelay $0x2  }
0x46: {  	v5 =	vadd.s32 v0, v5  }
0x47: {  	[tilespmem:s15+$0xFFFFFFE0] =	vst v5;
	v5 =	vadd.s32 v1, v6;
	v6 =	vand.u32 $0x1FFF, v7  }
0x48: {  	v7 =	vshrl.u32 v7, $0x7;
	[tilespmem:s20+$0xFFFFFFE0] =	vst v5;
	v5 =	vor.u32 v1, v6;
	v6 =	vand.u32 $0x3FFF, v8  }
0x49: {  	[tilespmem:s19+$0xFFFFFFE0] =	vst v5;
	v5 =	vor.u32 v2, v6;
	v6 =	vand.u32 $0x1FFFFC0, v7;
	v7 =	vshrl.u32 v8, $0x8  }
0x4a: {  	[tilespmem:s18+$0xFFFFFFE0] =	vst v5;
	v5 =	vxor.u32 $0x40, v6;
	v6 =	vand.u32 $0xFFFFC0, v7  }
0x4b: {  	[tilespmem:s17+$0xFFFFFFE0] =	vst v5;
	v5 =	vxor.u32 $0x40, v6  }
0x4c: {  	[tilespmem:s6+$0xFFFFFFE0] =	vst v5  }
0x4d: {  	v5 =	vld [tilespmem:s31+$0xFFFFFFF0];
	_ =	sdelay $0x7  }
0x4e: {  	v6 =	vld.idx.msk [tilespmem:v5+s22+$0x0], $0xffff;
	_ =	sdelay $0x7  }
0x4f: {  	v7 =	vld.idx.msk [tilespmem:v6+s21+$0x0], $0xffff;
	_ =	sdelay $0x7  }
0x50: {  	v61 =	vld.idx.msk [tilespmem:v7+s8+$0x0], $0xffff;
	_ =	sdelay $0x2  }
0x51: {  	v5 =	vadd.s32 v0, v5  }
0x52: {  	[tilespmem:s15+$0xFFFFFFF0] =	vst v5;
	v5 =	vadd.s32 v1, v6;
	v6 =	vand.u32 $0x1FFF, v7  }
0x53: {  	v7 =	vshrl.u32 v7, $0x7;
	[tilespmem:s20+$0xFFFFFFF0] =	vst v5;
	v5 =	vor.u32 v1, v6;
	v6 =	vand.u32 $0x3FFF, v61  }
0x54: {  	[tilespmem:s19+$0xFFFFFFF0] =	vst v5;
	v5 =	vor.u32 v2, v6;
	v6 =	vand.u32 $0x1FFFFC0, v7;
	v7 =	vshrl.u32 v61, $0x8  }
0x55: {  	[tilespmem:s18+$0xFFFFFFF0] =	vst v5;
	v5 =	vxor.u32 $0x40, v6;
	v6 =	vand.u32 $0xFFFFC0, v7  }
0x56: {  	[tilespmem:s17+$0xFFFFFFF0] =	vst v5;
	v5 =	vxor.u32 $0x40, v6  }
0x57: {  	[tilespmem:s6+$0xFFFFFFF0] =	vst v5  }
0x58: {  	v5 =	vld [tilespmem:s31+$0x0];
	_ =	sdelay $0x7  }
0x59: {  	v6 =	vld.idx.msk [tilespmem:v5+s22+$0x0], $0xffff;
	_ =	sdelay $0x7  }
0x5a: {  	v7 =	vld.idx.msk [tilespmem:v6+s21+$0x0], $0xffff;
	_ =	sdelay $0x7  }
0x5b: {  	v62 =	vld.idx.msk [tilespmem:v7+s8+$0x0], $0xffff;
	_ =	sdelay $0x2  }
0x5c: {  	v5 =	vadd.s32 v0, v5  }
0x5d: {  	[tilespmem:s15+$0x0] =	vst v5;
	v5 =	vadd.s32 v1, v6;
	v6 =	vand.u32 $0x1FFF, v7  }
0x5e: {  	v7 =	vshrl.u32 v7, $0x7;
	[tilespmem:s20+$0x0] =	vst v5;
	v5 =	vor.u32 v1, v6;
	v6 =	vand.u32 $0x3FFF, v62  }
0x5f: {  	[tilespmem:s19+$0x0] =	vst v5;
	v5 =	vor.u32 v2, v6;
	v6 =	vand.u32 $0x1FFFFC0, v7;
	v7 =	vshrl.u32 v62, $0x8  }
0x60: {  	[tilespmem:s18+$0x0] =	vst v5;
	v5 =	vxor.u32 $0x40, v6;
	v6 =	vand.u32 $0xFFFFC0, v7  }
0x61: {  	[tilespmem:s17+$0x0] =	vst v5;
	v5 =	vxor.u32 $0x40, v6  }
0x62: {  	[tilespmem:s6+$0x0] =	vst v5  }
0x63: {  	v5 =	vld [tilespmem:s31+$0x10];
	_ =	sdelay $0x7  }
0x64: {  	v6 =	vld.idx.msk [tilespmem:v5+s22+$0x0], $0xffff;
	_ =	sdelay $0x7  }
0x65: {  	v7 =	vld.idx.msk [tilespmem:v6+s21+$0x0], $0xffff;
	_ =	sdelay $0x7  }
0x66: {  	v63 =	vld.idx.msk [tilespmem:v7+s8+$0x0], $0xffff;
	_ =	sdelay $0x2  }
0x67: {  	s16 =	sadd.s32 $0x4, s16;
	v5 =	vadd.s32 v0, v5  }
0x68: {  	p0 =	slt.u32 s16, $0x3C;
	[tilespmem:s15+$0x10] =	vst v5;
	v5 =	vadd.s32 v1, v6;
	v6 =	vand.u32 $0x1FFF, v7  }
.Ltmp2:
0x69: {  	v7 =	vshrl.u32 v7, $0x7;
	[tilespmem:s20+$0x10] =	vst v5;
	v5 =	vor.u32 v1, v6;
	v6 =	vand.u32 $0x3FFF, v63;
	(pc) =	sbr.rel @p0 .LBB2_2-.Ltmp2, $4  }
0x6a: {  	[tilespmem:s19+$0x10] =	vst v5;
	v5 =	vor.u32 v2, v6;
	v6 =	vand.u32 $0x1FFFFC0, v7;
	v7 =	vshrl.u32 v63, $0x8  }
0x6b: {  	s31 =	sadd.s32 $0x40, s31;
	[tilespmem:s18+$0x10] =	vst v5;
	v5 =	vxor.u32 $0x40, v6;
	v6 =	vand.u32 $0xFFFFC0, v7  }
0x6c: {  	s15 =	sadd.s32 $0x40, s15;
	s20 =	sadd.s32 $0x40, s20;
	s19 =	sadd.s32 $0x40, s19;
	[tilespmem:s17+$0x10] =	vst v5;
	v5 =	vxor.u32 $0x40, v6  }
0x6d: {  	s18 =	sadd.s32 $0x40, s18;
	s17 =	sadd.s32 $0x40, s17;
	[tilespmem:s6+$0x10] =	vst v5;
	s6 =	sadd.s32 $0x40, s6  }
0x6e: {  	s0 =	rddreg [dreg:$0x4];
	s1 =	simm.s32 $0x8000  }
0x6f: {  	[tilespmem:s26], [sflag:$0x1] =	stream.indirect.gather [hbm4b:s0+s24], $0x80, s1, s24, $0xb8;
	[tilespmem:$0x18C00] =	vst v63  }
0x70: {  	s16 =	rddreg [dreg:$0x5];
	s17 =	simm.s32 $0x7C00  }
0x71: {  	[tilespmem:s29], [sflag:$0x1] =	stream.indirect.gather [hbm4b:s16+s24], $0x80, s17, s24, $0xb8;
	[tilespmem:$0x18C00] =	vst v63  }
.Ltmp3:
0x72: {  	_ = 	snop;
	(pc) =	sbr.rel .LBB2_4-.Ltmp3, $4  }
0x73: {  	s18 =	simm.s32 $0x7800;
	s19 =	simm.s32 $0xCC00  }
0x74: {  	[tilespmem:s19], [sflag:$0x1] =	stream.indirect.gather [hbm4b:s3+s24], $0x80, s18, s24, $0xb8;
	[tilespmem:$0x18C00] =	vst v63  }
0x75: {  	s20 =	simm.s32 $0x7400;
	s31 =	simm.s32 $0xEC00;
	s16 =	simm.s32 $0x0  }
0x76: {  	[tilespmem:s31], [sflag:$0x1] =	stream.indirect.gather [hbm4b:s4+s24], $0x80, s20, s24, $0xb8;
	[tilespmem:$0x18C00] =	vst v63  }
.LBB2_23:
0x77: {  	s16 =	simm.s32 $0x1  }
.LBB2_24:
0x78: {  	s0 =	sshll.u32 s16, $0x6  }
0x79: {  	s2 =	rddreg [dreg:$0x4];
	s1 =	sadd.s32 $0x8000, s0  }
0x7a: {  	[tilespmem:s23], [sflag:$0x2] =	stream.indirect.gather [hbm4b:s2+s24], $0x80, s1, s24, $0xb8;
	[tilespmem:$0x18C00] =	vst v63  }
0x7b: {  	s20 =	rddreg [dreg:$0x5];
	s19 =	sadd.s32 $0x7C00, s0  }
0x7c: {  	[tilespmem:s25], [sflag:$0x2] =	stream.indirect.gather [hbm4b:s20+s24], $0x80, s19, s24, $0xb8;
	[tilespmem:$0x18C00] =	vst v63  }
0x7d: {  	s31 =	sadd.s32 $0x7800, s0  }
0x7e: {  	[tilespmem:s28], [sflag:$0x2] =	stream.indirect.gather [hbm4b:s3+s24], $0x80, s31, s24, $0xb8;
	[tilespmem:$0x18C00] =	vst v63  }
0x7f: {  	s0 =	sadd.s32 $0x7400, s0  }
0x80: {  	[tilespmem:s30], [sflag:$0x2] =	stream.indirect.gather [hbm4b:s4+s24], $0x80, s0, s24, $0xb8;
	[tilespmem:$0x18C00] =	vst v63  }
.LBB2_27:
0x81: {  	p0 =	slt.u32 s16, $0x10  }
.Ltmp4:
0x82: {  	_ = 	snop;
	(pc) =	sbr.rel @!p0 .LBB2_28-.Ltmp4, $1  }
0x83: {  	_ =	sdelay $0x3  }
.LBB2_4:
0x84: {  	s2 =	sand.u32 $0x1, s16  }
0x85: {  	p0 =	seq.s32 s2, $0x1  }
.Ltmp5:
0x86: {  	_ = 	snop;
	(pc) =	sbr.rel @p0 .LBB2_14-.Ltmp5, $3  }
0x87: {  	_ =	sdelay $0x1  }
0x88: {  	s17 =	sshll.u32 s16, $0x6  }
0x89: {  	s2 =	sadd.s32 $0x8400, s17  }
0x8a: {  	_ =	swait.ge [sflag:s11], $0x2000  }
0x8b: {  	[sflag:s11] =	ssyncset.done $0x0  }
0x8c: {  	[sflag:s11] =	ssyncadd.s32 $0xFFFFE000  }
0x8d: {  	_ =	swait.ge [sflag:s11], $0x2000  }
0x8e: {  	[sflag:s11] =	ssyncset.done $0x0  }
0x8f: {  	[sflag:s11] =	ssyncadd.s32 $0xFFFFE000  }
0x90: {  	_ =	swait.ge [sflag:s11], $0x2000  }
0x91: {  	[sflag:s11] =	ssyncset.done $0x0  }
0x92: {  	[sflag:s11] =	ssyncadd.s32 $0xFFFFE000  }
0x93: {  	_ =	swait.ge [sflag:s11], $0x2000  }
0x94: {  	[sflag:s11] =	ssyncset.done $0x0  }
0x95: {  	s18 =	simm.s32 $0x0;
	v5 =	vmov s2;
	s19 =	simm.s32 $0x0;
	[sflag:s11] =	ssyncadd.s32 $0xFFFFE000  }
.LBB2_6:
0x96: {  	_ =	sdelay $0x2  }
0x97: {  	s2 =	sshll.u32 s19, $0x4  }
0x98: {  	v6 =	vld.idx.msk [tilespmem:v5+s2+$0x0 ss:$0x1], $0xffff;
	_ =	sdelay $0x2  }
0x99: {  	v7 =	vmov s2  }
0x9a: {  	s5 =	simm.s32 $0x1;
	s6 =	simm.s32 $0x2;
	v7 =	vshll.u32 v7, $0x7  }
0x9b: {  	s15 =	simm.s32 $0x3;
	s20 =	simm.s32 $0x8;
	v7 =	vor.u32 v3, v7;
	v8 =	vadd.s32 s5, v6;
	v9 =	vadd.s32 s6, v6  }
0x9c: {  	s0 =	simm.s32 $0x7;
	v10 =	vadd.s32 s15, v6;
	v14 =	vadd.s32 s18, v6;
	v18 =	vadd.s32 s20, v6  }
0x9d: {  	s6 =	simm.s32 $0xF;
	v21 =	vadd.s32 s0, v6;
	v11 =	vand.u32 $0xFFFFFF80, v8;
	v12 =	vand.u32 $0x7F, v8  }
0x9e: {  	s15 =	simm.s32 $0x4;
	v13 =	vand.u32 $0xFFFFFF80, v9;
	v8 =	vadd.s32 s6, v6;
	v15 =	vand.u32 $0xFFFFFF80, v14  }
0x9f: {  	v14 =	vand.u32 $0x7F, v14;
	v17 =	vadd.s32 s15, v6;
	v19 =	vand.u32 $0xFFFFFF80, v10  }
0xa0: {  	s20 =	simm.s32 $0xE;
	v10 =	vand.u32 $0x7F, v10;
	v9 =	vand.u32 $0x7F, v9;
	v22 =	vand.u32 $0xFFFFFF80, v21  }
0xa1: {  	s15 =	simm.s32 $0xC;
	v63 =	vadd.s32 s20, v6;
	v11 =	vadd.s32 v7, v11;
	v15 =	vadd.s32 v7, v15  }
0xa2: {  	s7 =	simm.s32 $0x5;
	v19 =	vadd.s32 v7, v19;
	v13 =	vadd.s32 v7, v13;
	v62 =	vadd.s32 s15, v6  }
0xa3: {  	v11 =	vor.u32 v12, v11;
	v12 =	vadd.s32 s7, v6;
	v14 =	vor.u32 v14, v15  }
0xa4: {  	s31 =	simm.s32 $0x6;
	v15 =	vand.u32 $0xFFFFFF80, v17;
	v17 =	vand.u32 $0x7F, v17;
	v19 =	vor.u32 v10, v19  }
0xa5: {  	v10 =	vadd.s32 s31, v6;
	v13 =	vor.u32 v9, v13;
	v9 =	vand.u32 $0x7F, v21  }
0xa6: {  	s7 =	simm.s32 $0xB;
	v16 =	vand.u32 $0xFFFFFF80, v12;
	v12 =	vand.u32 $0x7F, v12;
	v15 =	vadd.s32 v7, v15  }
0xa7: {  	v20 =	vand.u32 $0xFFFFFF80, v10;
	v10 =	vand.u32 $0x7F, v10;
	v60 =	vadd.s32 s7, v6  }
0xa8: {  	s1 =	simm.s32 $0x9;
	v16 =	vadd.s32 v7, v16;
	v20 =	vadd.s32 v7, v20;
	v15 =	vor.u32 v17, v15  }
0xa9: {  	v17 =	vadd.s32 s1, v6;
	v23 =	vand.u32 $0x7F, v60;
	v21 =	vand.u32 $0xFFFFFF80, v60  }
0xaa: {  	v20 =	vor.u32 v10, v20;
	v12 =	vor.u32 v12, v16;
	v10 =	vadd.s32 v7, v22  }
0xab: {  	v61 =	vand.u32 $0xFFFFFF80, v17;
	v16 =	vor.u32 v9, v10;
	v9 =	vand.u32 $0xFFFFFF80, v18  }
0xac: {  	s5 =	simm.s32 $0xA;
	v17 =	vand.u32 $0x7F, v17;
	v10 =	vand.u32 $0x7F, v18;
	v9 =	vadd.s32 v7, v9  }
0xad: {  	v18 =	vadd.s32 s5, v6;
	[tilespmem:v14+s26+$0x0] =	vst.idx.msk $0xffff, v4;
	v14 =	vadd.s32 v7, v61;
	v9 =	vor.u32 v10, v9  }
0xae: {  	v10 =	vand.u32 $0xFFFFFF80, v18;
	v18 =	vand.u32 $0x7F, v18;
	[tilespmem:v11+s26+$0x0] =	vst.idx.msk $0xffff, v4;
	v14 =	vor.u32 v17, v14  }
0xaf: {  	s31 =	simm.s32 $0xD;
	v11 =	vadd.s32 v7, v10;
	v10 =	vadd.s32 v7, v21;
	[tilespmem:v13+s26+$0x0] =	vst.idx.msk $0xffff, v4;
	v13 =	vand.u32 $0xFFFFFF80, v62  }
0xb0: {  	v10 =	vor.u32 v23, v10;
	[tilespmem:v19+s26+$0x0] =	vst.idx.msk $0xffff, v4;
	v11 =	vor.u32 v18, v11;
	v18 =	vadd.s32 s31, v6  }
0xb1: {  	v13 =	vadd.s32 v7, v13;
	v19 =	vand.u32 $0x7F, v62;
	[tilespmem:v15+s26+$0x0] =	vst.idx.msk $0xffff, v4;
	v15 =	vand.u32 $0xFFFFFF80, v18  }
0xb2: {  	v17 =	vand.u32 $0x7F, v18;
	[tilespmem:v12+s26+$0x0] =	vst.idx.msk $0xffff, v4;
	v12 =	vadd.s32 v7, v15;
	v15 =	vand.u32 $0xFFFFFF80, v63  }
0xb3: {  	v18 =	vand.u32 $0x7F, v63;
	[tilespmem:v20+s26+$0x0] =	vst.idx.msk $0xffff, v4;
	v12 =	vor.u32 v17, v12;
	v17 =	vadd.s32 v7, v15  }
0xb4: {  	s20 =	simm.s32 $0x10;
	v15 =	vor.u32 v19, v13;
	[tilespmem:v16+s26+$0x0] =	vst.idx.msk $0xffff, v4;
	v13 =	vor.u32 v18, v17;
	v16 =	vand.u32 $0xFFFFFF80, v8  }
.LBB2_7:
0xb5: {  	s2 =	sadd.s32 $0x1, s20  }
0xb6: {  	s15 =	sadd.s32 $0x2, s20;
	s31 =	sadd.s32 $0x3, s20;
	[tilespmem:v9+s26+$0x0] =	vst.idx.msk $0xffff, v4;
	v8 =	vand.u32 $0x7F, v8;
	v9 =	vadd.s32 v7, v16;
	s6 =	smov.u32 s20  }
0xb7: {  	s5 =	sadd.s32 $0x5, s20;
	s7 =	sadd.s32 $0x7, s20;
	v16 =	vadd.s32 s2, v6;
	v17 =	vadd.s32 s15, v6;
	v18 =	vadd.s32 s31, v6;
	s15 =	sadd.s32 $0xC, s20;
	[tilespmem:v14+s26+$0x0] =	vst.idx.msk $0xffff, v4  }
0xb8: {  	s0 =	sadd.s32 $0xF, s20;
	s2 =	sadd.s32 $0x9, s20;
	s31 =	sadd.s32 $0xE, s20;
	v9 =	vor.u32 v8, v9;
	v14 =	vand.u32 $0xFFFFFF80, v16;
	v16 =	vand.u32 $0x7F, v16;
	[tilespmem:v11+s26+$0x0] =	vst.idx.msk $0xffff, v4  }
0xb9: {  	p0 =	slt.u32 s20, $0x30;
	s1 =	sadd.s32 $0x8, s6;
	v8 =	vadd.s32 s0, v6;
	s20 =	sadd.s32 $0x10, s20;
	v11 =	vadd.s32 v7, v14;
	v14 =	vand.u32 $0xFFFFFF80, v17;
	[tilespmem:v10+s26+$0x0] =	vst.idx.msk $0xffff, v4  }
0xba: {  	v10 =	vadd.s32 s6, v6;
	v11 =	vor.u32 v16, v11;
	v16 =	vadd.s32 s5, v6;
	[tilespmem:v15+s26+$0x0] =	vst.idx.msk $0xffff, v4  }
0xbb: {  	s0 =	sadd.s32 $0x4, s6;
	v15 =	vand.u32 $0xFFFFFF80, v10;
	v10 =	vand.u32 $0x7F, v10;
	v19 =	vand.u32 $0xFFFFFF80, v16;
	[tilespmem:v12+s26+$0x0] =	vst.idx.msk $0xffff, v4  }
0xbc: {  	v12 =	vadd.s32 v7, v15;
	v15 =	vadd.s32 s0, v6;
	v16 =	vand.u32 $0x7F, v16;
	[tilespmem:v13+s26+$0x0] =	vst.idx.msk $0xffff, v4  }
0xbd: {  	v10 =	vor.u32 v10, v12;
	v12 =	vand.u32 $0xFFFFFF80, v15;
	v13 =	vadd.s32 s1, v6;
	[tilespmem:v9+s26+$0x0] =	vst.idx.msk $0xffff, v4  }
0xbe: {  	v9 =	vand.u32 $0xFFFFFF80, v18;
	v18 =	vand.u32 $0x7F, v18;
	v12 =	vadd.s32 v7, v12  }
0xbf: {  	v17 =	vand.u32 $0x7F, v17;
	s0 =	sadd.s32 $0x6, s6;
	v15 =	vand.u32 $0x7F, v15;
	v9 =	vadd.s32 v7, v9  }
0xc0: {  	v14 =	vadd.s32 v7, v14;
	v18 =	vor.u32 v18, v9;
	v9 =	vadd.s32 s0, v6  }
0xc1: {  	v21 =	vadd.s32 s7, v6;
	v20 =	vand.u32 $0xFFFFFF80, v9;
	v9 =	vand.u32 $0x7F, v9  }
0xc2: {  	[tilespmem:v10+s26+$0x0] =	vst.idx.msk $0xffff, v4;
	v10 =	vadd.s32 v7, v19;
	v19 =	vadd.s32 v7, v20;
	v20 =	vand.u32 $0xFFFFFF80, v21  }
0xc3: {  	[tilespmem:v11+s26+$0x0] =	vst.idx.msk $0xffff, v4;
	v11 =	vor.u32 v17, v14;
	v17 =	vor.u32 v9, v19;
	v9 =	vand.u32 $0x7F, v21  }
0xc4: {  	v12 =	vor.u32 v15, v12;
	v15 =	vor.u32 v16, v10;
	v10 =	vadd.s32 v7, v20  }
0xc5: {  	s0 =	sadd.s32 $0xA, s6;
	v16 =	vor.u32 v9, v10;
	v9 =	vand.u32 $0xFFFFFF80, v13;
	v10 =	vand.u32 $0x7F, v13  }
0xc6: {  	v14 =	vadd.s32 s0, v6;
	s0 =	sadd.s32 $0xB, s6;
	v13 =	vadd.s32 s2, v6;
	v9 =	vadd.s32 v7, v9  }
0xc7: {  	v19 =	vadd.s32 s0, v6;
	v9 =	vor.u32 v10, v9;
	v10 =	vand.u32 $0xFFFFFF80, v14  }
0xc8: {  	v20 =	vand.u32 $0xFFFFFF80, v13;
	v13 =	vand.u32 $0x7F, v13;
	v21 =	vand.u32 $0x7F, v19  }
0xc9: {  	v20 =	vadd.s32 v7, v20;
	[tilespmem:v11+s26+$0x0] =	vst.idx.msk $0xffff, v4;
	v11 =	vand.u32 $0x7F, v14;
	v14 =	vand.u32 $0xFFFFFF80, v19  }
0xca: {  	v22 =	vadd.s32 s15, v6;
	v19 =	vadd.s32 v7, v10;
	v10 =	vadd.s32 v7, v14  }
0xcb: {  	s0 =	sadd.s32 $0xD, s6;
	v14 =	vand.u32 $0xFFFFFF80, v22;
	v10 =	vor.u32 v21, v10;
	v21 =	vadd.s32 s31, v6  }
.Ltmp6:
0xcc: {  	v11 =	vor.u32 v11, v19;
	v19 =	vadd.s32 s0, v6;
	[tilespmem:v18+s26+$0x0] =	vst.idx.msk $0xffff, v4;
	v18 =	vadd.s32 v7, v14;
	(pc) =	sbr.rel @p0 .LBB2_7-.Ltmp6, $4  }
0xcd: {  	v14 =	vor.u32 v13, v20;
	v13 =	vand.u32 $0x7F, v19;
	[tilespmem:v12+s26+$0x0] =	vst.idx.msk $0xffff, v4;
	v12 =	vand.u32 $0xFFFFFF80, v19  }
0xce: {  	v19 =	vand.u32 $0x7F, v21;
	[tilespmem:v15+s26+$0x0] =	vst.idx.msk $0xffff, v4;
	v12 =	vadd.s32 v7, v12;
	v15 =	vand.u32 $0xFFFFFF80, v21  }
0xcf: {  	[tilespmem:v17+s26+$0x0] =	vst.idx.msk $0xffff, v4;
	v17 =	vand.u32 $0x7F, v22;
	v12 =	vor.u32 v13, v12;
	v13 =	vadd.s32 v7, v15  }
0xd0: {  	[tilespmem:v16+s26+$0x0] =	vst.idx.msk $0xffff, v4;
	v15 =	vor.u32 v17, v18;
	v13 =	vor.u32 v19, v13;
	v16 =	vand.u32 $0xFFFFFF80, v8  }
0xd1: {  	_ =	sdelay $0x3  }
0xd2: {  	[tilespmem:v9+s26+$0x0] =	vst.idx.msk $0xffff, v4  }
0xd3: {  	v6 =	vand.u32 $0x7F, v8;
	v7 =	vadd.s32 v7, v16;
	s19 =	sadd.s32 $0x1, s19;
	[tilespmem:v14+s26+$0x0] =	vst.idx.msk $0xffff, v4  }
0xd4: {  	v6 =	vor.u32 v6, v7;
	p0 =	seq.s32 s19, $0x4;
	[tilespmem:v11+s26+$0x0] =	vst.idx.msk $0xffff, v4  }
.Ltmp7:
0xd5: {  	[tilespmem:v10+s26+$0x0] =	vst.idx.msk $0xffff, v4;
	(pc) =	sbr.rel @!p0 .LBB2_6-.Ltmp7, $4  }
0xd6: {  	[tilespmem:v15+s26+$0x0] =	vst.idx.msk $0xffff, v4  }
0xd7: {  	[tilespmem:v12+s26+$0x0] =	vst.idx.msk $0xffff, v4  }
0xd8: {  	[tilespmem:v13+s26+$0x0] =	vst.idx.msk $0xffff, v4  }
0xd9: {  	[tilespmem:v6+s26+$0x0] =	vst.idx.msk $0xffff, v4  }
0xda: {  	s2 =	sadd.s32 $0x8800, s17  }
0xdb: {  	s18 =	simm.s32 $0x0;
	s19 =	simm.s32 $0x0;
	v5 =	vmov s2  }
.LBB2_10:
0xdc: {  	_ =	sdelay $0x2  }
0xdd: {  	s0 =	sshll.u32 s19, $0x4  }
0xde: {  	v6 =	vld.idx.msk [tilespmem:v5+s0+$0x0 ss:$0x1], $0xffff;
	_ =	sdelay $0x2  }
0xdf: {  	v7 =	vmov s0  }
0xe0: {  	s6 =	simm.s32 $0x1;
	s1 =	simm.s32 $0x2;
	v7 =	vshll.u32 v7, $0x7  }
0xe1: {  	s2 =	simm.s32 $0x3;
	s20 =	simm.s32 $0x4;
	v7 =	vor.u32 v3, v7;
	v8 =	vadd.s32 s6, v6;
	v9 =	vadd.s32 s1, v6  }
0xe2: {  	s31 =	simm.s32 $0x8;
	v10 =	vadd.s32 s2, v6;
	v14 =	vadd.s32 s18, v6;
	v17 =	vadd.s32 s20, v6  }
0xe3: {  	s7 =	simm.s32 $0xF;
	v18 =	vadd.s32 s31, v6;
	v11 =	vand.u32 $0xFFFFFF80, v8;
	v12 =	vand.u32 $0x7F, v8  }
0xe4: {  	v13 =	vand.u32 $0xFFFFFF80, v9;
	v8 =	vadd.s32 s7, v6;
	v15 =	vand.u32 $0xFFFFFF80, v14  }
0xe5: {  	s2 =	simm.s32 $0x7;
	s20 =	simm.s32 $0xE;
	v14 =	vand.u32 $0x7F, v14;
	v19 =	vand.u32 $0xFFFFFF80, v10;
	v10 =	vand.u32 $0x7F, v10  }
0xe6: {  	v9 =	vand.u32 $0x7F, v9;
	v21 =	vadd.s32 s2, v6;
	v63 =	vadd.s32 s20, v6  }
0xe7: {  	s7 =	simm.s32 $0xB;
	v11 =	vadd.s32 v7, v11;
	v15 =	vadd.s32 v7, v15;
	v19 =	vadd.s32 v7, v19  }
0xe8: {  	s15 =	simm.s32 $0x5;
	v13 =	vadd.s32 v7, v13;
	v22 =	vand.u32 $0xFFFFFF80, v21;
	v60 =	vadd.s32 s7, v6  }
0xe9: {  	v11 =	vor.u32 v12, v11;
	v12 =	vadd.s32 s15, v6;
	v14 =	vor.u32 v14, v15  }
0xea: {  	s1 =	simm.s32 $0x6;
	v15 =	vand.u32 $0xFFFFFF80, v17;
	v17 =	vand.u32 $0x7F, v17;
	v19 =	vor.u32 v10, v19  }
0xeb: {  	v10 =	vadd.s32 s1, v6;
	v13 =	vor.u32 v9, v13;
	v9 =	vand.u32 $0x7F, v21  }
0xec: {  	v23 =	vand.u32 $0x7F, v60;
	v21 =	vand.u32 $0xFFFFFF80, v60;
	v16 =	vand.u32 $0xFFFFFF80, v12  }
0xed: {  	s15 =	simm.s32 $0xC;
	v12 =	vand.u32 $0x7F, v12;
	v15 =	vadd.s32 v7, v15;
	v20 =	vand.u32 $0xFFFFFF80, v10  }
0xee: {  	s5 =	simm.s32 $0x9;
	v10 =	vand.u32 $0x7F, v10;
	v62 =	vadd.s32 s15, v6;
	v16 =	vadd.s32 v7, v16  }
0xef: {  	v20 =	vadd.s32 v7, v20;
	v15 =	vor.u32 v17, v15;
	v17 =	vadd.s32 s5, v6  }
0xf0: {  	v20 =	vor.u32 v10, v20;
	v12 =	vor.u32 v12, v16;
	v10 =	vadd.s32 v7, v22  }
0xf1: {  	v61 =	vand.u32 $0xFFFFFF80, v17;
	v16 =	vor.u32 v9, v10;
	v9 =	vand.u32 $0xFFFFFF80, v18  }
0xf2: {  	s6 =	simm.s32 $0xA;
	v17 =	vand.u32 $0x7F, v17;
	v10 =	vand.u32 $0x7F, v18;
	v9 =	vadd.s32 v7, v9  }
0xf3: {  	v18 =	vadd.s32 s6, v6;
	[tilespmem:v14+s29+$0x0] =	vst.idx.msk $0xffff, v4;
	v14 =	vadd.s32 v7, v61;
	v9 =	vor.u32 v10, v9  }
0xf4: {  	v10 =	vand.u32 $0xFFFFFF80, v18;
	v18 =	vand.u32 $0x7F, v18;
	[tilespmem:v11+s29+$0x0] =	vst.idx.msk $0xffff, v4;
	v14 =	vor.u32 v17, v14  }
0xf5: {  	s31 =	simm.s32 $0xD;
	v11 =	vadd.s32 v7, v10;
	v10 =	vadd.s32 v7, v21;
	[tilespmem:v13+s29+$0x0] =	vst.idx.msk $0xffff, v4;
	v13 =	vand.u32 $0xFFFFFF80, v62  }
0xf6: {  	v10 =	vor.u32 v23, v10;
	[tilespmem:v19+s29+$0x0] =	vst.idx.msk $0xffff, v4;
	v11 =	vor.u32 v18, v11;
	v18 =	vadd.s32 s31, v6  }
0xf7: {  	v13 =	vadd.s32 v7, v13;
	v19 =	vand.u32 $0x7F, v62;
	[tilespmem:v15+s29+$0x0] =	vst.idx.msk $0xffff, v4;
	v15 =	vand.u32 $0xFFFFFF80, v18  }
0xf8: {  	v17 =	vand.u32 $0x7F, v18;
	[tilespmem:v12+s29+$0x0] =	vst.idx.msk $0xffff, v4;
	v12 =	vadd.s32 v7, v15;
	v15 =	vand.u32 $0xFFFFFF80, v63  }
0xf9: {  	v18 =	vand.u32 $0x7F, v63;
	[tilespmem:v20+s29+$0x0] =	vst.idx.msk $0xffff, v4;
	v12 =	vor.u32 v17, v12;
	v17 =	vadd.s32 v7, v15  }
0xfa: {  	s20 =	simm.s32 $0x10;
	v15 =	vor.u32 v19, v13;
	[tilespmem:v16+s29+$0x0] =	vst.idx.msk $0xffff, v4;
	v13 =	vor.u32 v18, v17;
	v16 =	vand.u32 $0xFFFFFF80, v8  }
.LBB2_11:
0xfb: {  	s0 =	sadd.s32 $0x1, s20  }
0xfc: {  	s1 =	sadd.s32 $0x2, s20;
	s2 =	sadd.s32 $0x3, s20;
	[tilespmem:v9+s29+$0x0] =	vst.idx.msk $0xffff, v4;
	v8 =	vand.u32 $0x7F, v8;
	v9 =	vadd.s32 v7, v16;
	s6 =	smov.u32 s20  }
0xfd: {  	s15 =	sadd.s32 $0xC, s20;
	v16 =	vadd.s32 s0, v6;
	v17 =	vadd.s32 s1, v6;
	v18 =	vadd.s32 s2, v6;
	s0 =	sadd.s32 $0x5, s20;
	s1 =	sadd.s32 $0x7, s20;
	[tilespmem:v14+s29+$0x0] =	vst.idx.msk $0xffff, v4  }
0xfe: {  	s31 =	sadd.s32 $0xE, s20;
	s5 =	sadd.s32 $0xF, s20;
	s2 =	sadd.s32 $0x9, s20;
	v9 =	vor.u32 v8, v9;
	v14 =	vand.u32 $0xFFFFFF80, v16;
	v16 =	vand.u32 $0x7F, v16;
	[tilespmem:v11+s29+$0x0] =	vst.idx.msk $0xffff, v4  }
0xff: {  	p0 =	slt.u32 s20, $0x30;
	s7 =	sadd.s32 $0x8, s6;
	v8 =	vadd.s32 s5, v6;
	s20 =	sadd.s32 $0x10, s20;
	v11 =	vadd.s32 v7, v14;
	v14 =	vand.u32 $0xFFFFFF80, v17;
	[tilespmem:v10+s29+$0x0] =	vst.idx.msk $0xffff, v4  }
0x100: {  	v10 =	vadd.s32 s6, v6;
	v11 =	vor.u32 v16, v11;
	v16 =	vadd.s32 s0, v6;
	[tilespmem:v15+s29+$0x0] =	vst.idx.msk $0xffff, v4  }
0x101: {  	v15 =	vand.u32 $0xFFFFFF80, v10;
	v10 =	vand.u32 $0x7F, v10;
	s0 =	sadd.s32 $0x4, s6;
	v19 =	vand.u32 $0xFFFFFF80, v16;
	[tilespmem:v12+s29+$0x0] =	vst.idx.msk $0xffff, v4  }
0x102: {  	v12 =	vadd.s32 v7, v15;
	v15 =	vadd.s32 s0, v6;
	v16 =	vand.u32 $0x7F, v16;
	[tilespmem:v13+s29+$0x0] =	vst.idx.msk $0xffff, v4  }
0x103: {  	v10 =	vor.u32 v10, v12;
	v12 =	vand.u32 $0xFFFFFF80, v15;
	v13 =	vadd.s32 s7, v6;
	[tilespmem:v9+s29+$0x0] =	vst.idx.msk $0xffff, v4  }
0x104: {  	v9 =	vand.u32 $0xFFFFFF80, v18;
	v18 =	vand.u32 $0x7F, v18;
	v12 =	vadd.s32 v7, v12  }
0x105: {  	v17 =	vand.u32 $0x7F, v17;
	s0 =	sadd.s32 $0x6, s6;
	v15 =	vand.u32 $0x7F, v15;
	v9 =	vadd.s32 v7, v9  }
0x106: {  	v14 =	vadd.s32 v7, v14;
	v18 =	vor.u32 v18, v9;
	v9 =	vadd.s32 s0, v6  }
0x107: {  	v21 =	vadd.s32 s1, v6;
	v20 =	vand.u32 $0xFFFFFF80, v9;
	v9 =	vand.u32 $0x7F, v9  }
0x108: {  	[tilespmem:v10+s29+$0x0] =	vst.idx.msk $0xffff, v4;
	v10 =	vadd.s32 v7, v19;
	v19 =	vadd.s32 v7, v20;
	v20 =	vand.u32 $0xFFFFFF80, v21  }
0x109: {  	[tilespmem:v11+s29+$0x0] =	vst.idx.msk $0xffff, v4;
	v11 =	vor.u32 v17, v14;
	v17 =	vor.u32 v9, v19;
	v9 =	vand.u32 $0x7F, v21  }
0x10a: {  	v12 =	vor.u32 v15, v12;
	v15 =	vor.u32 v16, v10;
	v10 =	vadd.s32 v7, v20  }
0x10b: {  	s0 =	sadd.s32 $0xA, s6;
	v16 =	vor.u32 v9, v10;
	v9 =	vand.u32 $0xFFFFFF80, v13;
	v10 =	vand.u32 $0x7F, v13  }
0x10c: {  	v14 =	vadd.s32 s0, v6;
	s0 =	sadd.s32 $0xB, s6;
	v13 =	vadd.s32 s2, v6;
	v9 =	vadd.s32 v7, v9  }
0x10d: {  	v19 =	vadd.s32 s0, v6;
	v9 =	vor.u32 v10, v9;
	v10 =	vand.u32 $0xFFFFFF80, v14  }
0x10e: {  	v20 =	vand.u32 $0xFFFFFF80, v13;
	v13 =	vand.u32 $0x7F, v13;
	v21 =	vand.u32 $0x7F, v19  }
0x10f: {  	v20 =	vadd.s32 v7, v20;
	[tilespmem:v11+s29+$0x0] =	vst.idx.msk $0xffff, v4;
	v11 =	vand.u32 $0x7F, v14;
	v14 =	vand.u32 $0xFFFFFF80, v19  }
0x110: {  	v22 =	vadd.s32 s15, v6;
	v19 =	vadd.s32 v7, v10;
	v10 =	vadd.s32 v7, v14  }
0x111: {  	s0 =	sadd.s32 $0xD, s6;
	v14 =	vand.u32 $0xFFFFFF80, v22;
	v10 =	vor.u32 v21, v10;
	v21 =	vadd.s32 s31, v6  }
.Ltmp8:
0x112: {  	v11 =	vor.u32 v11, v19;
	v19 =	vadd.s32 s0, v6;
	[tilespmem:v18+s29+$0x0] =	vst.idx.msk $0xffff, v4;
	v18 =	vadd.s32 v7, v14;
	(pc) =	sbr.rel @p0 .LBB2_11-.Ltmp8, $4  }
0x113: {  	v14 =	vor.u32 v13, v20;
	v13 =	vand.u32 $0x7F, v19;
	[tilespmem:v12+s29+$0x0] =	vst.idx.msk $0xffff, v4;
	v12 =	vand.u32 $0xFFFFFF80, v19  }
0x114: {  	v19 =	vand.u32 $0x7F, v21;
	[tilespmem:v15+s29+$0x0] =	vst.idx.msk $0xffff, v4;
	v12 =	vadd.s32 v7, v12;
	v15 =	vand.u32 $0xFFFFFF80, v21  }
0x115: {  	[tilespmem:v17+s29+$0x0] =	vst.idx.msk $0xffff, v4;
	v17 =	vand.u32 $0x7F, v22;
	v12 =	vor.u32 v13, v12;
	v13 =	vadd.s32 v7, v15  }
0x116: {  	[tilespmem:v16+s29+$0x0] =	vst.idx.msk $0xffff, v4;
	v15 =	vor.u32 v17, v18;
	v13 =	vor.u32 v19, v13;
	v16 =	vand.u32 $0xFFFFFF80, v8  }
0x117: {  	_ =	sdelay $0x3  }
0x118: {  	[tilespmem:v9+s29+$0x0] =	vst.idx.msk $0xffff, v4  }
0x119: {  	v6 =	vand.u32 $0x7F, v8;
	v7 =	vadd.s32 v7, v16;
	s19 =	sadd.s32 $0x1, s19;
	[tilespmem:v14+s29+$0x0] =	vst.idx.msk $0xffff, v4  }
0x11a: {  	v6 =	vor.u32 v6, v7;
	p0 =	sne.s32 s19, $0x4;
	[tilespmem:v11+s29+$0x0] =	vst.idx.msk $0xffff, v4  }
.Ltmp9:
0x11b: {  	[tilespmem:v10+s29+$0x0] =	vst.idx.msk $0xffff, v4;
	(pc) =	sbr.rel @p0 .LBB2_10-.Ltmp9, $4  }
0x11c: {  	[tilespmem:v15+s29+$0x0] =	vst.idx.msk $0xffff, v4  }
0x11d: {  	[tilespmem:v12+s29+$0x0] =	vst.idx.msk $0xffff, v4  }
0x11e: {  	[tilespmem:v13+s29+$0x0] =	vst.idx.msk $0xffff, v4  }
0x11f: {  	[tilespmem:v6+s29+$0x0] =	vst.idx.msk $0xffff, v4  }
0x120: {  	s0 =	sor.u32 s12, s17  }
0x121: {  	s1 =	rddreg [dreg:$0x8];
	s0 =	sshll.u32 s0, $0x4  }
0x122: {  	s19 =	rddreg [dreg:$0x9];
	s1 =	sadd.s32 s1, s0  }
0x123: {  	[hbm4b:s1+s8] =	stream.linear.scatter [tilespmem:s26], [sflag:$0x3], $0x2000, $0x38;
	[tilespmem:$0x18C00] =	vst v63  }
0x124: {  	s1 =	sadd.s32 s19, s0  }
0x125: {  	[hbm4b:s1+s8] =	stream.linear.scatter [tilespmem:s29], [sflag:$0x3], $0x2000, $0x38;
	[tilespmem:$0x18C00] =	vst v63  }
0x126: {  	s2 =	simm.s32 $0xCC00;
	s20 =	sadd.s32 s9, s0  }
0x127: {  	[hbm4b:s20+s8] =	stream.linear.scatter [tilespmem:s2], [sflag:$0x3], $0x2000, $0x38;
	[tilespmem:$0x18C00] =	vst v63  }
0x128: {  	s31 =	simm.s32 $0xEC00;
	p0 =	seq.s32 s16, $0x0;
	s0 =	sadd.s32 s10, s0  }
0x129: {  	[hbm4b:s0+s8] =	stream.linear.scatter [tilespmem:s31], [sflag:$0x3], $0x2000, $0x38;
	[tilespmem:$0x18C00] =	vst v63  }
0x12a: {  	s0 =	simm.s32 @!p0 $0x4  }
0x12b: {  	_ =	swait.ge @!p0 [sflag:s0], $0x2000  }
0x12c: {  	[sflag:s0] =	ssyncset.done @!p0 $0x0  }
0x12d: {  	[sflag:s0] =	ssyncadd.s32 @!p0 $0xFFFFE000  }
0x12e: {  	_ =	swait.ge @!p0 [sflag:s0], $0x2000  }
0x12f: {  	[sflag:s0] =	ssyncset.done @!p0 $0x0  }
0x130: {  	[sflag:s0] =	ssyncadd.s32 @!p0 $0xFFFFE000  }
0x131: {  	_ =	swait.ge @!p0 [sflag:s0], $0x2000  }
.Ltmp10:
0x132: {  	[sflag:s0] =	ssyncset.done @!p0 $0x0;
	(pc) =	sbr.rel .LBB2_24-.Ltmp10, $4  }
0x133: {  	[sflag:s0] =	ssyncadd.s32 @!p0 $0xFFFFE000  }
0x134: {  	_ =	swait.ge @!p0 [sflag:s0], $0x2000  }
0x135: {  	s16 =	sor.u32 @!p0 $0x1, s16;
	[sflag:s0] =	ssyncset.done @!p0 $0x0  }
0x136: {  	s16 =	simm.s32 @p0 $0x1;
	[sflag:s0] =	ssyncadd.s32 @!p0 $0xFFFFE000  }
.LBB2_14:
0x137: {  	_ =	swait.ge [sflag:s13], $0x2000  }
0x138: {  	[sflag:s13] =	ssyncset.done $0x0  }
0x139: {  	[sflag:s13] =	ssyncadd.s32 $0xFFFFE000  }
0x13a: {  	_ =	swait.ge [sflag:s13], $0x2000  }
0x13b: {  	[sflag:s13] =	ssyncset.done $0x0  }
0x13c: {  	[sflag:s13] =	ssyncadd.s32 $0xFFFFE000  }
0x13d: {  	_ =	swait.ge [sflag:s13], $0x2000  }
0x13e: {  	[sflag:s13] =	ssyncset.done $0x0  }
0x13f: {  	[sflag:s13] =	ssyncadd.s32 $0xFFFFE000  }
0x140: {  	_ =	swait.ge [sflag:s13], $0x2000  }
0x141: {  	[sflag:s13] =	ssyncset.done $0x0  }
0x142: {  	s18 =	simm.s32 $0x0;
	v5 =	vmov s2;
	s19 =	simm.s32 $0x0;
	[sflag:s13] =	ssyncadd.s32 $0xFFFFE000  }
.LBB2_15:
0x143: {  	_ =	sdelay $0x2  }
0x144: {  	s0 =	sshll.u32 s19, $0x4  }
0x145: {  	v6 =	vld.idx.msk [tilespmem:v5+s0+$0x0 ss:$0x1], $0xffff;
	_ =	sdelay $0x2  }
0x146: {  	v7 =	vmov s0  }
0x147: {  	s6 =	simm.s32 $0x1;
	s1 =	simm.s32 $0x2;
	v7 =	vshll.u32 v7, $0x7  }
0x148: {  	s2 =	simm.s32 $0x3;
	s20 =	simm.s32 $0x4;
	v7 =	vor.u32 v3, v7;
	v8 =	vadd.s32 s6, v6;
	v9 =	vadd.s32 s1, v6  }
0x149: {  	s31 =	simm.s32 $0x8;
	v10 =	vadd.s32 s2, v6;
	v14 =	vadd.s32 s18, v6;
	v17 =	vadd.s32 s20, v6  }
0x14a: {  	s7 =	simm.s32 $0xF;
	v18 =	vadd.s32 s31, v6;
	v11 =	vand.u32 $0xFFFFFF80, v8;
	v12 =	vand.u32 $0x7F, v8  }
0x14b: {  	v13 =	vand.u32 $0xFFFFFF80, v9;
	v8 =	vadd.s32 s7, v6;
	v15 =	vand.u32 $0xFFFFFF80, v14  }
0x14c: {  	s2 =	simm.s32 $0x7;
	s20 =	simm.s32 $0xE;
	v14 =	vand.u32 $0x7F, v14;
	v19 =	vand.u32 $0xFFFFFF80, v10;
	v10 =	vand.u32 $0x7F, v10  }
0x14d: {  	v9 =	vand.u32 $0x7F, v9;
	v21 =	vadd.s32 s2, v6;
	v63 =	vadd.s32 s20, v6  }
0x14e: {  	s7 =	simm.s32 $0xB;
	v11 =	vadd.s32 v7, v11;
	v15 =	vadd.s32 v7, v15;
	v19 =	vadd.s32 v7, v19  }
0x14f: {  	s15 =	simm.s32 $0x5;
	v13 =	vadd.s32 v7, v13;
	v22 =	vand.u32 $0xFFFFFF80, v21;
	v60 =	vadd.s32 s7, v6  }
0x150: {  	v11 =	vor.u32 v12, v11;
	v12 =	vadd.s32 s15, v6;
	v14 =	vor.u32 v14, v15  }
0x151: {  	s1 =	simm.s32 $0x6;
	v15 =	vand.u32 $0xFFFFFF80, v17;
	v17 =	vand.u32 $0x7F, v17;
	v19 =	vor.u32 v10, v19  }
0x152: {  	v10 =	vadd.s32 s1, v6;
	v13 =	vor.u32 v9, v13;
	v9 =	vand.u32 $0x7F, v21  }
0x153: {  	v23 =	vand.u32 $0x7F, v60;
	v21 =	vand.u32 $0xFFFFFF80, v60;
	v16 =	vand.u32 $0xFFFFFF80, v12  }
0x154: {  	s15 =	simm.s32 $0xC;
	v12 =	vand.u32 $0x7F, v12;
	v15 =	vadd.s32 v7, v15;
	v20 =	vand.u32 $0xFFFFFF80, v10  }
0x155: {  	s5 =	simm.s32 $0x9;
	v10 =	vand.u32 $0x7F, v10;
	v62 =	vadd.s32 s15, v6;
	v16 =	vadd.s32 v7, v16  }
0x156: {  	v20 =	vadd.s32 v7, v20;
	v15 =	vor.u32 v17, v15;
	v17 =	vadd.s32 s5, v6  }
0x157: {  	v20 =	vor.u32 v10, v20;
	v12 =	vor.u32 v12, v16;
	v10 =	vadd.s32 v7, v22  }
0x158: {  	v61 =	vand.u32 $0xFFFFFF80, v17;
	v16 =	vor.u32 v9, v10;
	v9 =	vand.u32 $0xFFFFFF80, v18  }
0x159: {  	s6 =	simm.s32 $0xA;
	v17 =	vand.u32 $0x7F, v17;
	v10 =	vand.u32 $0x7F, v18;
	v9 =	vadd.s32 v7, v9  }
0x15a: {  	v18 =	vadd.s32 s6, v6;
	[tilespmem:v14+s23+$0x0] =	vst.idx.msk $0xffff, v4;
	v14 =	vadd.s32 v7, v61;
	v9 =	vor.u32 v10, v9  }
0x15b: {  	v10 =	vand.u32 $0xFFFFFF80, v18;
	v18 =	vand.u32 $0x7F, v18;
	[tilespmem:v11+s23+$0x0] =	vst.idx.msk $0xffff, v4;
	v14 =	vor.u32 v17, v14  }
0x15c: {  	s31 =	simm.s32 $0xD;
	v11 =	vadd.s32 v7, v10;
	v10 =	vadd.s32 v7, v21;
	[tilespmem:v13+s23+$0x0] =	vst.idx.msk $0xffff, v4;
	v13 =	vand.u32 $0xFFFFFF80, v62  }
0x15d: {  	v10 =	vor.u32 v23, v10;
	[tilespmem:v19+s23+$0x0] =	vst.idx.msk $0xffff, v4;
	v11 =	vor.u32 v18, v11;
	v18 =	vadd.s32 s31, v6  }
0x15e: {  	v13 =	vadd.s32 v7, v13;
	v19 =	vand.u32 $0x7F, v62;
	[tilespmem:v15+s23+$0x0] =	vst.idx.msk $0xffff, v4;
	v15 =	vand.u32 $0xFFFFFF80, v18  }
0x15f: {  	v17 =	vand.u32 $0x7F, v18;
	[tilespmem:v12+s23+$0x0] =	vst.idx.msk $0xffff, v4;
	v12 =	vadd.s32 v7, v15;
	v15 =	vand.u32 $0xFFFFFF80, v63  }
0x160: {  	v18 =	vand.u32 $0x7F, v63;
	[tilespmem:v20+s23+$0x0] =	vst.idx.msk $0xffff, v4;
	v12 =	vor.u32 v17, v12;
	v17 =	vadd.s32 v7, v15  }
0x161: {  	s20 =	simm.s32 $0x10;
	v15 =	vor.u32 v19, v13;
	[tilespmem:v16+s23+$0x0] =	vst.idx.msk $0xffff, v4;
	v13 =	vor.u32 v18, v17;
	v16 =	vand.u32 $0xFFFFFF80, v8  }
.LBB2_16:
0x162: {  	s0 =	sadd.s32 $0x1, s20  }
0x163: {  	s1 =	sadd.s32 $0x2, s20;
	s2 =	sadd.s32 $0x3, s20;
	[tilespmem:v9+s23+$0x0] =	vst.idx.msk $0xffff, v4;
	v8 =	vand.u32 $0x7F, v8;
	v9 =	vadd.s32 v7, v16;
	s6 =	smov.u32 s20  }
0x164: {  	s15 =	sadd.s32 $0xC, s20;
	v16 =	vadd.s32 s0, v6;
	v17 =	vadd.s32 s1, v6;
	v18 =	vadd.s32 s2, v6;
	s0 =	sadd.s32 $0x5, s20;
	s1 =	sadd.s32 $0x7, s20;
	[tilespmem:v14+s23+$0x0] =	vst.idx.msk $0xffff, v4  }
0x165: {  	s31 =	sadd.s32 $0xE, s20;
	s5 =	sadd.s32 $0xF, s20;
	s2 =	sadd.s32 $0x9, s20;
	v9 =	vor.u32 v8, v9;
	v14 =	vand.u32 $0xFFFFFF80, v16;
	v16 =	vand.u32 $0x7F, v16;
	[tilespmem:v11+s23+$0x0] =	vst.idx.msk $0xffff, v4  }
0x166: {  	p0 =	slt.u32 s20, $0x30;
	s7 =	sadd.s32 $0x8, s6;
	v8 =	vadd.s32 s5, v6;
	s20 =	sadd.s32 $0x10, s20;
	v11 =	vadd.s32 v7, v14;
	v14 =	vand.u32 $0xFFFFFF80, v17;
	[tilespmem:v10+s23+$0x0] =	vst.idx.msk $0xffff, v4  }
0x167: {  	v10 =	vadd.s32 s6, v6;
	v11 =	vor.u32 v16, v11;
	v16 =	vadd.s32 s0, v6;
	[tilespmem:v15+s23+$0x0] =	vst.idx.msk $0xffff, v4  }
0x168: {  	v15 =	vand.u32 $0xFFFFFF80, v10;
	v10 =	vand.u32 $0x7F, v10;
	s0 =	sadd.s32 $0x4, s6;
	v19 =	vand.u32 $0xFFFFFF80, v16;
	[tilespmem:v12+s23+$0x0] =	vst.idx.msk $0xffff, v4  }
0x169: {  	v12 =	vadd.s32 v7, v15;
	v15 =	vadd.s32 s0, v6;
	v16 =	vand.u32 $0x7F, v16;
	[tilespmem:v13+s23+$0x0] =	vst.idx.msk $0xffff, v4  }
0x16a: {  	v10 =	vor.u32 v10, v12;
	v12 =	vand.u32 $0xFFFFFF80, v15;
	v13 =	vadd.s32 s7, v6;
	[tilespmem:v9+s23+$0x0] =	vst.idx.msk $0xffff, v4  }
0x16b: {  	v9 =	vand.u32 $0xFFFFFF80, v18;
	v18 =	vand.u32 $0x7F, v18;
	v12 =	vadd.s32 v7, v12  }
0x16c: {  	v17 =	vand.u32 $0x7F, v17;
	s0 =	sadd.s32 $0x6, s6;
	v15 =	vand.u32 $0x7F, v15;
	v9 =	vadd.s32 v7, v9  }
0x16d: {  	v14 =	vadd.s32 v7, v14;
	v18 =	vor.u32 v18, v9;
	v9 =	vadd.s32 s0, v6  }
0x16e: {  	v21 =	vadd.s32 s1, v6;
	v20 =	vand.u32 $0xFFFFFF80, v9;
	v9 =	vand.u32 $0x7F, v9  }
0x16f: {  	[tilespmem:v10+s23+$0x0] =	vst.idx.msk $0xffff, v4;
	v10 =	vadd.s32 v7, v19;
	v19 =	vadd.s32 v7, v20;
	v20 =	vand.u32 $0xFFFFFF80, v21  }
0x170: {  	[tilespmem:v11+s23+$0x0] =	vst.idx.msk $0xffff, v4;
	v11 =	vor.u32 v17, v14;
	v17 =	vor.u32 v9, v19;
	v9 =	vand.u32 $0x7F, v21  }
0x171: {  	v12 =	vor.u32 v15, v12;
	v15 =	vor.u32 v16, v10;
	v10 =	vadd.s32 v7, v20  }
0x172: {  	s0 =	sadd.s32 $0xA, s6;
	v16 =	vor.u32 v9, v10;
	v9 =	vand.u32 $0xFFFFFF80, v13;
	v10 =	vand.u32 $0x7F, v13  }
0x173: {  	v14 =	vadd.s32 s0, v6;
	s0 =	sadd.s32 $0xB, s6;
	v13 =	vadd.s32 s2, v6;
	v9 =	vadd.s32 v7, v9  }
0x174: {  	v19 =	vadd.s32 s0, v6;
	v9 =	vor.u32 v10, v9;
	v10 =	vand.u32 $0xFFFFFF80, v14  }
0x175: {  	v20 =	vand.u32 $0xFFFFFF80, v13;
	v13 =	vand.u32 $0x7F, v13;
	v21 =	vand.u32 $0x7F, v19  }
0x176: {  	v20 =	vadd.s32 v7, v20;
	[tilespmem:v11+s23+$0x0] =	vst.idx.msk $0xffff, v4;
	v11 =	vand.u32 $0x7F, v14;
	v14 =	vand.u32 $0xFFFFFF80, v19  }
0x177: {  	v22 =	vadd.s32 s15, v6;
	v19 =	vadd.s32 v7, v10;
	v10 =	vadd.s32 v7, v14  }
0x178: {  	s0 =	sadd.s32 $0xD, s6;
	v14 =	vand.u32 $0xFFFFFF80, v22;
	v10 =	vor.u32 v21, v10;
	v21 =	vadd.s32 s31, v6  }
.Ltmp11:
0x179: {  	v11 =	vor.u32 v11, v19;
	v19 =	vadd.s32 s0, v6;
	[tilespmem:v18+s23+$0x0] =	vst.idx.msk $0xffff, v4;
	v18 =	vadd.s32 v7, v14;
	(pc) =	sbr.rel @p0 .LBB2_16-.Ltmp11, $4  }
0x17a: {  	v14 =	vor.u32 v13, v20;
	v13 =	vand.u32 $0x7F, v19;
	[tilespmem:v12+s23+$0x0] =	vst.idx.msk $0xffff, v4;
	v12 =	vand.u32 $0xFFFFFF80, v19  }
0x17b: {  	v19 =	vand.u32 $0x7F, v21;
	[tilespmem:v15+s23+$0x0] =	vst.idx.msk $0xffff, v4;
	v12 =	vadd.s32 v7, v12;
	v15 =	vand.u32 $0xFFFFFF80, v21  }
0x17c: {  	[tilespmem:v17+s23+$0x0] =	vst.idx.msk $0xffff, v4;
	v17 =	vand.u32 $0x7F, v22;
	v12 =	vor.u32 v13, v12;
	v13 =	vadd.s32 v7, v15  }
0x17d: {  	[tilespmem:v16+s23+$0x0] =	vst.idx.msk $0xffff, v4;
	v15 =	vor.u32 v17, v18;
	v13 =	vor.u32 v19, v13;
	v16 =	vand.u32 $0xFFFFFF80, v8  }
0x17e: {  	_ =	sdelay $0x3  }
0x17f: {  	[tilespmem:v9+s23+$0x0] =	vst.idx.msk $0xffff, v4  }
0x180: {  	v6 =	vand.u32 $0x7F, v8;
	v7 =	vadd.s32 v7, v16;
	s19 =	sadd.s32 $0x1, s19;
	[tilespmem:v14+s23+$0x0] =	vst.idx.msk $0xffff, v4  }
0x181: {  	v6 =	vor.u32 v6, v7;
	p0 =	seq.s32 s19, $0x4;
	[tilespmem:v11+s23+$0x0] =	vst.idx.msk $0xffff, v4  }
.Ltmp12:
0x182: {  	[tilespmem:v10+s23+$0x0] =	vst.idx.msk $0xffff, v4;
	(pc) =	sbr.rel @!p0 .LBB2_15-.Ltmp12, $4  }
0x183: {  	[tilespmem:v15+s23+$0x0] =	vst.idx.msk $0xffff, v4  }
0x184: {  	[tilespmem:v12+s23+$0x0] =	vst.idx.msk $0xffff, v4  }
0x185: {  	[tilespmem:v13+s23+$0x0] =	vst.idx.msk $0xffff, v4  }
0x186: {  	[tilespmem:v6+s23+$0x0] =	vst.idx.msk $0xffff, v4  }
0x187: {  	s0 =	sadd.s32 $0x8800, s17  }
0x188: {  	s18 =	simm.s32 $0x0;
	s19 =	simm.s32 $0x0;
	v5 =	vmov s0  }
.LBB2_19:
0x189: {  	_ =	sdelay $0x2  }
0x18a: {  	s0 =	sshll.u32 s19, $0x4  }
0x18b: {  	v6 =	vld.idx.msk [tilespmem:v5+s0+$0x0 ss:$0x1], $0xffff;
	_ =	sdelay $0x2  }
0x18c: {  	v7 =	vmov s0  }
0x18d: {  	s6 =	simm.s32 $0x1;
	s1 =	simm.s32 $0x2;
	v7 =	vshll.u32 v7, $0x7  }
0x18e: {  	s2 =	simm.s32 $0x3;
	s20 =	simm.s32 $0x4;
	v7 =	vor.u32 v3, v7;
	v8 =	vadd.s32 s6, v6;
	v9 =	vadd.s32 s1, v6  }
0x18f: {  	s31 =	simm.s32 $0x8;
	v10 =	vadd.s32 s2, v6;
	v14 =	vadd.s32 s18, v6;
	v17 =	vadd.s32 s20, v6  }
0x190: {  	s7 =	simm.s32 $0xF;
	v18 =	vadd.s32 s31, v6;
	v11 =	vand.u32 $0xFFFFFF80, v8;
	v12 =	vand.u32 $0x7F, v8  }
0x191: {  	v13 =	vand.u32 $0xFFFFFF80, v9;
	v8 =	vadd.s32 s7, v6;
	v15 =	vand.u32 $0xFFFFFF80, v14  }
0x192: {  	s2 =	simm.s32 $0x7;
	s20 =	simm.s32 $0xE;
	v14 =	vand.u32 $0x7F, v14;
	v19 =	vand.u32 $0xFFFFFF80, v10;
	v10 =	vand.u32 $0x7F, v10  }
0x193: {  	v9 =	vand.u32 $0x7F, v9;
	v21 =	vadd.s32 s2, v6;
	v63 =	vadd.s32 s20, v6  }
0x194: {  	s7 =	simm.s32 $0xB;
	v11 =	vadd.s32 v7, v11;
	v15 =	vadd.s32 v7, v15;
	v19 =	vadd.s32 v7, v19  }
0x195: {  	s15 =	simm.s32 $0x5;
	v13 =	vadd.s32 v7, v13;
	v22 =	vand.u32 $0xFFFFFF80, v21;
	v60 =	vadd.s32 s7, v6  }
0x196: {  	v11 =	vor.u32 v12, v11;
	v12 =	vadd.s32 s15, v6;
	v14 =	vor.u32 v14, v15  }
0x197: {  	s1 =	simm.s32 $0x6;
	v15 =	vand.u32 $0xFFFFFF80, v17;
	v17 =	vand.u32 $0x7F, v17;
	v19 =	vor.u32 v10, v19  }
0x198: {  	v10 =	vadd.s32 s1, v6;
	v13 =	vor.u32 v9, v13;
	v9 =	vand.u32 $0x7F, v21  }
0x199: {  	v23 =	vand.u32 $0x7F, v60;
	v21 =	vand.u32 $0xFFFFFF80, v60;
	v16 =	vand.u32 $0xFFFFFF80, v12  }
0x19a: {  	s15 =	simm.s32 $0xC;
	v12 =	vand.u32 $0x7F, v12;
	v15 =	vadd.s32 v7, v15;
	v20 =	vand.u32 $0xFFFFFF80, v10  }
0x19b: {  	s5 =	simm.s32 $0x9;
	v10 =	vand.u32 $0x7F, v10;
	v62 =	vadd.s32 s15, v6;
	v16 =	vadd.s32 v7, v16  }
0x19c: {  	v20 =	vadd.s32 v7, v20;
	v15 =	vor.u32 v17, v15;
	v17 =	vadd.s32 s5, v6  }
0x19d: {  	v20 =	vor.u32 v10, v20;
	v12 =	vor.u32 v12, v16;
	v10 =	vadd.s32 v7, v22  }
0x19e: {  	v61 =	vand.u32 $0xFFFFFF80, v17;
	v16 =	vor.u32 v9, v10;
	v9 =	vand.u32 $0xFFFFFF80, v18  }
0x19f: {  	s6 =	simm.s32 $0xA;
	v17 =	vand.u32 $0x7F, v17;
	v10 =	vand.u32 $0x7F, v18;
	v9 =	vadd.s32 v7, v9  }
0x1a0: {  	v18 =	vadd.s32 s6, v6;
	[tilespmem:v14+s25+$0x0] =	vst.idx.msk $0xffff, v4;
	v14 =	vadd.s32 v7, v61;
	v9 =	vor.u32 v10, v9  }
0x1a1: {  	v10 =	vand.u32 $0xFFFFFF80, v18;
	v18 =	vand.u32 $0x7F, v18;
	[tilespmem:v11+s25+$0x0] =	vst.idx.msk $0xffff, v4;
	v14 =	vor.u32 v17, v14  }
0x1a2: {  	s31 =	simm.s32 $0xD;
	v11 =	vadd.s32 v7, v10;
	v10 =	vadd.s32 v7, v21;
	[tilespmem:v13+s25+$0x0] =	vst.idx.msk $0xffff, v4;
	v13 =	vand.u32 $0xFFFFFF80, v62  }
0x1a3: {  	v10 =	vor.u32 v23, v10;
	[tilespmem:v19+s25+$0x0] =	vst.idx.msk $0xffff, v4;
	v11 =	vor.u32 v18, v11;
	v18 =	vadd.s32 s31, v6  }
0x1a4: {  	v13 =	vadd.s32 v7, v13;
	v19 =	vand.u32 $0x7F, v62;
	[tilespmem:v15+s25+$0x0] =	vst.idx.msk $0xffff, v4;
	v15 =	vand.u32 $0xFFFFFF80, v18  }
0x1a5: {  	v17 =	vand.u32 $0x7F, v18;
	[tilespmem:v12+s25+$0x0] =	vst.idx.msk $0xffff, v4;
	v12 =	vadd.s32 v7, v15;
	v15 =	vand.u32 $0xFFFFFF80, v63  }
0x1a6: {  	v18 =	vand.u32 $0x7F, v63;
	[tilespmem:v20+s25+$0x0] =	vst.idx.msk $0xffff, v4;
	v12 =	vor.u32 v17, v12;
	v17 =	vadd.s32 v7, v15  }
0x1a7: {  	s20 =	simm.s32 $0x10;
	v15 =	vor.u32 v19, v13;
	[tilespmem:v16+s25+$0x0] =	vst.idx.msk $0xffff, v4;
	v13 =	vor.u32 v18, v17;
	v16 =	vand.u32 $0xFFFFFF80, v8  }
.LBB2_20:
0x1a8: {  	s0 =	sadd.s32 $0x1, s20  }
0x1a9: {  	s1 =	sadd.s32 $0x2, s20;
	s2 =	sadd.s32 $0x3, s20;
	[tilespmem:v9+s25+$0x0] =	vst.idx.msk $0xffff, v4;
	v8 =	vand.u32 $0x7F, v8;
	v9 =	vadd.s32 v7, v16;
	s6 =	smov.u32 s20  }
0x1aa: {  	s15 =	sadd.s32 $0xC, s20;
	v16 =	vadd.s32 s0, v6;
	v17 =	vadd.s32 s1, v6;
	v18 =	vadd.s32 s2, v6;
	s0 =	sadd.s32 $0x5, s20;
	s1 =	sadd.s32 $0x7, s20;
	[tilespmem:v14+s25+$0x0] =	vst.idx.msk $0xffff, v4  }
0x1ab: {  	s31 =	sadd.s32 $0xE, s20;
	s5 =	sadd.s32 $0xF, s20;
	s2 =	sadd.s32 $0x9, s20;
	v9 =	vor.u32 v8, v9;
	v14 =	vand.u32 $0xFFFFFF80, v16;
	v16 =	vand.u32 $0x7F, v16;
	[tilespmem:v11+s25+$0x0] =	vst.idx.msk $0xffff, v4  }
0x1ac: {  	p0 =	slt.u32 s20, $0x30;
	s7 =	sadd.s32 $0x8, s6;
	v8 =	vadd.s32 s5, v6;
	s20 =	sadd.s32 $0x10, s20;
	v11 =	vadd.s32 v7, v14;
	v14 =	vand.u32 $0xFFFFFF80, v17;
	[tilespmem:v10+s25+$0x0] =	vst.idx.msk $0xffff, v4  }
0x1ad: {  	v10 =	vadd.s32 s6, v6;
	v11 =	vor.u32 v16, v11;
	v16 =	vadd.s32 s0, v6;
	[tilespmem:v15+s25+$0x0] =	vst.idx.msk $0xffff, v4  }
0x1ae: {  	v15 =	vand.u32 $0xFFFFFF80, v10;
	v10 =	vand.u32 $0x7F, v10;
	s0 =	sadd.s32 $0x4, s6;
	v19 =	vand.u32 $0xFFFFFF80, v16;
	[tilespmem:v12+s25+$0x0] =	vst.idx.msk $0xffff, v4  }
0x1af: {  	v12 =	vadd.s32 v7, v15;
	v15 =	vadd.s32 s0, v6;
	v16 =	vand.u32 $0x7F, v16;
	[tilespmem:v13+s25+$0x0] =	vst.idx.msk $0xffff, v4  }
0x1b0: {  	v10 =	vor.u32 v10, v12;
	v12 =	vand.u32 $0xFFFFFF80, v15;
	v13 =	vadd.s32 s7, v6;
	[tilespmem:v9+s25+$0x0] =	vst.idx.msk $0xffff, v4  }
0x1b1: {  	v9 =	vand.u32 $0xFFFFFF80, v18;
	v18 =	vand.u32 $0x7F, v18;
	v12 =	vadd.s32 v7, v12  }
0x1b2: {  	v17 =	vand.u32 $0x7F, v17;
	s0 =	sadd.s32 $0x6, s6;
	v15 =	vand.u32 $0x7F, v15;
	v9 =	vadd.s32 v7, v9  }
0x1b3: {  	v14 =	vadd.s32 v7, v14;
	v18 =	vor.u32 v18, v9;
	v9 =	vadd.s32 s0, v6  }
0x1b4: {  	v21 =	vadd.s32 s1, v6;
	v20 =	vand.u32 $0xFFFFFF80, v9;
	v9 =	vand.u32 $0x7F, v9  }
0x1b5: {  	[tilespmem:v10+s25+$0x0] =	vst.idx.msk $0xffff, v4;
	v10 =	vadd.s32 v7, v19;
	v19 =	vadd.s32 v7, v20;
	v20 =	vand.u32 $0xFFFFFF80, v21  }
0x1b6: {  	[tilespmem:v11+s25+$0x0] =	vst.idx.msk $0xffff, v4;
	v11 =	vor.u32 v17, v14;
	v17 =	vor.u32 v9, v19;
	v9 =	vand.u32 $0x7F, v21  }
0x1b7: {  	v12 =	vor.u32 v15, v12;
	v15 =	vor.u32 v16, v10;
	v10 =	vadd.s32 v7, v20  }
0x1b8: {  	s0 =	sadd.s32 $0xA, s6;
	v16 =	vor.u32 v9, v10;
	v9 =	vand.u32 $0xFFFFFF80, v13;
	v10 =	vand.u32 $0x7F, v13  }
0x1b9: {  	v14 =	vadd.s32 s0, v6;
	s0 =	sadd.s32 $0xB, s6;
	v13 =	vadd.s32 s2, v6;
	v9 =	vadd.s32 v7, v9  }
0x1ba: {  	v19 =	vadd.s32 s0, v6;
	v9 =	vor.u32 v10, v9;
	v10 =	vand.u32 $0xFFFFFF80, v14  }
0x1bb: {  	v20 =	vand.u32 $0xFFFFFF80, v13;
	v13 =	vand.u32 $0x7F, v13;
	v21 =	vand.u32 $0x7F, v19  }
0x1bc: {  	v20 =	vadd.s32 v7, v20;
	[tilespmem:v11+s25+$0x0] =	vst.idx.msk $0xffff, v4;
	v11 =	vand.u32 $0x7F, v14;
	v14 =	vand.u32 $0xFFFFFF80, v19  }
0x1bd: {  	v22 =	vadd.s32 s15, v6;
	v19 =	vadd.s32 v7, v10;
	v10 =	vadd.s32 v7, v14  }
0x1be: {  	s0 =	sadd.s32 $0xD, s6;
	v14 =	vand.u32 $0xFFFFFF80, v22;
	v10 =	vor.u32 v21, v10;
	v21 =	vadd.s32 s31, v6  }
.Ltmp13:
0x1bf: {  	v11 =	vor.u32 v11, v19;
	v19 =	vadd.s32 s0, v6;
	[tilespmem:v18+s25+$0x0] =	vst.idx.msk $0xffff, v4;
	v18 =	vadd.s32 v7, v14;
	(pc) =	sbr.rel @p0 .LBB2_20-.Ltmp13, $4  }
0x1c0: {  	v14 =	vor.u32 v13, v20;
	v13 =	vand.u32 $0x7F, v19;
	[tilespmem:v12+s25+$0x0] =	vst.idx.msk $0xffff, v4;
	v12 =	vand.u32 $0xFFFFFF80, v19  }
0x1c1: {  	v19 =	vand.u32 $0x7F, v21;
	[tilespmem:v15+s25+$0x0] =	vst.idx.msk $0xffff, v4;
	v12 =	vadd.s32 v7, v12;
	v15 =	vand.u32 $0xFFFFFF80, v21  }
0x1c2: {  	[tilespmem:v17+s25+$0x0] =	vst.idx.msk $0xffff, v4;
	v17 =	vand.u32 $0x7F, v22;
	v12 =	vor.u32 v13, v12;
	v13 =	vadd.s32 v7, v15  }
0x1c3: {  	[tilespmem:v16+s25+$0x0] =	vst.idx.msk $0xffff, v4;
	v15 =	vor.u32 v17, v18;
	v13 =	vor.u32 v19, v13;
	v16 =	vand.u32 $0xFFFFFF80, v8  }
0x1c4: {  	_ =	sdelay $0x3  }
0x1c5: {  	[tilespmem:v9+s25+$0x0] =	vst.idx.msk $0xffff, v4  }
0x1c6: {  	v6 =	vand.u32 $0x7F, v8;
	v7 =	vadd.s32 v7, v16;
	s19 =	sadd.s32 $0x1, s19;
	[tilespmem:v14+s25+$0x0] =	vst.idx.msk $0xffff, v4  }
0x1c7: {  	v6 =	vor.u32 v6, v7;
	p0 =	sne.s32 s19, $0x4;
	[tilespmem:v11+s25+$0x0] =	vst.idx.msk $0xffff, v4  }
.Ltmp14:
0x1c8: {  	[tilespmem:v10+s25+$0x0] =	vst.idx.msk $0xffff, v4;
	(pc) =	sbr.rel @p0 .LBB2_19-.Ltmp14, $4  }
0x1c9: {  	[tilespmem:v15+s25+$0x0] =	vst.idx.msk $0xffff, v4  }
0x1ca: {  	[tilespmem:v12+s25+$0x0] =	vst.idx.msk $0xffff, v4  }
0x1cb: {  	[tilespmem:v13+s25+$0x0] =	vst.idx.msk $0xffff, v4  }
0x1cc: {  	[tilespmem:v6+s25+$0x0] =	vst.idx.msk $0xffff, v4  }
0x1cd: {  	s0 =	sor.u32 s12, s17  }
0x1ce: {  	s1 =	rddreg [dreg:$0x8];
	s0 =	sshll.u32 s0, $0x4  }
0x1cf: {  	s20 =	rddreg [dreg:$0x9];
	s1 =	sadd.s32 s1, s0  }
0x1d0: {  	[hbm4b:s1+s8] =	stream.linear.scatter [tilespmem:s23], [sflag:$0x4], $0x2000, $0x38;
	[tilespmem:$0x18C00] =	vst v63  }
0x1d1: {  	p0 =	seq.s32 s16, $0x0;
	s1 =	sadd.s32 s20, s0  }
0x1d2: {  	[hbm4b:s1+s8] =	stream.linear.scatter [tilespmem:s25], [sflag:$0x4], $0x2000, $0x38;
	[tilespmem:$0x18C00] =	vst v63  }
.Ltmp15:
0x1d3: {  	_ = 	snop;
	(pc) =	sbr.rel @p0 .LBB2_23-.Ltmp15, $4  }
0x1d4: {  	s31 =	sadd.s32 s9, s0  }
0x1d5: {  	[hbm4b:s31+s8] =	stream.linear.scatter [tilespmem:s28], [sflag:$0x4], $0x2000, $0x38;
	[tilespmem:$0x18C00] =	vst v63  }
0x1d6: {  	s0 =	sadd.s32 s10, s0  }
0x1d7: {  	[hbm4b:s0+s8] =	stream.linear.scatter [tilespmem:s30], [sflag:$0x4], $0x2000, $0x38;
	[tilespmem:$0x18C00] =	vst v63  }
0x1d8: {  	_ =	swait.ge [sflag:s14], $0x2000  }
0x1d9: {  	[sflag:s14] =	ssyncset.done $0x0  }
0x1da: {  	[sflag:s14] =	ssyncadd.s32 $0xFFFFE000  }
0x1db: {  	_ =	swait.ge [sflag:s14], $0x2000  }
0x1dc: {  	[sflag:s14] =	ssyncset.done $0x0  }
0x1dd: {  	[sflag:s14] =	ssyncadd.s32 $0xFFFFE000  }
0x1de: {  	p0 =	seq.s32 s16, $0xF;
	_ =	swait.ge [sflag:s14], $0x2000  }
.Ltmp16:
0x1df: {  	[sflag:s14] =	ssyncset.done $0x0;
	(pc) =	sbr.rel @p0 .LBB2_28-.Ltmp16, $4  }
0x1e0: {  	[sflag:s14] =	ssyncadd.s32 $0xFFFFE000  }
0x1e1: {  	_ =	swait.ge [sflag:s14], $0x2000  }
0x1e2: {  	[sflag:s14] =	ssyncset.done $0x0  }
0x1e3: {  	[sflag:s14] =	ssyncadd.s32 $0xFFFFE000  }
0x1e4: {  	s16 =	sadd.s32 $0x1, s16  }
0x1e5: {  	s0 =	sshll.u32 s16, $0x6  }
0x1e6: {  	s2 =	rddreg [dreg:$0x4];
	s1 =	sadd.s32 $0x8000, s0  }
0x1e7: {  	[tilespmem:s26], [sflag:$0x1] =	stream.indirect.gather [hbm4b:s2+s24], $0x80, s1, s24, $0xb8;
	[tilespmem:$0x18C00] =	vst v63  }
0x1e8: {  	s18 =	rddreg [dreg:$0x5];
	s17 =	sadd.s32 $0x7C00, s0  }
0x1e9: {  	[tilespmem:s29], [sflag:$0x1] =	stream.indirect.gather [hbm4b:s18+s24], $0x80, s17, s24, $0xb8;
	[tilespmem:$0x18C00] =	vst v63  }
.Ltmp17:
0x1ea: {  	_ = 	snop;
	(pc) =	sbr.rel .LBB2_27-.Ltmp17, $4  }
0x1eb: {  	s20 =	simm.s32 $0xCC00;
	s19 =	sadd.s32 $0x7800, s0  }
0x1ec: {  	[tilespmem:s20], [sflag:$0x1] =	stream.indirect.gather [hbm4b:s3+s24], $0x80, s19, s24, $0xb8;
	[tilespmem:$0x18C00] =	vst v63  }
0x1ed: {  	s31 =	simm.s32 $0xEC00;
	s0 =	sadd.s32 $0x7400, s0  }
0x1ee: {  	[tilespmem:s31], [sflag:$0x1] =	stream.indirect.gather [hbm4b:s4+s24], $0x80, s0, s24, $0xb8;
	[tilespmem:$0x18C00] =	vst v63  }
.LBB2_29:
0x1ef: {  	_ =	sfence.sel $0x180000  }
0x1f0: {  	[bflag:$0x0] =	sbarrier.arrive $0xFFFF  }
0x1f1: {  	_ =	strace $0x90000047  }
0x1f2: {  	s0 =	stileid.u32;
	[bflag:$0x2] =	sbarrier.arrive $0xFFFF  }
0x1f3: {  	p0 =	sne.s32 s0, $0x0;
	s0 =	rddreg [dreg:$0xb]  }
0x1f4: {  	s0 =	sadd.s32 @!p0 $0x100000, s0  }
0x1f5: {  	[sflag:s0] =	ssyncadd.tile.s32 @!p0 $0x1;
	_ =	shalt  }
.Lfunc_end2:
_tile_overlayer_lowered:
.L_overlay_start_2:
0x1f6: {  	(tag) =	ssettag $0x2  }
0x1f7: {  	s0 =	rddreg [dreg:$0x0];
	s2 =	stileid.u32  }
0x1f8: {  	s1 =	rddreg [dreg:$0x1];
	p0 =	sne.s32 s2, $0x0  }
0x1f9: {  	s3 =	rddreg [dreg:$0x2];
	[bflag:$0x3] =	sbarrier.arrive $0xFFFF;
	s2 =	simm.s32 @!p0 $0x1C05  }
0x1fa: {  	[timem:s3], [sflag:s2] =	dma.local @!p0 [hbm:s0], s1  }
0x1fb: {  	s0 =	simm.s32 @!p0 $0x5  }
0x1fc: {  	_ =	swait.ge @!p0 [sflag:s0], s1  }
0x1fd: {  	s1 =	ssub.s32 @!p0 $0x0, s1;
	[sflag:s0] =	ssyncset.done @!p0 $0x0  }
0x1fe: {  	[sflag:s0] =	ssyncadd.s32 @!p0 s1  }
0x1ff: {  	[bflag:$0x3] =	sbarrier.arrive $0xFFFF  }
0x200: {  	_ =	shalt  }

</sc_bundles>
